<compile_context>
chip_gen: v7x
topology: tpu7x:2x2x1
jax: 0.10.2.dev20260603
libtpu: 0.0.44.dev20260713+nightly
codegen_flags: <defaults>
</compile_context>

<pallas_src>
import functools

import jax
import jax.numpy as jnp
from jax import lax
from jax.experimental import pallas as pl
from jax.experimental.pallas import tpu as pltpu
from jax.experimental.pallas import tpu_sc as plsc

NA = 2048
NP = 65536
D = 64
K = 3
NC = 2
NS = 16
NW = NC * NS
PPW = NP // NW
S = 128
NSUB = PPW // S
FLAT = K * NA
STRIPE = FLAT // NS


def _dense_body(x_ref, w1_ref, b1_ref, wl_ref, bl_ref, g_ref, e_ref):
    x = x_ref[...]
    w1 = w1_ref[...]
    wl = wl_ref[...]
    e_pa = jnp.tanh(x * w1 + b1_ref[...])
    g_ref[...] = (e_pa * e_pa - 1.0) * (w1 * wl)
    e_ref[0, 0] = jnp.sum(e_pa * wl) / float(NA) + bl_ref[0, 0]


def _dense_call(x, w1, b1, wl, bl):
    return pl.pallas_call(
        _dense_body,
        out_shape=[
            jax.ShapeDtypeStruct((NA, D), jnp.float32),
            jax.ShapeDtypeStruct((1, 1), jnp.float32),
        ],
        in_specs=[
            pl.BlockSpec(memory_space=pltpu.VMEM),
            pl.BlockSpec(memory_space=pltpu.VMEM),
            pl.BlockSpec(memory_space=pltpu.VMEM),
            pl.BlockSpec(memory_space=pltpu.VMEM),
            pl.BlockSpec(memory_space=pltpu.SMEM),
        ],
        out_specs=[
            pl.BlockSpec(memory_space=pltpu.VMEM),
            pl.BlockSpec(memory_space=pltpu.SMEM),
        ],
    )(x, w1, b1, wl, bl)


_mesh = plsc.VectorSubcoreMesh(core_axis_name="c", subcore_axis_name="s")


@functools.partial(
    pl.kernel,
    out_type=jax.ShapeDtypeStruct((NC, FLAT), jnp.float32),
    mesh=_mesh,
    compiler_params=pltpu.CompilerParams(
        needs_layout_passes=False, use_tc_tiling_on_sc=False),
    scratch_types=[
        pltpu.VMEM((NSUB, S), jnp.int32),
        pltpu.VMEM((NSUB, S), jnp.int32),
        pltpu.VMEM((2, S, D), jnp.float32),
        pltpu.VMEM((2, K * D // 8, 8, S), jnp.float32),
        pltpu.VMEM((FLAT,), jnp.float32),
        pltpu.VMEM((STRIPE,), jnp.float32),
        pltpu.VMEM((STRIPE,), jnp.float32),
        pltpu.VMEM_SHARED((NS, FLAT), jnp.float32),
        pltpu.VMEM_SHARED((NA, D), jnp.float32),
        pltpu.SemaphoreType.DMA,
        [pltpu.SemaphoreType.DMA] * 2,
        [pltpu.SemaphoreType.DMA] * 2,
    ],
)
def _sc_pairs(g_hbm, cd_hbm, cen_hbm, nei_hbm, out_hbm,
              cidx, nidx, grows, cds, acc, stmp, sred, shared, g_sh,
              sem_i, sem_g, sem_cd):
    c = lax.axis_index("c")
    s = lax.axis_index("s")
    wid = s * NC + c
    iota = lax.iota(jnp.int32, 16)
    masks = [iota == j for j in range(16)]
    zeros16 = jnp.zeros((16,), jnp.float32)

    base0 = wid * PPW

    pltpu.async_copy(cen_hbm.at[wid], cidx, sem_i)
    pltpu.async_copy(nei_hbm.at[wid], nidx, sem_i)

    @pl.when(s == 0)
    def _():
        pltpu.sync_copy(g_hbm, g_sh)

    def _zero(i, carry):
        acc[pl.ds(i * 16, 16)] = zeros16
        return carry
    lax.fori_loop(0, FLAT // 16, _zero, 0)

    plsc.subcore_barrier()
    pltpu.make_async_copy(cen_hbm.at[wid], cidx, sem_i).wait()
    pltpu.make_async_copy(nei_hbm.at[wid], nidx, sem_i).wait()

    def _issue_data(sub, dslot):
        blk = wid * NSUB + sub
        pltpu.async_copy(g_sh.at[cidx.at[sub]], grows.at[dslot], sem_g[dslot])
        pltpu.async_copy(cd_hbm.at[:, blk], cds.at[dslot], sem_cd[dslot])

    def _wait_data(sub, dslot):
        blk = wid * NSUB + sub
        pltpu.make_async_copy(
            g_sh.at[cidx.at[sub]], grows.at[dslot], sem_g[dslot]).wait()
        pltpu.make_async_copy(
            cd_hbm.at[:, blk], cds.at[dslot], sem_cd[dslot]).wait()

    def _compute(sub, dslot):
        gview = grows.at[dslot]

        def _batch(b, carry):
            nvec = nidx[sub, pl.ds(b * 16, 16)]
            rowvec = b * 16 + iota

            def _dchunk(i, accs):
                colb = jnp.full((16,), 16, jnp.int32) * i
                accs = list(accs)
                for dd in range(16):
                    gv = plsc.load_gather(gview, [rowvec, colb + dd])
                    for k in range(K):
                        a = 2 * k + (dd & 1)
                        accs[a] = accs[a] + gv * cds[dslot,
                                                     k * 8 + 2 * i + (dd >> 3),
                                                     dd & 7,
                                                     pl.ds(b * 16, 16)]
                return tuple(accs)

            accs = lax.fori_loop(0, D // 16, _dchunk, (zeros16,) * (2 * K))
            for k in range(K):
                fk = accs[2 * k] + accs[2 * k + 1]
                sidx = nvec + (k * NA)
                for j in range(16):
                    plsc.addupdate_scatter(acc, [sidx], fk, mask=masks[j])
            return carry
        lax.fori_loop(0, S // 16, _batch, 0)

    _issue_data(0, 0)

    def _outer(h, carry):
        for u in range(2):
            sub = h * 2 + u

            @pl.when(sub + 1 < NSUB)
            def _():
                _issue_data(sub + 1, (u + 1) & 1)

            _wait_data(sub, u)
            _compute(sub, u)
        return carry
    lax.fori_loop(0, NSUB // 2, _outer, 0)

    pltpu.sync_copy(acc, shared.at[s])
    plsc.subcore_barrier()

    def _zero2(i, carry):
        sred[pl.ds(i * 16, 16)] = zeros16
        return carry
    lax.fori_loop(0, STRIPE // 16, _zero2, 0)

    def _red(w, carry):
        pltpu.sync_copy(shared.at[w, pl.ds(s * STRIPE, STRIPE)], stmp)

        def _addv(i, carry2):
            sred[pl.ds(i * 16, 16)] = sred[pl.ds(i * 16, 16)] + stmp[pl.ds(i * 16, 16)]
            return carry2
        lax.fori_loop(0, STRIPE // 16, _addv, 0)
        return carry
    lax.fori_loop(0, NS, _red, 0)

    pltpu.sync_copy(sred, out_hbm.at[c, pl.ds(s * STRIPE, STRIPE)])


def kernel(coeffs, coeffs_derivs, central_atom_index, neigh_atom_index,
           w1, b1, w_last, b_last):
    x = coeffs.reshape(NA, D)
    cdt = (coeffs_derivs.reshape(K, NP // S, S, D // 8, 8)
           .transpose(0, 3, 1, 4, 2)
           .reshape(K * D // 8, NP // S, 8, S))
    g_arr, e_arr = _dense_call(
        x,
        w1.reshape(1, D),
        b1.reshape(1, D),
        w_last.reshape(1, D),
        b_last.reshape(1, 1),
    )
    cen = central_atom_index.astype(jnp.int32).reshape(NW, NSUB, S)
    nei = neigh_atom_index.astype(jnp.int32).reshape(NW, NSUB, S)
    parts = _sc_pairs(g_arr, cdt, cen, nei)
    out_f = (parts[0] + parts[1]).reshape(1, K, NA)
    e_out = e_arr.reshape(1)
    return (e_out, out_f)

# --- scband reference (transcript-rebuilt; emitter-appended) ---
"""Pipeline reference for scband-net-1975684956437 (READ-ONLY COPY).

The authoritative reference and input builder live on the scoring server;
editing this copy changes nothing except your own understanding.
"""

import jax, jax.numpy as jnp
import numpy as np

NUM_ATOMS = 2048
NUM_PAIRS = 65536
D = 64


def setup_inputs(seed: int = 0) -> dict:
    key = jax.random.key(seed)
    k1, k2, k3, k4, k5, k6 = jax.random.split(key, 6)
    coeffs = jax.random.normal(k1, (1, NUM_ATOMS, D), dtype=jnp.float32)
    coeffs_derivs = jax.random.normal(k2, (1, 3, NUM_PAIRS, D), dtype=jnp.float32)
    central_atom_index = jax.random.randint(k3, (NUM_PAIRS,), 0, NUM_ATOMS)
    neigh_atom_index = jax.random.randint(k4, (NUM_PAIRS,), 0, NUM_ATOMS)
    stdv = float(np.sqrt(6.0 / 3.0))
    w1 = jax.random.uniform(k5, (D,), minval=-stdv, maxval=stdv, dtype=jnp.float32)
    b1 = jnp.zeros((D,), dtype=jnp.float32)
    w_last = jax.random.uniform(k6, (D,), minval=-stdv, maxval=stdv, dtype=jnp.float32)
    b_last = jnp.zeros((1,), dtype=jnp.float32)
    return {
        "coeffs": coeffs,
        "coeffs_derivs": coeffs_derivs,
        "central_atom_index": central_atom_index,
        "neigh_atom_index": neigh_atom_index,
        "w1": w1,
        "b1": b1,
        "w_last": w_last,
        "b_last": b_last,
    }


def reference(coeffs, coeffs_derivs, central_atom_index, neigh_atom_index, w1, b1, w_last, b_last):
    num_atoms = coeffs.shape[1]
    # single intermediate layer (len(intermediate_weights) == 1)
    e_pa = jnp.tanh(coeffs * w1 + b1)                       # [1, num_atoms, D]
    dfdw = 1.0 - e_pa ** 2                                  # [1, num_atoms, D]
    gathered = jnp.take(dfdw, central_atom_index, axis=1)   # [1, P, D] gather by central atom
    f = gathered[:, None, :, :] * (coeffs_derivs * w1)      # [1, 3, P, D]
    e_out = jnp.sum(e_pa * w_last) / num_atoms + b_last     # [1]
    f = -jnp.sum(f * w_last, axis=3)                        # [1, 3, P]
    # per-atom force accumulation: scatter-add over neighbor index (segment reduce)
    out_f = jnp.zeros((1, 3, num_atoms), dtype=f.dtype).at[:, :, neigh_atom_index].add(f)
    return (e_out, out_f)

if __name__ == "__main__":
    import jax
    _d = setup_inputs()
    print(jax.jit(kernel)(*tuple(_d.values())))

</pallas_src>

<mosaic_0001>
#map = affine_map<(d0, d1) -> (0, 0)>
#map1 = affine_map<(d0, d1) -> (0, 0, 0, 0)>
#map2 = affine_map<(d0, d1) -> (0, 0, 0)>
module attributes {stable_mosaic.version = 14 : i64} {
  func.func @_sc_pairs(%arg0: i32, %arg1: i32, %arg2: memref<2048x64xf32, #tpu.memory_space<hbm>>, %arg3: memref<24x512x8x128xf32, #tpu.memory_space<hbm>>, %arg4: memref<32x16x128xi32, #tpu.memory_space<hbm>>, %arg5: memref<32x16x128xi32, #tpu.memory_space<hbm>>, %arg6: memref<2x6144xf32, #tpu.memory_space<hbm>>, %arg7: memref<16x128xi32, #tpu.memory_space<vmem>>, %arg8: memref<16x128xi32, #tpu.memory_space<vmem>>, %arg9: memref<2x128x64xf32, #tpu.memory_space<vmem>>, %arg10: memref<2x24x8x128xf32, #tpu.memory_space<vmem>>, %arg11: memref<6144xf32, #tpu.memory_space<vmem>>, %arg12: memref<384xf32, #tpu.memory_space<vmem>>, %arg13: memref<384xf32, #tpu.memory_space<vmem>>, %arg14: memref<16x6144xf32, #tpu.memory_space<vmem_shared>>, %arg15: memref<2048x64xf32, #tpu.memory_space<vmem_shared>>, %arg16: memref<!tpu.dma_semaphore, #tpu.memory_space<semaphore_mem>>, %arg17: memref<!tpu.dma_semaphore, #tpu.memory_space<semaphore_mem>>, %arg18: memref<!tpu.dma_semaphore, #tpu.memory_space<semaphore_mem>>, %arg19: memref<!tpu.dma_semaphore, #tpu.memory_space<semaphore_mem>>, %arg20: memref<!tpu.dma_semaphore, #tpu.memory_space<semaphore_mem>>) attributes {dimension_semantics = [#tpu.dimension_semantics<core_parallel>, #tpu.dimension_semantics<subcore_parallel>], iteration_bounds = array<i64: 2, 16>, scalar_prefetch = 0 : i64, scratch_operands = 14 : i64, tpu.core_type = #tpu.core_type<sc_vector_subcore>, window_params = [{transform_indices = #map}, {transform_indices = #map1}, {transform_indices = #map2}, {transform_indices = #map2}, {transform_indices = #map}]} {
    %mul3A = arith.constant 2 : i32
    %mul3A_0 = arith.muli %arg1, %mul3A : i32
    %add3A = arith.addi %mul3A_0, %arg0 : i32
    %iota3A = tpu.iota {dimensions = array<i32: 0>} : vector<16xi32>
    %eq3A = arith.constant 0 : i32
    %eq3A_1 = vector.broadcast %eq3A : i32 to vector<16xi32>
    %eq3A_2 = arith.cmpi eq, %iota3A, %eq3A_1 : vector<16xi32>
    %eq3A_3 = arith.constant 1 : i32
    %eq3A_4 = vector.broadcast %eq3A_3 : i32 to vector<16xi32>
    %eq3A_5 = arith.cmpi eq, %iota3A, %eq3A_4 : vector<16xi32>
    %eq3A_6 = arith.constant 2 : i32
    %eq3A_7 = vector.broadcast %eq3A_6 : i32 to vector<16xi32>
    %eq3A_8 = arith.cmpi eq, %iota3A, %eq3A_7 : vector<16xi32>
    %eq3A_9 = arith.constant 3 : i32
    %eq3A_10 = vector.broadcast %eq3A_9 : i32 to vector<16xi32>
    %eq3A_11 = arith.cmpi eq, %iota3A, %eq3A_10 : vector<16xi32>
    %eq3A_12 = arith.constant 4 : i32
    %eq3A_13 = vector.broadcast %eq3A_12 : i32 to vector<16xi32>
    %eq3A_14 = arith.cmpi eq, %iota3A, %eq3A_13 : vector<16xi32>
    %eq3A_15 = arith.constant 5 : i32
    %eq3A_16 = vector.broadcast %eq3A_15 : i32 to vector<16xi32>
    %eq3A_17 = arith.cmpi eq, %iota3A, %eq3A_16 : vector<16xi32>
    %eq3A_18 = arith.constant 6 : i32
    %eq3A_19 = vector.broadcast %eq3A_18 : i32 to vector<16xi32>
    %eq3A_20 = arith.cmpi eq, %iota3A, %eq3A_19 : vector<16xi32>
    %eq3A_21 = arith.constant 7 : i32
    %eq3A_22 = vector.broadcast %eq3A_21 : i32 to vector<16xi32>
    %eq3A_23 = arith.cmpi eq, %iota3A, %eq3A_22 : vector<16xi32>
    %eq3A_24 = arith.constant 8 : i32
    %eq3A_25 = vector.broadcast %eq3A_24 : i32 to vector<16xi32>
    %eq3A_26 = arith.cmpi eq, %iota3A, %eq3A_25 : vector<16xi32>
    %eq3A_27 = arith.constant 9 : i32
    %eq3A_28 = vector.broadcast %eq3A_27 : i32 to vector<16xi32>
    %eq3A_29 = arith.cmpi eq, %iota3A, %eq3A_28 : vector<16xi32>
    %eq3A_30 = arith.constant 10 : i32
    %eq3A_31 = vector.broadcast %eq3A_30 : i32 to vector<16xi32>
    %eq3A_32 = arith.cmpi eq, %iota3A, %eq3A_31 : vector<16xi32>
    %eq3A_33 = arith.constant 11 : i32
    %eq3A_34 = vector.broadcast %eq3A_33 : i32 to vector<16xi32>
    %eq3A_35 = arith.cmpi eq, %iota3A, %eq3A_34 : vector<16xi32>
    %eq3A_36 = arith.constant 12 : i32
    %eq3A_37 = vector.broadcast %eq3A_36 : i32 to vector<16xi32>
    %eq3A_38 = arith.cmpi eq, %iota3A, %eq3A_37 : vector<16xi32>
    %eq3A_39 = arith.constant 13 : i32
    %eq3A_40 = vector.broadcast %eq3A_39 : i32 to vector<16xi32>
    %eq3A_41 = arith.cmpi eq, %iota3A, %eq3A_40 : vector<16xi32>
    %eq3A_42 = arith.constant 14 : i32
    %eq3A_43 = vector.broadcast %eq3A_42 : i32 to vector<16xi32>
    %eq3A_44 = arith.cmpi eq, %iota3A, %eq3A_43 : vector<16xi32>
    %eq3A_45 = arith.constant 15 : i32
    %eq3A_46 = vector.broadcast %eq3A_45 : i32 to vector<16xi32>
    %eq3A_47 = arith.cmpi eq, %iota3A, %eq3A_46 : vector<16xi32>
    %broadcast_in_dim3A = arith.constant 0.000000e+00 : f32
    %broadcast_in_dim3A_48 = vector.broadcast %broadcast_in_dim3A : f32 to vector<16xf32>
    %mul3A_49 = arith.constant 2048 : i32
    %mul3A_50 = arith.muli %add3A, %mul3A_49 : i32
    %dma_start3A = arith.constant 0 : i32
    %dma_start3A_51 = arith.constant 0 : i32
    %dma_start3A_52 = tpu.memref_slice %arg4[%add3A, %dma_start3A, %dma_start3A_51] : memref<32x16x128xi32, #tpu.memory_space<hbm>> -> memref<1x16x128xi32, #tpu.memory_space<hbm>>
    %dma_start3A_53 = tpu.memref_squeeze %dma_start3A_52 : memref<1x16x128xi32, #tpu.memory_space<hbm>> -> memref<16x128xi32, #tpu.memory_space<hbm>>
    %dma_start3A_54 = arith.constant 0 : i32
    %dma_start3A_55 = arith.constant 0 : i32
    %dma_start3A_56 = tpu.memref_slice %arg4[%add3A, %dma_start3A_54, %dma_start3A_55] : memref<32x16x128xi32, #tpu.memory_space<hbm>> -> memref<1x16x128xi32, #tpu.memory_space<hbm>>
    %dma_start3A_57 = tpu.memref_squeeze %dma_start3A_56 : memref<1x16x128xi32, #tpu.memory_space<hbm>> -> memref<16x128xi32, #tpu.memory_space<hbm>>
    tpu.enqueue_dma source(%dma_start3A_57 : memref<16x128xi32, #tpu.memory_space<hbm>>) target(%arg7 : memref<16x128xi32, #tpu.memory_space<vmem>>) target_semaphore(%arg16 : memref<!tpu.dma_semaphore, #tpu.memory_space<semaphore_mem>>)
    %dma_start3A_58 = arith.constant 0 : i32
    %dma_start3A_59 = arith.constant 0 : i32
    %dma_start3A_60 = tpu.memref_slice %arg5[%add3A, %dma_start3A_58, %dma_start3A_59] : memref<32x16x128xi32, #tpu.memory_space<hbm>> -> memref<1x16x128xi32, #tpu.memory_space<hbm>>
    %dma_start3A_61 = tpu.memref_squeeze %dma_start3A_60 : memref<1x16x128xi32, #tpu.memory_space<hbm>> -> memref<16x128xi32, #tpu.memory_space<hbm>>
    %dma_start3A_62 = arith.constant 0 : i32
    %dma_start3A_63 = arith.constant 0 : i32
    %dma_start3A_64 = tpu.memref_slice %arg5[%add3A, %dma_start3A_62, %dma_start3A_63] : memref<32x16x128xi32, #tpu.memory_space<hbm>> -> memref<1x16x128xi32, #tpu.memory_space<hbm>>
    %dma_start3A_65 = tpu.memref_squeeze %dma_start3A_64 : memref<1x16x128xi32, #tpu.memory_space<hbm>> -> memref<16x128xi32, #tpu.memory_space<hbm>>
    tpu.enqueue_dma source(%dma_start3A_65 : memref<16x128xi32, #tpu.memory_space<hbm>>) target(%arg8 : memref<16x128xi32, #tpu.memory_space<vmem>>) target_semaphore(%arg16 : memref<!tpu.dma_semaphore, #tpu.memory_space<semaphore_mem>>)
    %eq3A_66 = arith.constant 0 : i32
    %eq3A_67 = arith.cmpi eq, %arg1, %eq3A_66 : i32
    %convert_element_type3A = arith.extui %eq3A_67 : i1 to i32
    %cond3A = arith.constant 0 : i32
    %cond3A_68 = arith.cmpi ne, %convert_element_type3A, %cond3A : i32
    scf.if %cond3A_68 {
      "tpu.region"() ({
        %run_scoped3A = tpu.sem_alloc : memref<!tpu.dma_semaphore, #tpu.memory_space<semaphore_mem>>
        tpu.enqueue_dma source(%arg2 : memref<2048x64xf32, #tpu.memory_space<hbm>>) target(%arg15 : memref<2048x64xf32, #tpu.memory_space<vmem_shared>>) target_semaphore(%run_scoped3A : memref<!tpu.dma_semaphore, #tpu.memory_space<semaphore_mem>>)
        tpu.wait_dma2 semaphore(%run_scoped3A : memref<!tpu.dma_semaphore, #tpu.memory_space<semaphore_mem>>) src(%arg2 : memref<2048x64xf32, #tpu.memory_space<hbm>>) dst(%arg15 : memref<2048x64xf32, #tpu.memory_space<vmem_shared>>)
        tpu.yield
      }) : () -> ()
    } else {
    }
    %scan3A = arith.constant 0 : i32
    %scan3A_69 = arith.constant 0 : i32
    %scan3A_70 = arith.constant 384 : i32
    %scan3A_71 = arith.addi %scan3A_69, %scan3A_70 : i32
    %scan3A_72 = arith.constant 1 : i32
    scf.for %scan3A_147 = %scan3A_69 to %scan3A_71 step %scan3A_72  : i32 {
      %mul3A_148 = arith.constant 16 : i32
      %mul3A_149 = arith.muli %scan3A_147, %mul3A_148 : i32
      %swap3A = arith.index_cast %mul3A_149 : i32 to index
      %swap3A_150 = tpu.vector_load %arg11[%swap3A] {strides = array<i32>} : memref<6144xf32, #tpu.memory_space<vmem>>, vector<16xf32>,
      tpu.vector_store %arg11[%swap3A], %broadcast_in_dim3A_48 {strides = array<i32>} : memref<6144xf32, #tpu.memory_space<vmem>>, vector<16xf32>,
    }
    %scan3A_73 = arith.constant 384 : i32
    %barrier3A = arith.constant 0 : index
    tpu.barrier barrier_id(%barrier3A)
    %dma_wait3A = arith.constant 0 : i32
    %dma_wait3A_74 = arith.constant 0 : i32
    %dma_wait3A_75 = tpu.memref_slice %arg4[%add3A, %dma_wait3A, %dma_wait3A_74] : memref<32x16x128xi32, #tpu.memory_space<hbm>> -> memref<1x16x128xi32, #tpu.memory_space<hbm>>
    %dma_wait3A_76 = tpu.memref_squeeze %dma_wait3A_75 : memref<1x16x128xi32, #tpu.memory_space<hbm>> -> memref<16x128xi32, #tpu.memory_space<hbm>>
    %dma_wait3A_77 = arith.constant 0 : i32
    %dma_wait3A_78 = arith.constant 0 : i32
    %dma_wait3A_79 = tpu.memref_slice %arg4[%add3A, %dma_wait3A_77, %dma_wait3A_78] : memref<32x16x128xi32, #tpu.memory_space<hbm>> -> memref<1x16x128xi32, #tpu.memory_space<hbm>>
    %dma_wait3A_80 = tpu.memref_squeeze %dma_wait3A_79 : memref<1x16x128xi32, #tpu.memory_space<hbm>> -> memref<16x128xi32, #tpu.memory_space<hbm>>
    tpu.wait_dma2 semaphore(%arg16 : memref<!tpu.dma_semaphore, #tpu.memory_space<semaphore_mem>>) src(%dma_wait3A_80 : memref<16x128xi32, #tpu.memory_space<hbm>>) dst(%arg7 : memref<16x128xi32, #tpu.memory_space<vmem>>)
    %dma_wait3A_81 = arith.constant 0 : i32
    %dma_wait3A_82 = arith.constant 0 : i32
    %dma_wait3A_83 = tpu.memref_slice %arg5[%add3A, %dma_wait3A_81, %dma_wait3A_82] : memref<32x16x128xi32, #tpu.memory_space<hbm>> -> memref<1x16x128xi32, #tpu.memory_space<hbm>>
    %dma_wait3A_84 = tpu.memref_squeeze %dma_wait3A_83 : memref<1x16x128xi32, #tpu.memory_space<hbm>> -> memref<16x128xi32, #tpu.memory_space<hbm>>
    %dma_wait3A_85 = arith.constant 0 : i32
    %dma_wait3A_86 = arith.constant 0 : i32
    %dma_wait3A_87 = tpu.memref_slice %arg5[%add3A, %dma_wait3A_85, %dma_wait3A_86] : memref<32x16x128xi32, #tpu.memory_space<hbm>> -> memref<1x16x128xi32, #tpu.memory_space<hbm>>
    %dma_wait3A_88 = tpu.memref_squeeze %dma_wait3A_87 : memref<1x16x128xi32, #tpu.memory_space<hbm>> -> memref<16x128xi32, #tpu.memory_space<hbm>>
    tpu.wait_dma2 semaphore(%arg16 : memref<!tpu.dma_semaphore, #tpu.memory_space<semaphore_mem>>) src(%dma_wait3A_88 : memref<16x128xi32, #tpu.memory_space<hbm>>) dst(%arg8 : memref<16x128xi32, #tpu.memory_space<vmem>>)
    %mul3A_89 = arith.constant 16 : i32
    %mul3A_90 = arith.muli %add3A, %mul3A_89 : i32
    %add3A_91 = arith.constant 0 : i32
    %add3A_92 = arith.addi %mul3A_90, %add3A_91 : i32
    %dma_start3A_93 = arith.constant 0 : i32
    %dma_start3A_94 = arith.constant 0 : i32
    %dma_start3A_95 = arith.constant 0 : i32
    %dma_start3A_96 = arith.constant 0 : i32
    %dma_start3A_97 = tpu.memref_slice %arg9[%dma_start3A_94, %dma_start3A_95, %dma_start3A_96] : memref<2x128x64xf32, #tpu.memory_space<vmem>> -> memref<1x128x64xf32, #tpu.memory_space<vmem>>
    %dma_start3A_98 = tpu.memref_squeeze %dma_start3A_97 : memref<1x128x64xf32, #tpu.memory_space<vmem>> -> memref<128x64xf32, #tpu.memory_space<vmem>>
    %dma_start3A_99 = arith.constant 0 : i32
    %dma_start3A_100 = tpu.memref_slice %arg7[%dma_start3A_93, %dma_start3A_99] : memref<16x128xi32, #tpu.memory_space<vmem>> -> memref<1x128xi32, #tpu.memory_space<vmem>>
    %dma_start3A_101 = tpu.memref_squeeze %dma_start3A_100 : memref<1x128xi32, #tpu.memory_space<vmem>> -> memref<128xi32, #tpu.memory_space<vmem>>
    %dma_start3A_102 = arith.constant 0 : i32
    %dma_start3A_103 = arith.constant 0 : i32
    %dma_start3A_104 = tpu.memref_slice %arg15[%dma_start3A_102, %dma_start3A_103] : memref<2048x64xf32, #tpu.memory_space<vmem_shared>> -> memref<2048x64xf32, #tpu.memory_space<vmem_shared>>
    tpu.enqueue_indirect_dma source(%dma_start3A_104 : memref<2048x64xf32, #tpu.memory_space<vmem_shared>>) target(%dma_start3A_98 : memref<128x64xf32, #tpu.memory_space<vmem>>) offsets(%dma_start3A_101 : memref<128xi32, #tpu.memory_space<vmem>>) semaphore(%arg17 : memref<!tpu.dma_semaphore, #tpu.memory_space<semaphore_mem>>)
    %dma_start3A_105 = arith.constant 0 : i32
    %dma_start3A_106 = arith.constant 0 : i32
    %dma_start3A_107 = arith.constant 0 : i32
    %dma_start3A_108 = arith.constant 0 : i32
    %dma_start3A_109 = tpu.memref_slice %arg10[%dma_start3A_105, %dma_start3A_106, %dma_start3A_107, %dma_start3A_108] : memref<2x24x8x128xf32, #tpu.memory_space<vmem>> -> memref<1x24x8x128xf32, #tpu.memory_space<vmem>>
    %dma_start3A_110 = tpu.memref_squeeze %dma_start3A_109 : memref<1x24x8x128xf32, #tpu.memory_space<vmem>> -> memref<24x8x128xf32, #tpu.memory_space<vmem>>
    %dma_start3A_111 = arith.constant 0 : i32
    %dma_start3A_112 = arith.constant 0 : i32
    %dma_start3A_113 = arith.constant 0 : i32
    %dma_start3A_114 = tpu.memref_slice %arg3[%dma_start3A_111, %add3A_92, %dma_start3A_112, %dma_start3A_113] : memref<24x512x8x128xf32, #tpu.memory_space<hbm>> -> memref<24x1x8x128xf32, #tpu.memory_space<hbm>>
    %dma_start3A_115 = tpu.memref_squeeze %dma_start3A_114 : memref<24x1x8x128xf32, #tpu.memory_space<hbm>> -> memref<24x8x128xf32, #tpu.memory_space<hbm>>
    %dma_start3A_116 = arith.constant 0 : i32
    %dma_start3A_117 = arith.constant 0 : i32
    %dma_start3A_118 = arith.constant 0 : i32
    %dma_start3A_119 = tpu.memref_slice %arg10[%dma_start3A_105, %dma_start3A_116, %dma_start3A_117, %dma_start3A_118] : memref<2x24x8x128xf32, #tpu.memory_space<vmem>> -> memref<1x24x8x128xf32, #tpu.memory_space<vmem>>
    %dma_start3A_120 = tpu.memref_squeeze %dma_start3A_119 : memref<1x24x8x128xf32, #tpu.memory_space<vmem>> -> memref<24x8x128xf32, #tpu.memory_space<vmem>>
    %dma_start3A_121 = arith.constant 0 : i32
    %dma_start3A_122 = arith.constant 0 : i32
    %dma_start3A_123 = arith.constant 0 : i32
    %dma_start3A_124 = tpu.memref_slice %arg3[%dma_start3A_121, %add3A_92, %dma_start3A_122, %dma_start3A_123] : memref<24x512x8x128xf32, #tpu.memory_space<hbm>> -> memref<24x1x8x128xf32, #tpu.memory_space<hbm>>
    %dma_start3A_125 = tpu.memref_squeeze %dma_start3A_124 : memref<24x1x8x128xf32, #tpu.memory_space<hbm>> -> memref<24x8x128xf32, #tpu.memory_space<hbm>>
    tpu.enqueue_dma source(%dma_start3A_125 : memref<24x8x128xf32, #tpu.memory_space<hbm>>) target(%dma_start3A_120 : memref<24x8x128xf32, #tpu.memory_space<vmem>>) target_semaphore(%arg19 : memref<!tpu.dma_semaphore, #tpu.memory_space<semaphore_mem>>)
    %scan3A_126 = arith.constant 0 : i32
    %scan3A_127 = arith.constant 0 : i32
    %scan3A_128 = arith.constant 8 : i32
    %scan3A_129 = arith.addi %scan3A_127, %scan3A_128 : i32
    %scan3A_130 = arith.constant 1 : i32
    scf.for %scan3A_147 = %scan3A_127 to %scan3A_129 step %scan3A_130  : i32 {
      %mul3A_148 = arith.constant 2 : i32
      %mul3A_149 = arith.muli %scan3A_147, %mul3A_148 : i32
      %add3A_150 = arith.constant 0 : i32
      %add3A_151 = arith.addi %mul3A_149, %add3A_150 : i32
      %add3A_152 = arith.constant 1 : i32
      %add3A_153 = arith.addi %add3A_151, %add3A_152 : i32
      %lt3A = arith.constant 16 : i32
      %lt3A_154 = arith.cmpi slt, %add3A_153, %lt3A : i32
      %convert_element_type3A_155 = arith.extui %lt3A_154 : i1 to i32
      %cond3A_156 = arith.constant 0 : i32
      %cond3A_157 = arith.cmpi ne, %convert_element_type3A_155, %cond3A_156 : i32
      scf.if %cond3A_157 {
        %add3A_253 = arith.constant 1 : i32
        %add3A_254 = arith.addi %add3A_151, %add3A_253 : i32
        %mul3A_255 = arith.constant 16 : i32
        %mul3A_256 = arith.muli %add3A, %mul3A_255 : i32
        %add3A_257 = arith.addi %mul3A_256, %add3A_254 : i32
        %dma_start3A_258 = arith.constant 1 : i32
        %dma_start3A_259 = arith.constant 0 : i32
        %dma_start3A_260 = arith.constant 0 : i32
        %dma_start3A_261 = tpu.memref_slice %arg9[%dma_start3A_258, %dma_start3A_259, %dma_start3A_260] : memref<2x128x64xf32, #tpu.memory_space<vmem>> -> memref<1x128x64xf32, #tpu.memory_space<vmem>>
        %dma_start3A_262 = tpu.memref_squeeze %dma_start3A_261 : memref<1x128x64xf32, #tpu.memory_space<vmem>> -> memref<128x64xf32, #tpu.memory_space<vmem>>
        %dma_start3A_263 = arith.constant 0 : i32
        %dma_start3A_264 = tpu.memref_slice %arg7[%add3A_254, %dma_start3A_263] : memref<16x128xi32, #tpu.memory_space<vmem>> -> memref<1x128xi32, #tpu.memory_space<vmem>>
        %dma_start3A_265 = tpu.memref_squeeze %dma_start3A_264 : memref<1x128xi32, #tpu.memory_space<vmem>> -> memref<128xi32, #tpu.memory_space<vmem>>
        %dma_start3A_266 = arith.constant 0 : i32
        %dma_start3A_267 = arith.constant 0 : i32
        %dma_start3A_268 = tpu.memref_slice %arg15[%dma_start3A_266, %dma_start3A_267] : memref<2048x64xf32, #tpu.memory_space<vmem_shared>> -> memref<2048x64xf32, #tpu.memory_space<vmem_shared>>
        tpu.enqueue_indirect_dma source(%dma_start3A_268 : memref<2048x64xf32, #tpu.memory_space<vmem_shared>>) target(%dma_start3A_262 : memref<128x64xf32, #tpu.memory_space<vmem>>) offsets(%dma_start3A_265 : memref<128xi32, #tpu.memory_space<vmem>>) semaphore(%arg18 : memref<!tpu.dma_semaphore, #tpu.memory_space<semaphore_mem>>)
        %dma_start3A_269 = arith.constant 1 : i32
        %dma_start3A_270 = arith.constant 0 : i32
        %dma_start3A_271 = arith.constant 0 : i32
        %dma_start3A_272 = arith.constant 0 : i32
        %dma_start3A_273 = tpu.memref_slice %arg10[%dma_start3A_269, %dma_start3A_270, %dma_start3A_271, %dma_start3A_272] : memref<2x24x8x128xf32, #tpu.memory_space<vmem>> -> memref<1x24x8x128xf32, #tpu.memory_space<vmem>>
        %dma_start3A_274 = tpu.memref_squeeze %dma_start3A_273 : memref<1x24x8x128xf32, #tpu.memory_space<vmem>> -> memref<24x8x128xf32, #tpu.memory_space<vmem>>
        %dma_start3A_275 = arith.constant 0 : i32
        %dma_start3A_276 = arith.constant 0 : i32
        %dma_start3A_277 = arith.constant 0 : i32
        %dma_start3A_278 = tpu.memref_slice %arg3[%dma_start3A_275, %add3A_257, %dma_start3A_276, %dma_start3A_277] : memref<24x512x8x128xf32, #tpu.memory_space<hbm>> -> memref<24x1x8x128xf32, #tpu.memory_space<hbm>>
        %dma_start3A_279 = tpu.memref_squeeze %dma_start3A_278 : memref<24x1x8x128xf32, #tpu.memory_space<hbm>> -> memref<24x8x128xf32, #tpu.memory_space<hbm>>
        %dma_start3A_280 = arith.constant 0 : i32
        %dma_start3A_281 = arith.constant 0 : i32
        %dma_start3A_282 = arith.constant 0 : i32
        %dma_start3A_283 = tpu.memref_slice %arg10[%dma_start3A_269, %dma_start3A_280, %dma_start3A_281, %dma_start3A_282] : memref<2x24x8x128xf32, #tpu.memory_space<vmem>> -> memref<1x24x8x128xf32, #tpu.memory_space<vmem>>
        %dma_start3A_284 = tpu.memref_squeeze %dma_start3A_283 : memref<1x24x8x128xf32, #tpu.memory_space<vmem>> -> memref<24x8x128xf32, #tpu.memory_space<vmem>>
        %dma_start3A_285 = arith.constant 0 : i32
        %dma_start3A_286 = arith.constant 0 : i32
        %dma_start3A_287 = arith.constant 0 : i32
        %dma_start3A_288 = tpu.memref_slice %arg3[%dma_start3A_285, %add3A_257, %dma_start3A_286, %dma_start3A_287] : memref<24x512x8x128xf32, #tpu.memory_space<hbm>> -> memref<24x1x8x128xf32, #tpu.memory_space<hbm>>
        %dma_start3A_289 = tpu.memref_squeeze %dma_start3A_288 : memref<24x1x8x128xf32, #tpu.memory_space<hbm>> -> memref<24x8x128xf32, #tpu.memory_space<hbm>>
        tpu.enqueue_dma source(%dma_start3A_289 : memref<24x8x128xf32, #tpu.memory_space<hbm>>) target(%dma_start3A_284 : memref<24x8x128xf32, #tpu.memory_space<vmem>>) target_semaphore(%arg20 : memref<!tpu.dma_semaphore, #tpu.memory_space<semaphore_mem>>)
      } else {
      }
      %mul3A_158 = arith.constant 16 : i32
      %mul3A_159 = arith.muli %add3A, %mul3A_158 : i32
      %add3A_160 = arith.addi %mul3A_159, %add3A_151 : i32
      %dma_wait3A_161 = arith.constant 0 : i32
      %dma_wait3A_162 = arith.constant 0 : i32
      %dma_wait3A_163 = arith.constant 0 : i32
      %dma_wait3A_164 = tpu.memref_slice %arg9[%dma_wait3A_161, %dma_wait3A_162, %dma_wait3A_163] : memref<2x128x64xf32, #tpu.memory_space<vmem>> -> memref<1x128x64xf32, #tpu.memory_space<vmem>>
      %dma_wait3A_165 = tpu.memref_squeeze %dma_wait3A_164 : memref<1x128x64xf32, #tpu.memory_space<vmem>> -> memref<128x64xf32, #tpu.memory_space<vmem>>
      %dma_wait3A_166 = arith.constant 0 : i32
      %dma_wait3A_167 = tpu.memref_slice %arg7[%add3A_151, %dma_wait3A_166] : memref<16x128xi32, #tpu.memory_space<vmem>> -> memref<1x128xi32, #tpu.memory_space<vmem>>
      %dma_wait3A_168 = tpu.memref_squeeze %dma_wait3A_167 : memref<1x128xi32, #tpu.memory_space<vmem>> -> memref<128xi32, #tpu.memory_space<vmem>>
      %dma_wait3A_169 = arith.constant 0 : i32
      %dma_wait3A_170 = arith.constant 0 : i32
      %dma_wait3A_171 = tpu.memref_slice %arg15[%dma_wait3A_169, %dma_wait3A_170] : memref<2048x64xf32, #tpu.memory_space<vmem_shared>> -> memref<2048x64xf32, #tpu.memory_space<vmem_shared>>
      tpu.wait_indirect_dma semaphore(%arg17 : memref<!tpu.dma_semaphore, #tpu.memory_space<semaphore_mem>>) src(%dma_wait3A_171 : memref<2048x64xf32, #tpu.memory_space<vmem_shared>>) dst(%dma_wait3A_165 : memref<128x64xf32, #tpu.memory_space<vmem>>)
      %dma_wait3A_172 = arith.constant 0 : i32
      %dma_wait3A_173 = arith.constant 0 : i32
      %dma_wait3A_174 = arith.constant 0 : i32
      %dma_wait3A_175 = arith.constant 0 : i32
      %dma_wait3A_176 = tpu.memref_slice %arg10[%dma_wait3A_172, %dma_wait3A_173, %dma_wait3A_174, %dma_wait3A_175] : memref<2x24x8x128xf32, #tpu.memory_space<vmem>> -> memref<1x24x8x128xf32, #tpu.memory_space<vmem>>
      %dma_wait3A_177 = tpu.memref_squeeze %dma_wait3A_176 : memref<1x24x8x128xf32, #tpu.memory_space<vmem>> -> memref<24x8x128xf32, #tpu.memory_space<vmem>>
      %dma_wait3A_178 = arith.constant 0 : i32
      %dma_wait3A_179 = arith.constant 0 : i32
      %dma_wait3A_180 = arith.constant 0 : i32
      %dma_wait3A_181 = tpu.memref_slice %arg3[%dma_wait3A_178, %add3A_160, %dma_wait3A_179, %dma_wait3A_180] : memref<24x512x8x128xf32, #tpu.memory_space<hbm>> -> memref<24x1x8x128xf32, #tpu.memory_space<hbm>>
      %dma_wait3A_182 = tpu.memref_squeeze %dma_wait3A_181 : memref<24x1x8x128xf32, #tpu.memory_space<hbm>> -> memref<24x8x128xf32, #tpu.memory_space<hbm>>
      %dma_wait3A_183 = arith.constant 0 : i32
      %dma_wait3A_184 = arith.constant 0 : i32
      %dma_wait3A_185 = arith.constant 0 : i32
      %dma_wait3A_186 = tpu.memref_slice %arg10[%dma_wait3A_172, %dma_wait3A_183, %dma_wait3A_184, %dma_wait3A_185] : memref<2x24x8x128xf32, #tpu.memory_space<vmem>> -> memref<1x24x8x128xf32, #tpu.memory_space<vmem>>
      %dma_wait3A_187 = tpu.memref_squeeze %dma_wait3A_186 : memref<1x24x8x128xf32, #tpu.memory_space<vmem>> -> memref<24x8x128xf32, #tpu.memory_space<vmem>>
      %dma_wait3A_188 = arith.constant 0 : i32
      %dma_wait3A_189 = arith.constant 0 : i32
      %dma_wait3A_190 = arith.constant 0 : i32
      %dma_wait3A_191 = tpu.memref_slice %arg3[%dma_wait3A_188, %add3A_160, %dma_wait3A_189, %dma_wait3A_190] : memref<24x512x8x128xf32, #tpu.memory_space<hbm>> -> memref<24x1x8x128xf32, #tpu.memory_space<hbm>>
      %dma_wait3A_192 = tpu.memref_squeeze %dma_wait3A_191 : memref<24x1x8x128xf32, #tpu.memory_space<hbm>> -> memref<24x8x128xf32, #tpu.memory_space<hbm>>
      tpu.wait_dma2 semaphore(%arg19 : memref<!tpu.dma_semaphore, #tpu.memory_space<semaphore_mem>>) src(%dma_wait3A_192 : memref<24x8x128xf32, #tpu.memory_space<hbm>>) dst(%dma_wait3A_187 : memref<24x8x128xf32, #tpu.memory_space<vmem>>)
      %scan3A_193 = arith.constant 0 : i32
      %scan3A_194 = arith.constant 0 : i32
      %scan3A_195 = arith.constant 0 : i32
      %scan3A_196 = arith.constant 8 : i32
      %scan3A_197 = arith.addi %scan3A_195, %scan3A_196 : i32
      %scan3A_198 = arith.constant 1 : i32
      scf.for %scan3A_253 = %scan3A_195 to %scan3A_197 step %scan3A_198  : i32 {
        %mul3A_254 = arith.constant 16 : i32
        %mul3A_255 = arith.muli %scan3A_253, %mul3A_254 : i32
        %get3A = arith.index_cast %add3A_151 : i32 to index
        %get3A_256 = arith.index_cast %mul3A_255 : i32 to index
        %get3A_257 = tpu.vector_load %arg8[%get3A, %get3A_256] {strides = array<i32>} : memref<16x128xi32, #tpu.memory_space<vmem>>, vector<16xi32>,
        %mul3A_258 = arith.constant 16 : i32
        %mul3A_259 = arith.muli %scan3A_253, %mul3A_258 : i32
        %add3A_260 = vector.broadcast %mul3A_259 : i32 to vector<16xi32>
        %add3A_261 = arith.addi %add3A_260, %iota3A : vector<16xi32>
        %scan3A_262 = arith.constant 0 : i32
        %scan3A_263 = arith.constant 4 : i32
        %scan3A_264 = arith.addi %scan3A_262, %scan3A_263 : i32
        %scan3A_265 = arith.constant 1 : i32
        %scan3A_266:6 = scf.for %scan3A_280 = %scan3A_262 to %scan3A_264 step %scan3A_265 iter_args(%scan3A_281 = %broadcast_in_dim3A_48, %scan3A_282 = %broadcast_in_dim3A_48, %scan3A_283 = %broadcast_in_dim3A_48, %scan3A_284 = %broadcast_in_dim3A_48, %scan3A_285 = %broadcast_in_dim3A_48, %scan3A_286 = %broadcast_in_dim3A_48) -> (vector<16xf32>, vector<16xf32>, vector<16xf32>, vector<16xf32>, vector<16xf32>, vector<16xf32>)  : i32 {
          %broadcast_in_dim3A_287 = arith.constant 16 : i32
          %broadcast_in_dim3A_288 = vector.broadcast %broadcast_in_dim3A_287 : i32 to vector<16xi32>
          %mul3A_289 = vector.broadcast %scan3A_280 : i32 to vector<16xi32>
          %mul3A_290 = arith.muli %broadcast_in_dim3A_288, %mul3A_289 : vector<16xi32>
          %add3A_291 = arith.constant 0 : i32
          %add3A_292 = vector.broadcast %add3A_291 : i32 to vector<16xi32>
          %add3A_293 = arith.addi %mul3A_290, %add3A_292 : vector<16xi32>
          %gather3A = arith.constant 0 : i32
          %gather3A_294 = arith.constant 0 : i32
          %gather3A_295 = tpu.memref_slice %arg9[%scan3A_194, %gather3A, %gather3A_294] : memref<2x128x64xf32, #tpu.memory_space<vmem>> -> memref<1x128x64xf32, #tpu.memory_space<vmem>>
          %gather3A_296 = tpu.memref_squeeze %gather3A_295 : memref<1x128x64xf32, #tpu.memory_space<vmem>> -> memref<128x64xf32, #tpu.memory_space<vmem>>
          %gather3A_297 = tpu.vector_load_idx %gather3A_296[%add3A_261, %add3A_293] : memref<128x64xf32, #tpu.memory_space<vmem>>[vector<16xi32>, vector<16xi32>], vector<16xf32>,
          %mul3A_298 = arith.constant 2 : i32
          %mul3A_299 = arith.muli %mul3A_298, %scan3A_280 : i32
          %add3A_300 = arith.constant 0 : i32
          %add3A_301 = arith.addi %add3A_300, %mul3A_299 : i32
          %add3A_302 = arith.constant 0 : i32
          %add3A_303 = arith.addi %add3A_301, %add3A_302 : i32
          %mul3A_304 = arith.constant 16 : i32
          %mul3A_305 = arith.muli %scan3A_253, %mul3A_304 : i32
          %get3A_306 = arith.constant 0 : i32
          %get3A_307 = arith.constant 0 : i32
          %get3A_308 = arith.index_cast %get3A_306 : i32 to index
          %get3A_309 = arith.index_cast %add3A_303 : i32 to index
          %get3A_310 = arith.index_cast %get3A_307 : i32 to index
          %get3A_311 = arith.index_cast %mul3A_305 : i32 to index
          %get3A_312 = tpu.vector_load %arg10[%get3A_308, %get3A_309, %get3A_310, %get3A_311] {strides = array<i32>} : memref<2x24x8x128xf32, #tpu.memory_space<vmem>>, vector<16xf32>,
          %mul3A_313 = arith.mulf %gather3A_297, %get3A_312 : vector<16xf32>
          %add3A_314 = arith.addf %scan3A_281, %mul3A_313 : vector<16xf32>
          %mul3A_315 = arith.constant 2 : i32
          %mul3A_316 = arith.muli %mul3A_315, %scan3A_280 : i32
          %add3A_317 = arith.constant 8 : i32
          %add3A_318 = arith.addi %add3A_317, %mul3A_316 : i32
          %add3A_319 = arith.constant 0 : i32
          %add3A_320 = arith.addi %add3A_318, %add3A_319 : i32
          %mul3A_321 = arith.constant 16 : i32
          %mul3A_322 = arith.muli %scan3A_253, %mul3A_321 : i32
          %get3A_323 = arith.constant 0 : i32
          %get3A_324 = arith.constant 0 : i32
          %get3A_325 = arith.index_cast %get3A_323 : i32 to index
          %get3A_326 = arith.index_cast %add3A_320 : i32 to index
          %get3A_327 = arith.index_cast %get3A_324 : i32 to index
          %get3A_328 = arith.index_cast %mul3A_322 : i32 to index
          %get3A_329 = tpu.vector_load %arg10[%get3A_325, %get3A_326, %get3A_327, %get3A_328] {strides = array<i32>} : memref<2x24x8x128xf32, #tpu.memory_space<vmem>>, vector<16xf32>,
          %mul3A_330 = arith.mulf %gather3A_297, %get3A_329 : vector<16xf32>
          %add3A_331 = arith.addf %scan3A_283, %mul3A_330 : vector<16xf32>
          %mul3A_332 = arith.constant 2 : i32
          %mul3A_333 = arith.muli %mul3A_332, %scan3A_280 : i32
          %add3A_334 = arith.constant 16 : i32
          %add3A_335 = arith.addi %add3A_334, %mul3A_333 : i32
          %add3A_336 = arith.constant 0 : i32
          %add3A_337 = arith.addi %add3A_335, %add3A_336 : i32
          %mul3A_338 = arith.constant 16 : i32
          %mul3A_339 = arith.muli %scan3A_253, %mul3A_338 : i32
          %get3A_340 = arith.constant 0 : i32
          %get3A_341 = arith.constant 0 : i32
          %get3A_342 = arith.index_cast %get3A_340 : i32 to index
          %get3A_343 = arith.index_cast %add3A_337 : i32 to index
          %get3A_344 = arith.index_cast %get3A_341 : i32 to index
          %get3A_345 = arith.index_cast %mul3A_339 : i32 to index
          %get3A_346 = tpu.vector_load %arg10[%get3A_342, %get3A_343, %get3A_344, %get3A_345] {strides = array<i32>} : memref<2x24x8x128xf32, #tpu.memory_space<vmem>>, vector<16xf32>,
          %mul3A_347 = arith.mulf %gather3A_297, %get3A_346 : vector<16xf32>
          %add3A_348 = arith.addf %scan3A_285, %mul3A_347 : vector<16xf32>
          %add3A_349 = arith.constant 1 : i32
          %add3A_350 = vector.broadcast %add3A_349 : i32 to vector<16xi32>
          %add3A_351 = arith.addi %mul3A_290, %add3A_350 : vector<16xi32>
          %gather3A_352 = arith.constant 0 : i32
          %gather3A_353 = arith.constant 0 : i32
          %gather3A_354 = tpu.memref_slice %arg9[%scan3A_194, %gather3A_352, %gather3A_353] : memref<2x128x64xf32, #tpu.memory_space<vmem>> -> memref<1x128x64xf32, #tpu.memory_space<vmem>>
          %gather3A_355 = tpu.memref_squeeze %gather3A_354 : memref<1x128x64xf32, #tpu.memory_space<vmem>> -> memref<128x64xf32, #tpu.memory_space<vmem>>
          %gather3A_356 = tpu.vector_load_idx %gather3A_355[%add3A_261, %add3A_351] : memref<128x64xf32, #tpu.memory_space<vmem>>[vector<16xi32>, vector<16xi32>], vector<16xf32>,
          %mul3A_357 = arith.constant 2 : i32
          %mul3A_358 = arith.muli %mul3A_357, %scan3A_280 : i32
          %add3A_359 = arith.constant 0 : i32
          %add3A_360 = arith.addi %add3A_359, %mul3A_358 : i32
          %add3A_361 = arith.constant 0 : i32
          %add3A_362 = arith.addi %add3A_360, %add3A_361 : i32
          %mul3A_363 = arith.constant 16 : i32
          %mul3A_364 = arith.muli %scan3A_253, %mul3A_363 : i32
          %get3A_365 = arith.constant 0 : i32
          %get3A_366 = arith.constant 1 : i32
          %get3A_367 = arith.index_cast %get3A_365 : i32 to index
          %get3A_368 = arith.index_cast %add3A_362 : i32 to index
          %get3A_369 = arith.index_cast %get3A_366 : i32 to index
          %get3A_370 = arith.index_cast %mul3A_364 : i32 to index
          %get3A_371 = tpu.vector_load %arg10[%get3A_367, %get3A_368, %get3A_369, %get3A_370] {strides = array<i32>} : memref<2x24x8x128xf32, #tpu.memory_space<vmem>>, vector<16xf32>,
          %mul3A_372 = arith.mulf %gather3A_356, %get3A_371 : vector<16xf32>
          %add3A_373 = arith.addf %scan3A_282, %mul3A_372 : vector<16xf32>
          %mul3A_374 = arith.constant 2 : i32
          %mul3A_375 = arith.muli %mul3A_374, %scan3A_280 : i32
          %add3A_376 = arith.constant 8 : i32
          %add3A_377 = arith.addi %add3A_376, %mul3A_375 : i32
          %add3A_378 = arith.constant 0 : i32
          %add3A_379 = arith.addi %add3A_377, %add3A_378 : i32
          %mul3A_380 = arith.constant 16 : i32
          %mul3A_381 = arith.muli %scan3A_253, %mul3A_380 : i32
          %get3A_382 = arith.constant 0 : i32
          %get3A_383 = arith.constant 1 : i32
          %get3A_384 = arith.index_cast %get3A_382 : i32 to index
          %get3A_385 = arith.index_cast %add3A_379 : i32 to index
          %get3A_386 = arith.index_cast %get3A_383 : i32 to index
          %get3A_387 = arith.index_cast %mul3A_381 : i32 to index
          %get3A_388 = tpu.vector_load %arg10[%get3A_384, %get3A_385, %get3A_386, %get3A_387] {strides = array<i32>} : memref<2x24x8x128xf32, #tpu.memory_space<vmem>>, vector<16xf32>,
          %mul3A_389 = arith.mulf %gather3A_356, %get3A_388 : vector<16xf32>
          %add3A_390 = arith.addf %scan3A_284, %mul3A_389 : vector<16xf32>
          %mul3A_391 = arith.constant 2 : i32
          %mul3A_392 = arith.muli %mul3A_391, %scan3A_280 : i32
          %add3A_393 = arith.constant 16 : i32
          %add3A_394 = arith.addi %add3A_393, %mul3A_392 : i32
          %add3A_395 = arith.constant 0 : i32
          %add3A_396 = arith.addi %add3A_394, %add3A_395 : i32
          %mul3A_397 = arith.constant 16 : i32
          %mul3A_398 = arith.muli %scan3A_253, %mul3A_397 : i32
          %get3A_399 = arith.constant 0 : i32
          %get3A_400 = arith.constant 1 : i32
          %get3A_401 = arith.index_cast %get3A_399 : i32 to index
          %get3A_402 = arith.index_cast %add3A_396 : i32 to index
          %get3A_403 = arith.index_cast %get3A_400 : i32 to index
          %get3A_404 = arith.index_cast %mul3A_398 : i32 to index
          %get3A_405 = tpu.vector_load %arg10[%get3A_401, %get3A_402, %get3A_403, %get3A_404] {strides = array<i32>} : memref<2x24x8x128xf32, #tpu.memory_space<vmem>>, vector<16xf32>,
          %mul3A_406 = arith.mulf %gather3A_356, %get3A_405 : vector<16xf32>
          %add3A_407 = arith.addf %scan3A_286, %mul3A_406 : vector<16xf32>
          %add3A_408 = arith.constant 2 : i32
          %add3A_409 = vector.broadcast %add3A_408 : i32 to vector<16xi32>
          %add3A_410 = arith.addi %mul3A_290, %add3A_409 : vector<16xi32>
          %gather3A_411 = arith.constant 0 : i32
          %gather3A_412 = arith.constant 0 : i32
          %gather3A_413 = tpu.memref_slice %arg9[%scan3A_194, %gather3A_411, %gather3A_412] : memref<2x128x64xf32, #tpu.memory_space<vmem>> -> memref<1x128x64xf32, #tpu.memory_space<vmem>>
          %gather3A_414 = tpu.memref_squeeze %gather3A_413 : memref<1x128x64xf32, #tpu.memory_space<vmem>> -> memref<128x64xf32, #tpu.memory_space<vmem>>
          %gather3A_415 = tpu.vector_load_idx %gather3A_414[%add3A_261, %add3A_410] : memref<128x64xf32, #tpu.memory_space<vmem>>[vector<16xi32>, vector<16xi32>], vector<16xf32>,
          %mul3A_416 = arith.constant 2 : i32
          %mul3A_417 = arith.muli %mul3A_416, %scan3A_280 : i32
          %add3A_418 = arith.constant 0 : i32
          %add3A_419 = arith.addi %add3A_418, %mul3A_417 : i32
          %add3A_420 = arith.constant 0 : i32
          %add3A_421 = arith.addi %add3A_419, %add3A_420 : i32
          %mul3A_422 = arith.constant 16 : i32
          %mul3A_423 = arith.muli %scan3A_253, %mul3A_422 : i32
          %get3A_424 = arith.constant 0 : i32
          %get3A_425 = arith.constant 2 : i32
          %get3A_426 = arith.index_cast %get3A_424 : i32 to index
          %get3A_427 = arith.index_cast %add3A_421 : i32 to index
          %get3A_428 = arith.index_cast %get3A_425 : i32 to index
          %get3A_429 = arith.index_cast %mul3A_423 : i32 to index
          %get3A_430 = tpu.vector_load %arg10[%get3A_426, %get3A_427, %get3A_428, %get3A_429] {strides = array<i32>} : memref<2x24x8x128xf32, #tpu.memory_space<vmem>>, vector<16xf32>,
          %mul3A_431 = arith.mulf %gather3A_415, %get3A_430 : vector<16xf32>
          %add3A_432 = arith.addf %add3A_314, %mul3A_431 : vector<16xf32>
          %mul3A_433 = arith.constant 2 : i32
          %mul3A_434 = arith.muli %mul3A_433, %scan3A_280 : i32
          %add3A_435 = arith.constant 8 : i32
          %add3A_436 = arith.addi %add3A_435, %mul3A_434 : i32
          %add3A_437 = arith.constant 0 : i32
          %add3A_438 = arith.addi %add3A_436, %add3A_437 : i32
          %mul3A_439 = arith.constant 16 : i32
          %mul3A_440 = arith.muli %scan3A_253, %mul3A_439 : i32
          %get3A_441 = arith.constant 0 : i32
          %get3A_442 = arith.constant 2 : i32
          %get3A_443 = arith.index_cast %get3A_441 : i32 to index
          %get3A_444 = arith.index_cast %add3A_438 : i32 to index
          %get3A_445 = arith.index_cast %get3A_442 : i32 to index
          %get3A_446 = arith.index_cast %mul3A_440 : i32 to index
          %get3A_447 = tpu.vector_load %arg10[%get3A_443, %get3A_444, %get3A_445, %get3A_446] {strides = array<i32>} : memref<2x24x8x128xf32, #tpu.memory_space<vmem>>, vector<16xf32>,
          %mul3A_448 = arith.mulf %gather3A_415, %get3A_447 : vector<16xf32>
          %add3A_449 = arith.addf %add3A_331, %mul3A_448 : vector<16xf32>
          %mul3A_450 = arith.constant 2 : i32
          %mul3A_451 = arith.muli %mul3A_450, %scan3A_280 : i32
          %add3A_452 = arith.constant 16 : i32
          %add3A_453 = arith.addi %add3A_452, %mul3A_451 : i32
          %add3A_454 = arith.constant 0 : i32
          %add3A_455 = arith.addi %add3A_453, %add3A_454 : i32
          %mul3A_456 = arith.constant 16 : i32
          %mul3A_457 = arith.muli %scan3A_253, %mul3A_456 : i32
          %get3A_458 = arith.constant 0 : i32
          %get3A_459 = arith.constant 2 : i32
          %get3A_460 = arith.index_cast %get3A_458 : i32 to index
          %get3A_461 = arith.index_cast %add3A_455 : i32 to index
          %get3A_462 = arith.index_cast %get3A_459 : i32 to index
          %get3A_463 = arith.index_cast %mul3A_457 : i32 to index
          %get3A_464 = tpu.vector_load %arg10[%get3A_460, %get3A_461, %get3A_462, %get3A_463] {strides = array<i32>} : memref<2x24x8x128xf32, #tpu.memory_space<vmem>>, vector<16xf32>,
          %mul3A_465 = arith.mulf %gather3A_415, %get3A_464 : vector<16xf32>
          %add3A_466 = arith.addf %add3A_348, %mul3A_465 : vector<16xf32>
          %add3A_467 = arith.constant 3 : i32
          %add3A_468 = vector.broadcast %add3A_467 : i32 to vector<16xi32>
          %add3A_469 = arith.addi %mul3A_290, %add3A_468 : vector<16xi32>
          %gather3A_470 = arith.constant 0 : i32
          %gather3A_471 = arith.constant 0 : i32
          %gather3A_472 = tpu.memref_slice %arg9[%scan3A_194, %gather3A_470, %gather3A_471] : memref<2x128x64xf32, #tpu.memory_space<vmem>> -> memref<1x128x64xf32, #tpu.memory_space<vmem>>
          %gather3A_473 = tpu.memref_squeeze %gather3A_472 : memref<1x128x64xf32, #tpu.memory_space<vmem>> -> memref<128x64xf32, #tpu.memory_space<vmem>>
          %gather3A_474 = tpu.vector_load_idx %gather3A_473[%add3A_261, %add3A_469] : memref<128x64xf32, #tpu.memory_space<vmem>>[vector<16xi32>, vector<16xi32>], vector<16xf32>,
          %mul3A_475 = arith.constant 2 : i32
          %mul3A_476 = arith.muli %mul3A_475, %scan3A_280 : i32
          %add3A_477 = arith.constant 0 : i32
          %add3A_478 = arith.addi %add3A_477, %mul3A_476 : i32
          %add3A_479 = arith.constant 0 : i32
          %add3A_480 = arith.addi %add3A_478, %add3A_479 : i32
          %mul3A_481 = arith.constant 16 : i32
          %mul3A_482 = arith.muli %scan3A_253, %mul3A_481 : i32
          %get3A_483 = arith.constant 0 : i32
          %get3A_484 = arith.constant 3 : i32
          %get3A_485 = arith.index_cast %get3A_483 : i32 to index
          %get3A_486 = arith.index_cast %add3A_480 : i32 to index
          %get3A_487 = arith.index_cast %get3A_484 : i32 to index
          %get3A_488 = arith.index_cast %mul3A_482 : i32 to index
          %get3A_489 = tpu.vector_load %arg10[%get3A_485, %get3A_486, %get3A_487, %get3A_488] {strides = array<i32>} : memref<2x24x8x128xf32, #tpu.memory_space<vmem>>, vector<16xf32>,
          %mul3A_490 = arith.mulf %gather3A_474, %get3A_489 : vector<16xf32>
          %add3A_491 = arith.addf %add3A_373, %mul3A_490 : vector<16xf32>
          %mul3A_492 = arith.constant 2 : i32
          %mul3A_493 = arith.muli %mul3A_492, %scan3A_280 : i32
          %add3A_494 = arith.constant 8 : i32
          %add3A_495 = arith.addi %add3A_494, %mul3A_493 : i32
          %add3A_496 = arith.constant 0 : i32
          %add3A_497 = arith.addi %add3A_495, %add3A_496 : i32
          %mul3A_498 = arith.constant 16 : i32
          %mul3A_499 = arith.muli %scan3A_253, %mul3A_498 : i32
          %get3A_500 = arith.constant 0 : i32
          %get3A_501 = arith.constant 3 : i32
          %get3A_502 = arith.index_cast %get3A_500 : i32 to index
          %get3A_503 = arith.index_cast %add3A_497 : i32 to index
          %get3A_504 = arith.index_cast %get3A_501 : i32 to index
          %get3A_505 = arith.index_cast %mul3A_499 : i32 to index
          %get3A_506 = tpu.vector_load %arg10[%get3A_502, %get3A_503, %get3A_504, %get3A_505] {strides = array<i32>} : memref<2x24x8x128xf32, #tpu.memory_space<vmem>>, vector<16xf32>,
          %mul3A_507 = arith.mulf %gather3A_474, %get3A_506 : vector<16xf32>
          %add3A_508 = arith.addf %add3A_390, %mul3A_507 : vector<16xf32>
          %mul3A_509 = arith.constant 2 : i32
          %mul3A_510 = arith.muli %mul3A_509, %scan3A_280 : i32
          %add3A_511 = arith.constant 16 : i32
          %add3A_512 = arith.addi %add3A_511, %mul3A_510 : i32
          %add3A_513 = arith.constant 0 : i32
          %add3A_514 = arith.addi %add3A_512, %add3A_513 : i32
          %mul3A_515 = arith.constant 16 : i32
          %mul3A_516 = arith.muli %scan3A_253, %mul3A_515 : i32
          %get3A_517 = arith.constant 0 : i32
          %get3A_518 = arith.constant 3 : i32
          %get3A_519 = arith.index_cast %get3A_517 : i32 to index
          %get3A_520 = arith.index_cast %add3A_514 : i32 to index
          %get3A_521 = arith.index_cast %get3A_518 : i32 to index
          %get3A_522 = arith.index_cast %mul3A_516 : i32 to index
          %get3A_523 = tpu.vector_load %arg10[%get3A_519, %get3A_520, %get3A_521, %get3A_522] {strides = array<i32>} : memref<2x24x8x128xf32, #tpu.memory_space<vmem>>, vector<16xf32>,
          %mul3A_524 = arith.mulf %gather3A_474, %get3A_523 : vector<16xf32>
          %add3A_525 = arith.addf %add3A_407, %mul3A_524 : vector<16xf32>
          %add3A_526 = arith.constant 4 : i32
          %add3A_527 = vector.broadcast %add3A_526 : i32 to vector<16xi32>
          %add3A_528 = arith.addi %mul3A_290, %add3A_527 : vector<16xi32>
          %gather3A_529 = arith.constant 0 : i32
          %gather3A_530 = arith.constant 0 : i32
          %gather3A_531 = tpu.memref_slice %arg9[%scan3A_194, %gather3A_529, %gather3A_530] : memref<2x128x64xf32, #tpu.memory_space<vmem>> -> memref<1x128x64xf32, #tpu.memory_space<vmem>>
          %gather3A_532 = tpu.memref_squeeze %gather3A_531 : memref<1x128x64xf32, #tpu.memory_space<vmem>> -> memref<128x64xf32, #tpu.memory_space<vmem>>
          %gather3A_533 = tpu.vector_load_idx %gather3A_532[%add3A_261, %add3A_528] : memref<128x64xf32, #tpu.memory_space<vmem>>[vector<16xi32>, vector<16xi32>], vector<16xf32>,
          %mul3A_534 = arith.constant 2 : i32
          %mul3A_535 = arith.muli %mul3A_534, %scan3A_280 : i32
          %add3A_536 = arith.constant 0 : i32
          %add3A_537 = arith.addi %add3A_536, %mul3A_535 : i32
          %add3A_538 = arith.constant 0 : i32
          %add3A_539 = arith.addi %add3A_537, %add3A_538 : i32
          %mul3A_540 = arith.constant 16 : i32
          %mul3A_541 = arith.muli %scan3A_253, %mul3A_540 : i32
          %get3A_542 = arith.constant 0 : i32
          %get3A_543 = arith.constant 4 : i32
          %get3A_544 = arith.index_cast %get3A_542 : i32 to index
          %get3A_545 = arith.index_cast %add3A_539 : i32 to index
          %get3A_546 = arith.index_cast %get3A_543 : i32 to index
          %get3A_547 = arith.index_cast %mul3A_541 : i32 to index
          %get3A_548 = tpu.vector_load %arg10[%get3A_544, %get3A_545, %get3A_546, %get3A_547] {strides = array<i32>} : memref<2x24x8x128xf32, #tpu.memory_space<vmem>>, vector<16xf32>,
          %mul3A_549 = arith.mulf %gather3A_533, %get3A_548 : vector<16xf32>
          %add3A_550 = arith.addf %add3A_432, %mul3A_549 : vector<16xf32>
          %mul3A_551 = arith.constant 2 : i32
          %mul3A_552 = arith.muli %mul3A_551, %scan3A_280 : i32
          %add3A_553 = arith.constant 8 : i32
          %add3A_554 = arith.addi %add3A_553, %mul3A_552 : i32
          %add3A_555 = arith.constant 0 : i32
          %add3A_556 = arith.addi %add3A_554, %add3A_555 : i32
          %mul3A_557 = arith.constant 16 : i32
          %mul3A_558 = arith.muli %scan3A_253, %mul3A_557 : i32
          %get3A_559 = arith.constant 0 : i32
          %get3A_560 = arith.constant 4 : i32
          %get3A_561 = arith.index_cast %get3A_559 : i32 to index
          %get3A_562 = arith.index_cast %add3A_556 : i32 to index
          %get3A_563 = arith.index_cast %get3A_560 : i32 to index
          %get3A_564 = arith.index_cast %mul3A_558 : i32 to index
          %get3A_565 = tpu.vector_load %arg10[%get3A_561, %get3A_562, %get3A_563, %get3A_564] {strides = array<i32>} : memref<2x24x8x128xf32, #tpu.memory_space<vmem>>, vector<16xf32>,
          %mul3A_566 = arith.mulf %gather3A_533, %get3A_565 : vector<16xf32>
          %add3A_567 = arith.addf %add3A_449, %mul3A_566 : vector<16xf32>
          %mul3A_568 = arith.constant 2 : i32
          %mul3A_569 = arith.muli %mul3A_568, %scan3A_280 : i32
          %add3A_570 = arith.constant 16 : i32
          %add3A_571 = arith.addi %add3A_570, %mul3A_569 : i32
          %add3A_572 = arith.constant 0 : i32
          %add3A_573 = arith.addi %add3A_571, %add3A_572 : i32
          %mul3A_574 = arith.constant 16 : i32
          %mul3A_575 = arith.muli %scan3A_253, %mul3A_574 : i32
          %get3A_576 = arith.constant 0 : i32
          %get3A_577 = arith.constant 4 : i32
          %get3A_578 = arith.index_cast %get3A_576 : i32 to index
          %get3A_579 = arith.index_cast %add3A_573 : i32 to index
          %get3A_580 = arith.index_cast %get3A_577 : i32 to index
          %get3A_581 = arith.index_cast %mul3A_575 : i32 to index
          %get3A_582 = tpu.vector_load %arg10[%get3A_578, %get3A_579, %get3A_580, %get3A_581] {strides = array<i32>} : memref<2x24x8x128xf32, #tpu.memory_space<vmem>>, vector<16xf32>,
          %mul3A_583 = arith.mulf %gather3A_533, %get3A_582 : vector<16xf32>
          %add3A_584 = arith.addf %add3A_466, %mul3A_583 : vector<16xf32>
          %add3A_585 = arith.constant 5 : i32
          %add3A_586 = vector.broadcast %add3A_585 : i32 to vector<16xi32>
          %add3A_587 = arith.addi %mul3A_290, %add3A_586 : vector<16xi32>
          %gather3A_588 = arith.constant 0 : i32
          %gather3A_589 = arith.constant 0 : i32
          %gather3A_590 = tpu.memref_slice %arg9[%scan3A_194, %gather3A_588, %gather3A_589] : memref<2x128x64xf32, #tpu.memory_space<vmem>> -> memref<1x128x64xf32, #tpu.memory_space<vmem>>
          %gather3A_591 = tpu.memref_squeeze %gather3A_590 : memref<1x128x64xf32, #tpu.memory_space<vmem>> -> memref<128x64xf32, #tpu.memory_space<vmem>>
          %gather3A_592 = tpu.vector_load_idx %gather3A_591[%add3A_261, %add3A_587] : memref<128x64xf32, #tpu.memory_space<vmem>>[vector<16xi32>, vector<16xi32>], vector<16xf32>,
          %mul3A_593 = arith.constant 2 : i32
          %mul3A_594 = arith.muli %mul3A_593, %scan3A_280 : i32
          %add3A_595 = arith.constant 0 : i32
          %add3A_596 = arith.addi %add3A_595, %mul3A_594 : i32
          %add3A_597 = arith.constant 0 : i32
          %add3A_598 = arith.addi %add3A_596, %add3A_597 : i32
          %mul3A_599 = arith.constant 16 : i32
          %mul3A_600 = arith.muli %scan3A_253, %mul3A_599 : i32
          %get3A_601 = arith.constant 0 : i32
          %get3A_602 = arith.constant 5 : i32
          %get3A_603 = arith.index_cast %get3A_601 : i32 to index
          %get3A_604 = arith.index_cast %add3A_598 : i32 to index
          %get3A_605 = arith.index_cast %get3A_602 : i32 to index
          %get3A_606 = arith.index_cast %mul3A_600 : i32 to index
          %get3A_607 = tpu.vector_load %arg10[%get3A_603, %get3A_604, %get3A_605, %get3A_606] {strides = array<i32>} : memref<2x24x8x128xf32, #tpu.memory_space<vmem>>, vector<16xf32>,
          %mul3A_608 = arith.mulf %gather3A_592, %get3A_607 : vector<16xf32>
          %add3A_609 = arith.addf %add3A_491, %mul3A_608 : vector<16xf32>
          %mul3A_610 = arith.constant 2 : i32
          %mul3A_611 = arith.muli %mul3A_610, %scan3A_280 : i32
          %add3A_612 = arith.constant 8 : i32
          %add3A_613 = arith.addi %add3A_612, %mul3A_611 : i32
          %add3A_614 = arith.constant 0 : i32
          %add3A_615 = arith.addi %add3A_613, %add3A_614 : i32
          %mul3A_616 = arith.constant 16 : i32
          %mul3A_617 = arith.muli %scan3A_253, %mul3A_616 : i32
          %get3A_618 = arith.constant 0 : i32
          %get3A_619 = arith.constant 5 : i32
          %get3A_620 = arith.index_cast %get3A_618 : i32 to index
          %get3A_621 = arith.index_cast %add3A_615 : i32 to index
          %get3A_622 = arith.index_cast %get3A_619 : i32 to index
          %get3A_623 = arith.index_cast %mul3A_617 : i32 to index
          %get3A_624 = tpu.vector_load %arg10[%get3A_620, %get3A_621, %get3A_622, %get3A_623] {strides = array<i32>} : memref<2x24x8x128xf32, #tpu.memory_space<vmem>>, vector<16xf32>,
          %mul3A_625 = arith.mulf %gather3A_592, %get3A_624 : vector<16xf32>
          %add3A_626 = arith.addf %add3A_508, %mul3A_625 : vector<16xf32>
          %mul3A_627 = arith.constant 2 : i32
          %mul3A_628 = arith.muli %mul3A_627, %scan3A_280 : i32
          %add3A_629 = arith.constant 16 : i32
          %add3A_630 = arith.addi %add3A_629, %mul3A_628 : i32
          %add3A_631 = arith.constant 0 : i32
          %add3A_632 = arith.addi %add3A_630, %add3A_631 : i32
          %mul3A_633 = arith.constant 16 : i32
          %mul3A_634 = arith.muli %scan3A_253, %mul3A_633 : i32
          %get3A_635 = arith.constant 0 : i32
          %get3A_636 = arith.constant 5 : i32
          %get3A_637 = arith.index_cast %get3A_635 : i32 to index
          %get3A_638 = arith.index_cast %add3A_632 : i32 to index
          %get3A_639 = arith.index_cast %get3A_636 : i32 to index
          %get3A_640 = arith.index_cast %mul3A_634 : i32 to index
          %get3A_641 = tpu.vector_load %arg10[%get3A_637, %get3A_638, %get3A_639, %get3A_640] {strides = array<i32>} : memref<2x24x8x128xf32, #tpu.memory_space<vmem>>, vector<16xf32>,
          %mul3A_642 = arith.mulf %gather3A_592, %get3A_641 : vector<16xf32>
          %add3A_643 = arith.addf %add3A_525, %mul3A_642 : vector<16xf32>
          %add3A_644 = arith.constant 6 : i32
          %add3A_645 = vector.broadcast %add3A_644 : i32 to vector<16xi32>
          %add3A_646 = arith.addi %mul3A_290, %add3A_645 : vector<16xi32>
          %gather3A_647 = arith.constant 0 : i32
          %gather3A_648 = arith.constant 0 : i32
          %gather3A_649 = tpu.memref_slice %arg9[%scan3A_194, %gather3A_647, %gather3A_648] : memref<2x128x64xf32, #tpu.memory_space<vmem>> -> memref<1x128x64xf32, #tpu.memory_space<vmem>>
          %gather3A_650 = tpu.memref_squeeze %gather3A_649 : memref<1x128x64xf32, #tpu.memory_space<vmem>> -> memref<128x64xf32, #tpu.memory_space<vmem>>
          %gather3A_651 = tpu.vector_load_idx %gather3A_650[%add3A_261, %add3A_646] : memref<128x64xf32, #tpu.memory_space<vmem>>[vector<16xi32>, vector<16xi32>], vector<16xf32>,
          %mul3A_652 = arith.constant 2 : i32
          %mul3A_653 = arith.muli %mul3A_652, %scan3A_280 : i32
          %add3A_654 = arith.constant 0 : i32
          %add3A_655 = arith.addi %add3A_654, %mul3A_653 : i32
          %add3A_656 = arith.constant 0 : i32
          %add3A_657 = arith.addi %add3A_655, %add3A_656 : i32
          %mul3A_658 = arith.constant 16 : i32
          %mul3A_659 = arith.muli %scan3A_253, %mul3A_658 : i32
          %get3A_660 = arith.constant 0 : i32
          %get3A_661 = arith.constant 6 : i32
          %get3A_662 = arith.index_cast %get3A_660 : i32 to index
          %get3A_663 = arith.index_cast %add3A_657 : i32 to index
          %get3A_664 = arith.index_cast %get3A_661 : i32 to index
          %get3A_665 = arith.index_cast %mul3A_659 : i32 to index
          %get3A_666 = tpu.vector_load %arg10[%get3A_662, %get3A_663, %get3A_664, %get3A_665] {strides = array<i32>} : memref<2x24x8x128xf32, #tpu.memory_space<vmem>>, vector<16xf32>,
          %mul3A_667 = arith.mulf %gather3A_651, %get3A_666 : vector<16xf32>
          %add3A_668 = arith.addf %add3A_550, %mul3A_667 : vector<16xf32>
          %mul3A_669 = arith.constant 2 : i32
          %mul3A_670 = arith.muli %mul3A_669, %scan3A_280 : i32
          %add3A_671 = arith.constant 8 : i32
          %add3A_672 = arith.addi %add3A_671, %mul3A_670 : i32
          %add3A_673 = arith.constant 0 : i32
          %add3A_674 = arith.addi %add3A_672, %add3A_673 : i32
          %mul3A_675 = arith.constant 16 : i32
          %mul3A_676 = arith.muli %scan3A_253, %mul3A_675 : i32
          %get3A_677 = arith.constant 0 : i32
          %get3A_678 = arith.constant 6 : i32
          %get3A_679 = arith.index_cast %get3A_677 : i32 to index
          %get3A_680 = arith.index_cast %add3A_674 : i32 to index
          %get3A_681 = arith.index_cast %get3A_678 : i32 to index
          %get3A_682 = arith.index_cast %mul3A_676 : i32 to index
          %get3A_683 = tpu.vector_load %arg10[%get3A_679, %get3A_680, %get3A_681, %get3A_682] {strides = array<i32>} : memref<2x24x8x128xf32, #tpu.memory_space<vmem>>, vector<16xf32>,
          %mul3A_684 = arith.mulf %gather3A_651, %get3A_683 : vector<16xf32>
          %add3A_685 = arith.addf %add3A_567, %mul3A_684 : vector<16xf32>
          %mul3A_686 = arith.constant 2 : i32
          %mul3A_687 = arith.muli %mul3A_686, %scan3A_280 : i32
          %add3A_688 = arith.constant 16 : i32
          %add3A_689 = arith.addi %add3A_688, %mul3A_687 : i32
          %add3A_690 = arith.constant 0 : i32
          %add3A_691 = arith.addi %add3A_689, %add3A_690 : i32
          %mul3A_692 = arith.constant 16 : i32
          %mul3A_693 = arith.muli %scan3A_253, %mul3A_692 : i32
          %get3A_694 = arith.constant 0 : i32
          %get3A_695 = arith.constant 6 : i32
          %get3A_696 = arith.index_cast %get3A_694 : i32 to index
          %get3A_697 = arith.index_cast %add3A_691 : i32 to index
          %get3A_698 = arith.index_cast %get3A_695 : i32 to index
          %get3A_699 = arith.index_cast %mul3A_693 : i32 to index
          %get3A_700 = tpu.vector_load %arg10[%get3A_696, %get3A_697, %get3A_698, %get3A_699] {strides = array<i32>} : memref<2x24x8x128xf32, #tpu.memory_space<vmem>>, vector<16xf32>,
          %mul3A_701 = arith.mulf %gather3A_651, %get3A_700 : vector<16xf32>
          %add3A_702 = arith.addf %add3A_584, %mul3A_701 : vector<16xf32>
          %add3A_703 = arith.constant 7 : i32
          %add3A_704 = vector.broadcast %add3A_703 : i32 to vector<16xi32>
          %add3A_705 = arith.addi %mul3A_290, %add3A_704 : vector<16xi32>
          %gather3A_706 = arith.constant 0 : i32
          %gather3A_707 = arith.constant 0 : i32
          %gather3A_708 = tpu.memref_slice %arg9[%scan3A_194, %gather3A_706, %gather3A_707] : memref<2x128x64xf32, #tpu.memory_space<vmem>> -> memref<1x128x64xf32, #tpu.memory_space<vmem>>
          %gather3A_709 = tpu.memref_squeeze %gather3A_708 : memref<1x128x64xf32, #tpu.memory_space<vmem>> -> memref<128x64xf32, #tpu.memory_space<vmem>>
          %gather3A_710 = tpu.vector_load_idx %gather3A_709[%add3A_261, %add3A_705] : memref<128x64xf32, #tpu.memory_space<vmem>>[vector<16xi32>, vector<16xi32>], vector<16xf32>,
          %mul3A_711 = arith.constant 2 : i32
          %mul3A_712 = arith.muli %mul3A_711, %scan3A_280 : i32
          %add3A_713 = arith.constant 0 : i32
          %add3A_714 = arith.addi %add3A_713, %mul3A_712 : i32
          %add3A_715 = arith.constant 0 : i32
          %add3A_716 = arith.addi %add3A_714, %add3A_715 : i32
          %mul3A_717 = arith.constant 16 : i32
          %mul3A_718 = arith.muli %scan3A_253, %mul3A_717 : i32
          %get3A_719 = arith.constant 0 : i32
          %get3A_720 = arith.constant 7 : i32
          %get3A_721 = arith.index_cast %get3A_719 : i32 to index
          %get3A_722 = arith.index_cast %add3A_716 : i32 to index
          %get3A_723 = arith.index_cast %get3A_720 : i32 to index
          %get3A_724 = arith.index_cast %mul3A_718 : i32 to index
          %get3A_725 = tpu.vector_load %arg10[%get3A_721, %get3A_722, %get3A_723, %get3A_724] {strides = array<i32>} : memref<2x24x8x128xf32, #tpu.memory_space<vmem>>, vector<16xf32>,
          %mul3A_726 = arith.mulf %gather3A_710, %get3A_725 : vector<16xf32>
          %add3A_727 = arith.addf %add3A_609, %mul3A_726 : vector<16xf32>
          %mul3A_728 = arith.constant 2 : i32
          %mul3A_729 = arith.muli %mul3A_728, %scan3A_280 : i32
          %add3A_730 = arith.constant 8 : i32
          %add3A_731 = arith.addi %add3A_730, %mul3A_729 : i32
          %add3A_732 = arith.constant 0 : i32
          %add3A_733 = arith.addi %add3A_731, %add3A_732 : i32
          %mul3A_734 = arith.constant 16 : i32
          %mul3A_735 = arith.muli %scan3A_253, %mul3A_734 : i32
          %get3A_736 = arith.constant 0 : i32
          %get3A_737 = arith.constant 7 : i32
          %get3A_738 = arith.index_cast %get3A_736 : i32 to index
          %get3A_739 = arith.index_cast %add3A_733 : i32 to index
          %get3A_740 = arith.index_cast %get3A_737 : i32 to index
          %get3A_741 = arith.index_cast %mul3A_735 : i32 to index
          %get3A_742 = tpu.vector_load %arg10[%get3A_738, %get3A_739, %get3A_740, %get3A_741] {strides = array<i32>} : memref<2x24x8x128xf32, #tpu.memory_space<vmem>>, vector<16xf32>,
          %mul3A_743 = arith.mulf %gather3A_710, %get3A_742 : vector<16xf32>
          %add3A_744 = arith.addf %add3A_626, %mul3A_743 : vector<16xf32>
          %mul3A_745 = arith.constant 2 : i32
          %mul3A_746 = arith.muli %mul3A_745, %scan3A_280 : i32
          %add3A_747 = arith.constant 16 : i32
          %add3A_748 = arith.addi %add3A_747, %mul3A_746 : i32
          %add3A_749 = arith.constant 0 : i32
          %add3A_750 = arith.addi %add3A_748, %add3A_749 : i32
          %mul3A_751 = arith.constant 16 : i32
          %mul3A_752 = arith.muli %scan3A_253, %mul3A_751 : i32
          %get3A_753 = arith.constant 0 : i32
          %get3A_754 = arith.constant 7 : i32
          %get3A_755 = arith.index_cast %get3A_753 : i32 to index
          %get3A_756 = arith.index_cast %add3A_750 : i32 to index
          %get3A_757 = arith.index_cast %get3A_754 : i32 to index
          %get3A_758 = arith.index_cast %mul3A_752 : i32 to index
          %get3A_759 = tpu.vector_load %arg10[%get3A_755, %get3A_756, %get3A_757, %get3A_758] {strides = array<i32>} : memref<2x24x8x128xf32, #tpu.memory_space<vmem>>, vector<16xf32>,
          %mul3A_760 = arith.mulf %gather3A_710, %get3A_759 : vector<16xf32>
          %add3A_761 = arith.addf %add3A_643, %mul3A_760 : vector<16xf32>
          %add3A_762 = arith.constant 8 : i32
          %add3A_763 = vector.broadcast %add3A_762 : i32 to vector<16xi32>
          %add3A_764 = arith.addi %mul3A_290, %add3A_763 : vector<16xi32>
          %gather3A_765 = arith.constant 0 : i32
          %gather3A_766 = arith.constant 0 : i32
          %gather3A_767 = tpu.memref_slice %arg9[%scan3A_194, %gather3A_765, %gather3A_766] : memref<2x128x64xf32, #tpu.memory_space<vmem>> -> memref<1x128x64xf32, #tpu.memory_space<vmem>>
          %gather3A_768 = tpu.memref_squeeze %gather3A_767 : memref<1x128x64xf32, #tpu.memory_space<vmem>> -> memref<128x64xf32, #tpu.memory_space<vmem>>
          %gather3A_769 = tpu.vector_load_idx %gather3A_768[%add3A_261, %add3A_764] : memref<128x64xf32, #tpu.memory_space<vmem>>[vector<16xi32>, vector<16xi32>], vector<16xf32>,
          %mul3A_770 = arith.constant 2 : i32
          %mul3A_771 = arith.muli %mul3A_770, %scan3A_280 : i32
          %add3A_772 = arith.constant 0 : i32
          %add3A_773 = arith.addi %add3A_772, %mul3A_771 : i32
          %add3A_774 = arith.constant 1 : i32
          %add3A_775 = arith.addi %add3A_773, %add3A_774 : i32
          %mul3A_776 = arith.constant 16 : i32
          %mul3A_777 = arith.muli %scan3A_253, %mul3A_776 : i32
          %get3A_778 = arith.constant 0 : i32
          %get3A_779 = arith.constant 0 : i32
          %get3A_780 = arith.index_cast %get3A_778 : i32 to index
          %get3A_781 = arith.index_cast %add3A_775 : i32 to index
          %get3A_782 = arith.index_cast %get3A_779 : i32 to index
          %get3A_783 = arith.index_cast %mul3A_777 : i32 to index
          %get3A_784 = tpu.vector_load %arg10[%get3A_780, %get3A_781, %get3A_782, %get3A_783] {strides = array<i32>} : memref<2x24x8x128xf32, #tpu.memory_space<vmem>>, vector<16xf32>,
          %mul3A_785 = arith.mulf %gather3A_769, %get3A_784 : vector<16xf32>
          %add3A_786 = arith.addf %add3A_668, %mul3A_785 : vector<16xf32>
          %mul3A_787 = arith.constant 2 : i32
          %mul3A_788 = arith.muli %mul3A_787, %scan3A_280 : i32
          %add3A_789 = arith.constant 8 : i32
          %add3A_790 = arith.addi %add3A_789, %mul3A_788 : i32
          %add3A_791 = arith.constant 1 : i32
          %add3A_792 = arith.addi %add3A_790, %add3A_791 : i32
          %mul3A_793 = arith.constant 16 : i32
          %mul3A_794 = arith.muli %scan3A_253, %mul3A_793 : i32
          %get3A_795 = arith.constant 0 : i32
          %get3A_796 = arith.constant 0 : i32
          %get3A_797 = arith.index_cast %get3A_795 : i32 to index
          %get3A_798 = arith.index_cast %add3A_792 : i32 to index
          %get3A_799 = arith.index_cast %get3A_796 : i32 to index
          %get3A_800 = arith.index_cast %mul3A_794 : i32 to index
          %get3A_801 = tpu.vector_load %arg10[%get3A_797, %get3A_798, %get3A_799, %get3A_800] {strides = array<i32>} : memref<2x24x8x128xf32, #tpu.memory_space<vmem>>, vector<16xf32>,
          %mul3A_802 = arith.mulf %gather3A_769, %get3A_801 : vector<16xf32>
          %add3A_803 = arith.addf %add3A_685, %mul3A_802 : vector<16xf32>
          %mul3A_804 = arith.constant 2 : i32
          %mul3A_805 = arith.muli %mul3A_804, %scan3A_280 : i32
          %add3A_806 = arith.constant 16 : i32
          %add3A_807 = arith.addi %add3A_806, %mul3A_805 : i32
          %add3A_808 = arith.constant 1 : i32
          %add3A_809 = arith.addi %add3A_807, %add3A_808 : i32
          %mul3A_810 = arith.constant 16 : i32
          %mul3A_811 = arith.muli %scan3A_253, %mul3A_810 : i32
          %get3A_812 = arith.constant 0 : i32
          %get3A_813 = arith.constant 0 : i32
          %get3A_814 = arith.index_cast %get3A_812 : i32 to index
          %get3A_815 = arith.index_cast %add3A_809 : i32 to index
          %get3A_816 = arith.index_cast %get3A_813 : i32 to index
          %get3A_817 = arith.index_cast %mul3A_811 : i32 to index
          %get3A_818 = tpu.vector_load %arg10[%get3A_814, %get3A_815, %get3A_816, %get3A_817] {strides = array<i32>} : memref<2x24x8x128xf32, #tpu.memory_space<vmem>>, vector<16xf32>,
          %mul3A_819 = arith.mulf %gather3A_769, %get3A_818 : vector<16xf32>
          %add3A_820 = arith.addf %add3A_702, %mul3A_819 : vector<16xf32>
          %add3A_821 = arith.constant 9 : i32
          %add3A_822 = vector.broadcast %add3A_821 : i32 to vector<16xi32>
          %add3A_823 = arith.addi %mul3A_290, %add3A_822 : vector<16xi32>
          %gather3A_824 = arith.constant 0 : i32
          %gather3A_825 = arith.constant 0 : i32
          %gather3A_826 = tpu.memref_slice %arg9[%scan3A_194, %gather3A_824, %gather3A_825] : memref<2x128x64xf32, #tpu.memory_space<vmem>> -> memref<1x128x64xf32, #tpu.memory_space<vmem>>
          %gather3A_827 = tpu.memref_squeeze %gather3A_826 : memref<1x128x64xf32, #tpu.memory_space<vmem>> -> memref<128x64xf32, #tpu.memory_space<vmem>>
          %gather3A_828 = tpu.vector_load_idx %gather3A_827[%add3A_261, %add3A_823] : memref<128x64xf32, #tpu.memory_space<vmem>>[vector<16xi32>, vector<16xi32>], vector<16xf32>,
          %mul3A_829 = arith.constant 2 : i32
          %mul3A_830 = arith.muli %mul3A_829, %scan3A_280 : i32
          %add3A_831 = arith.constant 0 : i32
          %add3A_832 = arith.addi %add3A_831, %mul3A_830 : i32
          %add3A_833 = arith.constant 1 : i32
          %add3A_834 = arith.addi %add3A_832, %add3A_833 : i32
          %mul3A_835 = arith.constant 16 : i32
          %mul3A_836 = arith.muli %scan3A_253, %mul3A_835 : i32
          %get3A_837 = arith.constant 0 : i32
          %get3A_838 = arith.constant 1 : i32
          %get3A_839 = arith.index_cast %get3A_837 : i32 to index
          %get3A_840 = arith.index_cast %add3A_834 : i32 to index
          %get3A_841 = arith.index_cast %get3A_838 : i32 to index
          %get3A_842 = arith.index_cast %mul3A_836 : i32 to index
          %get3A_843 = tpu.vector_load %arg10[%get3A_839, %get3A_840, %get3A_841, %get3A_842] {strides = array<i32>} : memref<2x24x8x128xf32, #tpu.memory_space<vmem>>, vector<16xf32>,
          %mul3A_844 = arith.mulf %gather3A_828, %get3A_843 : vector<16xf32>
          %add3A_845 = arith.addf %add3A_727, %mul3A_844 : vector<16xf32>
          %mul3A_846 = arith.constant 2 : i32
          %mul3A_847 = arith.muli %mul3A_846, %scan3A_280 : i32
          %add3A_848 = arith.constant 8 : i32
          %add3A_849 = arith.addi %add3A_848, %mul3A_847 : i32
          %add3A_850 = arith.constant 1 : i32
          %add3A_851 = arith.addi %add3A_849, %add3A_850 : i32
          %mul3A_852 = arith.constant 16 : i32
          %mul3A_853 = arith.muli %scan3A_253, %mul3A_852 : i32
          %get3A_854 = arith.constant 0 : i32
          %get3A_855 = arith.constant 1 : i32
          %get3A_856 = arith.index_cast %get3A_854 : i32 to index
          %get3A_857 = arith.index_cast %add3A_851 : i32 to index
          %get3A_858 = arith.index_cast %get3A_855 : i32 to index
          %get3A_859 = arith.index_cast %mul3A_853 : i32 to index
          %get3A_860 = tpu.vector_load %arg10[%get3A_856, %get3A_857, %get3A_858, %get3A_859] {strides = array<i32>} : memref<2x24x8x128xf32, #tpu.memory_space<vmem>>, vector<16xf32>,
          %mul3A_861 = arith.mulf %gather3A_828, %get3A_860 : vector<16xf32>
          %add3A_862 = arith.addf %add3A_744, %mul3A_861 : vector<16xf32>
          %mul3A_863 = arith.constant 2 : i32
          %mul3A_864 = arith.muli %mul3A_863, %scan3A_280 : i32
          %add3A_865 = arith.constant 16 : i32
          %add3A_866 = arith.addi %add3A_865, %mul3A_864 : i32
          %add3A_867 = arith.constant 1 : i32
          %add3A_868 = arith.addi %add3A_866, %add3A_867 : i32
          %mul3A_869 = arith.constant 16 : i32
          %mul3A_870 = arith.muli %scan3A_253, %mul3A_869 : i32
          %get3A_871 = arith.constant 0 : i32
          %get3A_872 = arith.constant 1 : i32
          %get3A_873 = arith.index_cast %get3A_871 : i32 to index
          %get3A_874 = arith.index_cast %add3A_868 : i32 to index
          %get3A_875 = arith.index_cast %get3A_872 : i32 to index
          %get3A_876 = arith.index_cast %mul3A_870 : i32 to index
          %get3A_877 = tpu.vector_load %arg10[%get3A_873, %get3A_874, %get3A_875, %get3A_876] {strides = array<i32>} : memref<2x24x8x128xf32, #tpu.memory_space<vmem>>, vector<16xf32>,
          %mul3A_878 = arith.mulf %gather3A_828, %get3A_877 : vector<16xf32>
          %add3A_879 = arith.addf %add3A_761, %mul3A_878 : vector<16xf32>
          %add3A_880 = arith.constant 10 : i32
          %add3A_881 = vector.broadcast %add3A_880 : i32 to vector<16xi32>
          %add3A_882 = arith.addi %mul3A_290, %add3A_881 : vector<16xi32>
          %gather3A_883 = arith.constant 0 : i32
          %gather3A_884 = arith.constant 0 : i32
          %gather3A_885 = tpu.memref_slice %arg9[%scan3A_194, %gather3A_883, %gather3A_884] : memref<2x128x64xf32, #tpu.memory_space<vmem>> -> memref<1x128x64xf32, #tpu.memory_space<vmem>>
          %gather3A_886 = tpu.memref_squeeze %gather3A_885 : memref<1x128x64xf32, #tpu.memory_space<vmem>> -> memref<128x64xf32, #tpu.memory_space<vmem>>
          %gather3A_887 = tpu.vector_load_idx %gather3A_886[%add3A_261, %add3A_882] : memref<128x64xf32, #tpu.memory_space<vmem>>[vector<16xi32>, vector<16xi32>], vector<16xf32>,
          %mul3A_888 = arith.constant 2 : i32
          %mul3A_889 = arith.muli %mul3A_888, %scan3A_280 : i32
          %add3A_890 = arith.constant 0 : i32
          %add3A_891 = arith.addi %add3A_890, %mul3A_889 : i32
          %add3A_892 = arith.constant 1 : i32
          %add3A_893 = arith.addi %add3A_891, %add3A_892 : i32
          %mul3A_894 = arith.constant 16 : i32
          %mul3A_895 = arith.muli %scan3A_253, %mul3A_894 : i32
          %get3A_896 = arith.constant 0 : i32
          %get3A_897 = arith.constant 2 : i32
          %get3A_898 = arith.index_cast %get3A_896 : i32 to index
          %get3A_899 = arith.index_cast %add3A_893 : i32 to index
          %get3A_900 = arith.index_cast %get3A_897 : i32 to index
          %get3A_901 = arith.index_cast %mul3A_895 : i32 to index
          %get3A_902 = tpu.vector_load %arg10[%get3A_898, %get3A_899, %get3A_900, %get3A_901] {strides = array<i32>} : memref<2x24x8x128xf32, #tpu.memory_space<vmem>>, vector<16xf32>,
          %mul3A_903 = arith.mulf %gather3A_887, %get3A_902 : vector<16xf32>
          %add3A_904 = arith.addf %add3A_786, %mul3A_903 : vector<16xf32>
          %mul3A_905 = arith.constant 2 : i32
          %mul3A_906 = arith.muli %mul3A_905, %scan3A_280 : i32
          %add3A_907 = arith.constant 8 : i32
          %add3A_908 = arith.addi %add3A_907, %mul3A_906 : i32
          %add3A_909 = arith.constant 1 : i32
          %add3A_910 = arith.addi %add3A_908, %add3A_909 : i32
          %mul3A_911 = arith.constant 16 : i32
          %mul3A_912 = arith.muli %scan3A_253, %mul3A_911 : i32
          %get3A_913 = arith.constant 0 : i32
          %get3A_914 = arith.constant 2 : i32
          %get3A_915 = arith.index_cast %get3A_913 : i32 to index
          %get3A_916 = arith.index_cast %add3A_910 : i32 to index
          %get3A_917 = arith.index_cast %get3A_914 : i32 to index
          %get3A_918 = arith.index_cast %mul3A_912 : i32 to index
          %get3A_919 = tpu.vector_load %arg10[%get3A_915, %get3A_916, %get3A_917, %get3A_918] {strides = array<i32>} : memref<2x24x8x128xf32, #tpu.memory_space<vmem>>, vector<16xf32>,
          %mul3A_920 = arith.mulf %gather3A_887, %get3A_919 : vector<16xf32>
          %add3A_921 = arith.addf %add3A_803, %mul3A_920 : vector<16xf32>
          %mul3A_922 = arith.constant 2 : i32
          %mul3A_923 = arith.muli %mul3A_922, %scan3A_280 : i32
          %add3A_924 = arith.constant 16 : i32
          %add3A_925 = arith.addi %add3A_924, %mul3A_923 : i32
          %add3A_926 = arith.constant 1 : i32
          %add3A_927 = arith.addi %add3A_925, %add3A_926 : i32
          %mul3A_928 = arith.constant 16 : i32
          %mul3A_929 = arith.muli %scan3A_253, %mul3A_928 : i32
          %get3A_930 = arith.constant 0 : i32
          %get3A_931 = arith.constant 2 : i32
          %get3A_932 = arith.index_cast %get3A_930 : i32 to index
          %get3A_933 = arith.index_cast %add3A_927 : i32 to index
          %get3A_934 = arith.index_cast %get3A_931 : i32 to index
          %get3A_935 = arith.index_cast %mul3A_929 : i32 to index
          %get3A_936 = tpu.vector_load %arg10[%get3A_932, %get3A_933, %get3A_934, %get3A_935] {strides = array<i32>} : memref<2x24x8x128xf32, #tpu.memory_space<vmem>>, vector<16xf32>,
          %mul3A_937 = arith.mulf %gather3A_887, %get3A_936 : vector<16xf32>
          %add3A_938 = arith.addf %add3A_820, %mul3A_937 : vector<16xf32>
          %add3A_939 = arith.constant 11 : i32
          %add3A_940 = vector.broadcast %add3A_939 : i32 to vector<16xi32>
          %add3A_941 = arith.addi %mul3A_290, %add3A_940 : vector<16xi32>
          %gather3A_942 = arith.constant 0 : i32
          %gather3A_943 = arith.constant 0 : i32
          %gather3A_944 = tpu.memref_slice %arg9[%scan3A_194, %gather3A_942, %gather3A_943] : memref<2x128x64xf32, #tpu.memory_space<vmem>> -> memref<1x128x64xf32, #tpu.memory_space<vmem>>
          %gather3A_945 = tpu.memref_squeeze %gather3A_944 : memref<1x128x64xf32, #tpu.memory_space<vmem>> -> memref<128x64xf32, #tpu.memory_space<vmem>>
          %gather3A_946 = tpu.vector_load_idx %gather3A_945[%add3A_261, %add3A_941] : memref<128x64xf32, #tpu.memory_space<vmem>>[vector<16xi32>, vector<16xi32>], vector<16xf32>,
          %mul3A_947 = arith.constant 2 : i32
          %mul3A_948 = arith.muli %mul3A_947, %scan3A_280 : i32
          %add3A_949 = arith.constant 0 : i32
          %add3A_950 = arith.addi %add3A_949, %mul3A_948 : i32
          %add3A_951 = arith.constant 1 : i32
          %add3A_952 = arith.addi %add3A_950, %add3A_951 : i32
          %mul3A_953 = arith.constant 16 : i32
          %mul3A_954 = arith.muli %scan3A_253, %mul3A_953 : i32
          %get3A_955 = arith.constant 0 : i32
          %get3A_956 = arith.constant 3 : i32
          %get3A_957 = arith.index_cast %get3A_955 : i32 to index
          %get3A_958 = arith.index_cast %add3A_952 : i32 to index
          %get3A_959 = arith.index_cast %get3A_956 : i32 to index
          %get3A_960 = arith.index_cast %mul3A_954 : i32 to index
          %get3A_961 = tpu.vector_load %arg10[%get3A_957, %get3A_958, %get3A_959, %get3A_960] {strides = array<i32>} : memref<2x24x8x128xf32, #tpu.memory_space<vmem>>, vector<16xf32>,
          %mul3A_962 = arith.mulf %gather3A_946, %get3A_961 : vector<16xf32>
          %add3A_963 = arith.addf %add3A_845, %mul3A_962 : vector<16xf32>
          %mul3A_964 = arith.constant 2 : i32
          %mul3A_965 = arith.muli %mul3A_964, %scan3A_280 : i32
          %add3A_966 = arith.constant 8 : i32
          %add3A_967 = arith.addi %add3A_966, %mul3A_965 : i32
          %add3A_968 = arith.constant 1 : i32
          %add3A_969 = arith.addi %add3A_967, %add3A_968 : i32
          %mul3A_970 = arith.constant 16 : i32
          %mul3A_971 = arith.muli %scan3A_253, %mul3A_970 : i32
          %get3A_972 = arith.constant 0 : i32
          %get3A_973 = arith.constant 3 : i32
          %get3A_974 = arith.index_cast %get3A_972 : i32 to index
          %get3A_975 = arith.index_cast %add3A_969 : i32 to index
          %get3A_976 = arith.index_cast %get3A_973 : i32 to index
          %get3A_977 = arith.index_cast %mul3A_971 : i32 to index
          %get3A_978 = tpu.vector_load %arg10[%get3A_974, %get3A_975, %get3A_976, %get3A_977] {strides = array<i32>} : memref<2x24x8x128xf32, #tpu.memory_space<vmem>>, vector<16xf32>,
          %mul3A_979 = arith.mulf %gather3A_946, %get3A_978 : vector<16xf32>
          %add3A_980 = arith.addf %add3A_862, %mul3A_979 : vector<16xf32>
          %mul3A_981 = arith.constant 2 : i32
          %mul3A_982 = arith.muli %mul3A_981, %scan3A_280 : i32
          %add3A_983 = arith.constant 16 : i32
          %add3A_984 = arith.addi %add3A_983, %mul3A_982 : i32
          %add3A_985 = arith.constant 1 : i32
          %add3A_986 = arith.addi %add3A_984, %add3A_985 : i32
          %mul3A_987 = arith.constant 16 : i32
          %mul3A_988 = arith.muli %scan3A_253, %mul3A_987 : i32
          %get3A_989 = arith.constant 0 : i32
          %get3A_990 = arith.constant 3 : i32
          %get3A_991 = arith.index_cast %get3A_989 : i32 to index
          %get3A_992 = arith.index_cast %add3A_986 : i32 to index
          %get3A_993 = arith.index_cast %get3A_990 : i32 to index
          %get3A_994 = arith.index_cast %mul3A_988 : i32 to index
          %get3A_995 = tpu.vector_load %arg10[%get3A_991, %get3A_992, %get3A_993, %get3A_994] {strides = array<i32>} : memref<2x24x8x128xf32, #tpu.memory_space<vmem>>, vector<16xf32>,
          %mul3A_996 = arith.mulf %gather3A_946, %get3A_995 : vector<16xf32>
          %add3A_997 = arith.addf %add3A_879, %mul3A_996 : vector<16xf32>
          %add3A_998 = arith.constant 12 : i32
          %add3A_999 = vector.broadcast %add3A_998 : i32 to vector<16xi32>
          %add3A_1000 = arith.addi %mul3A_290, %add3A_999 : vector<16xi32>
          %gather3A_1001 = arith.constant 0 : i32
          %gather3A_1002 = arith.constant 0 : i32
          %gather3A_1003 = tpu.memref_slice %arg9[%scan3A_194, %gather3A_1001, %gather3A_1002] : memref<2x128x64xf32, #tpu.memory_space<vmem>> -> memref<1x128x64xf32, #tpu.memory_space<vmem>>
          %gather3A_1004 = tpu.memref_squeeze %gather3A_1003 : memref<1x128x64xf32, #tpu.memory_space<vmem>> -> memref<128x64xf32, #tpu.memory_space<vmem>>
          %gather3A_1005 = tpu.vector_load_idx %gather3A_1004[%add3A_261, %add3A_1000] : memref<128x64xf32, #tpu.memory_space<vmem>>[vector<16xi32>, vector<16xi32>], vector<16xf32>,
          %mul3A_1006 = arith.constant 2 : i32
          %mul3A_1007 = arith.muli %mul3A_1006, %scan3A_280 : i32
          %add3A_1008 = arith.constant 0 : i32
          %add3A_1009 = arith.addi %add3A_1008, %mul3A_1007 : i32
          %add3A_1010 = arith.constant 1 : i32
          %add3A_1011 = arith.addi %add3A_1009, %add3A_1010 : i32
          %mul3A_1012 = arith.constant 16 : i32
          %mul3A_1013 = arith.muli %scan3A_253, %mul3A_1012 : i32
          %get3A_1014 = arith.constant 0 : i32
          %get3A_1015 = arith.constant 4 : i32
          %get3A_1016 = arith.index_cast %get3A_1014 : i32 to index
          %get3A_1017 = arith.index_cast %add3A_1011 : i32 to index
          %get3A_1018 = arith.index_cast %get3A_1015 : i32 to index
          %get3A_1019 = arith.index_cast %mul3A_1013 : i32 to index
          %get3A_1020 = tpu.vector_load %arg10[%get3A_1016, %get3A_1017, %get3A_1018, %get3A_1019] {strides = array<i32>} : memref<2x24x8x128xf32, #tpu.memory_space<vmem>>, vector<16xf32>,
          %mul3A_1021 = arith.mulf %gather3A_1005, %get3A_1020 : vector<16xf32>
          %add3A_1022 = arith.addf %add3A_904, %mul3A_1021 : vector<16xf32>
          %mul3A_1023 = arith.constant 2 : i32
          %mul3A_1024 = arith.muli %mul3A_1023, %scan3A_280 : i32
          %add3A_1025 = arith.constant 8 : i32
          %add3A_1026 = arith.addi %add3A_1025, %mul3A_1024 : i32
          %add3A_1027 = arith.constant 1 : i32
          %add3A_1028 = arith.addi %add3A_1026, %add3A_1027 : i32
          %mul3A_1029 = arith.constant 16 : i32
          %mul3A_1030 = arith.muli %scan3A_253, %mul3A_1029 : i32
          %get3A_1031 = arith.constant 0 : i32
          %get3A_1032 = arith.constant 4 : i32
          %get3A_1033 = arith.index_cast %get3A_1031 : i32 to index
          %get3A_1034 = arith.index_cast %add3A_1028 : i32 to index
          %get3A_1035 = arith.index_cast %get3A_1032 : i32 to index
          %get3A_1036 = arith.index_cast %mul3A_1030 : i32 to index
          %get3A_1037 = tpu.vector_load %arg10[%get3A_1033, %get3A_1034, %get3A_1035, %get3A_1036] {strides = array<i32>} : memref<2x24x8x128xf32, #tpu.memory_space<vmem>>, vector<16xf32>,
          %mul3A_1038 = arith.mulf %gather3A_1005, %get3A_1037 : vector<16xf32>
          %add3A_1039 = arith.addf %add3A_921, %mul3A_1038 : vector<16xf32>
          %mul3A_1040 = arith.constant 2 : i32
          %mul3A_1041 = arith.muli %mul3A_1040, %scan3A_280 : i32
          %add3A_1042 = arith.constant 16 : i32
          %add3A_1043 = arith.addi %add3A_1042, %mul3A_1041 : i32
          %add3A_1044 = arith.constant 1 : i32
          %add3A_1045 = arith.addi %add3A_1043, %add3A_1044 : i32
          %mul3A_1046 = arith.constant 16 : i32
          %mul3A_1047 = arith.muli %scan3A_253, %mul3A_1046 : i32
          %get3A_1048 = arith.constant 0 : i32
          %get3A_1049 = arith.constant 4 : i32
          %get3A_1050 = arith.index_cast %get3A_1048 : i32 to index
          %get3A_1051 = arith.index_cast %add3A_1045 : i32 to index
          %get3A_1052 = arith.index_cast %get3A_1049 : i32 to index
          %get3A_1053 = arith.index_cast %mul3A_1047 : i32 to index
          %get3A_1054 = tpu.vector_load %arg10[%get3A_1050, %get3A_1051, %get3A_1052, %get3A_1053] {strides = array<i32>} : memref<2x24x8x128xf32, #tpu.memory_space<vmem>>, vector<16xf32>,
          %mul3A_1055 = arith.mulf %gather3A_1005, %get3A_1054 : vector<16xf32>
          %add3A_1056 = arith.addf %add3A_938, %mul3A_1055 : vector<16xf32>
          %add3A_1057 = arith.constant 13 : i32
          %add3A_1058 = vector.broadcast %add3A_1057 : i32 to vector<16xi32>
          %add3A_1059 = arith.addi %mul3A_290, %add3A_1058 : vector<16xi32>
          %gather3A_1060 = arith.constant 0 : i32
          %gather3A_1061 = arith.constant 0 : i32
          %gather3A_1062 = tpu.memref_slice %arg9[%scan3A_194, %gather3A_1060, %gather3A_1061] : memref<2x128x64xf32, #tpu.memory_space<vmem>> -> memref<1x128x64xf32, #tpu.memory_space<vmem>>
          %gather3A_1063 = tpu.memref_squeeze %gather3A_1062 : memref<1x128x64xf32, #tpu.memory_space<vmem>> -> memref<128x64xf32, #tpu.memory_space<vmem>>
          %gather3A_1064 = tpu.vector_load_idx %gather3A_1063[%add3A_261, %add3A_1059] : memref<128x64xf32, #tpu.memory_space<vmem>>[vector<16xi32>, vector<16xi32>], vector<16xf32>,
          %mul3A_1065 = arith.constant 2 : i32
          %mul3A_1066 = arith.muli %mul3A_1065, %scan3A_280 : i32
          %add3A_1067 = arith.constant 0 : i32
          %add3A_1068 = arith.addi %add3A_1067, %mul3A_1066 : i32
          %add3A_1069 = arith.constant 1 : i32
          %add3A_1070 = arith.addi %add3A_1068, %add3A_1069 : i32
          %mul3A_1071 = arith.constant 16 : i32
          %mul3A_1072 = arith.muli %scan3A_253, %mul3A_1071 : i32
          %get3A_1073 = arith.constant 0 : i32
          %get3A_1074 = arith.constant 5 : i32
          %get3A_1075 = arith.index_cast %get3A_1073 : i32 to index
          %get3A_1076 = arith.index_cast %add3A_1070 : i32 to index
          %get3A_1077 = arith.index_cast %get3A_1074 : i32 to index
          %get3A_1078 = arith.index_cast %mul3A_1072 : i32 to index
          %get3A_1079 = tpu.vector_load %arg10[%get3A_1075, %get3A_1076, %get3A_1077, %get3A_1078] {strides = array<i32>} : memref<2x24x8x128xf32, #tpu.memory_space<vmem>>, vector<16xf32>,
          %mul3A_1080 = arith.mulf %gather3A_1064, %get3A_1079 : vector<16xf32>
          %add3A_1081 = arith.addf %add3A_963, %mul3A_1080 : vector<16xf32>
          %mul3A_1082 = arith.constant 2 : i32
          %mul3A_1083 = arith.muli %mul3A_1082, %scan3A_280 : i32
          %add3A_1084 = arith.constant 8 : i32
          %add3A_1085 = arith.addi %add3A_1084, %mul3A_1083 : i32
          %add3A_1086 = arith.constant 1 : i32
          %add3A_1087 = arith.addi %add3A_1085, %add3A_1086 : i32
          %mul3A_1088 = arith.constant 16 : i32
          %mul3A_1089 = arith.muli %scan3A_253, %mul3A_1088 : i32
          %get3A_1090 = arith.constant 0 : i32
          %get3A_1091 = arith.constant 5 : i32
          %get3A_1092 = arith.index_cast %get3A_1090 : i32 to index
          %get3A_1093 = arith.index_cast %add3A_1087 : i32 to index
          %get3A_1094 = arith.index_cast %get3A_1091 : i32 to index
          %get3A_1095 = arith.index_cast %mul3A_1089 : i32 to index
          %get3A_1096 = tpu.vector_load %arg10[%get3A_1092, %get3A_1093, %get3A_1094, %get3A_1095] {strides = array<i32>} : memref<2x24x8x128xf32, #tpu.memory_space<vmem>>, vector<16xf32>,
          %mul3A_1097 = arith.mulf %gather3A_1064, %get3A_1096 : vector<16xf32>
          %add3A_1098 = arith.addf %add3A_980, %mul3A_1097 : vector<16xf32>
          %mul3A_1099 = arith.constant 2 : i32
          %mul3A_1100 = arith.muli %mul3A_1099, %scan3A_280 : i32
          %add3A_1101 = arith.constant 16 : i32
          %add3A_1102 = arith.addi %add3A_1101, %mul3A_1100 : i32
          %add3A_1103 = arith.constant 1 : i32
          %add3A_1104 = arith.addi %add3A_1102, %add3A_1103 : i32
          %mul3A_1105 = arith.constant 16 : i32
          %mul3A_1106 = arith.muli %scan3A_253, %mul3A_1105 : i32
          %get3A_1107 = arith.constant 0 : i32
          %get3A_1108 = arith.constant 5 : i32
          %get3A_1109 = arith.index_cast %get3A_1107 : i32 to index
          %get3A_1110 = arith.index_cast %add3A_1104 : i32 to index
          %get3A_1111 = arith.index_cast %get3A_1108 : i32 to index
          %get3A_1112 = arith.index_cast %mul3A_1106 : i32 to index
          %get3A_1113 = tpu.vector_load %arg10[%get3A_1109, %get3A_1110, %get3A_1111, %get3A_1112] {strides = array<i32>} : memref<2x24x8x128xf32, #tpu.memory_space<vmem>>, vector<16xf32>,
          %mul3A_1114 = arith.mulf %gather3A_1064, %get3A_1113 : vector<16xf32>
          %add3A_1115 = arith.addf %add3A_997, %mul3A_1114 : vector<16xf32>
          %add3A_1116 = arith.constant 14 : i32
          %add3A_1117 = vector.broadcast %add3A_1116 : i32 to vector<16xi32>
          %add3A_1118 = arith.addi %mul3A_290, %add3A_1117 : vector<16xi32>
          %gather3A_1119 = arith.constant 0 : i32
          %gather3A_1120 = arith.constant 0 : i32
          %gather3A_1121 = tpu.memref_slice %arg9[%scan3A_194, %gather3A_1119, %gather3A_1120] : memref<2x128x64xf32, #tpu.memory_space<vmem>> -> memref<1x128x64xf32, #tpu.memory_space<vmem>>
          %gather3A_1122 = tpu.memref_squeeze %gather3A_1121 : memref<1x128x64xf32, #tpu.memory_space<vmem>> -> memref<128x64xf32, #tpu.memory_space<vmem>>
          %gather3A_1123 = tpu.vector_load_idx %gather3A_1122[%add3A_261, %add3A_1118] : memref<128x64xf32, #tpu.memory_space<vmem>>[vector<16xi32>, vector<16xi32>], vector<16xf32>,
          %mul3A_1124 = arith.constant 2 : i32
          %mul3A_1125 = arith.muli %mul3A_1124, %scan3A_280 : i32
          %add3A_1126 = arith.constant 0 : i32
          %add3A_1127 = arith.addi %add3A_1126, %mul3A_1125 : i32
          %add3A_1128 = arith.constant 1 : i32
          %add3A_1129 = arith.addi %add3A_1127, %add3A_1128 : i32
          %mul3A_1130 = arith.constant 16 : i32
          %mul3A_1131 = arith.muli %scan3A_253, %mul3A_1130 : i32
          %get3A_1132 = arith.constant 0 : i32
          %get3A_1133 = arith.constant 6 : i32
          %get3A_1134 = arith.index_cast %get3A_1132 : i32 to index
          %get3A_1135 = arith.index_cast %add3A_1129 : i32 to index
          %get3A_1136 = arith.index_cast %get3A_1133 : i32 to index
          %get3A_1137 = arith.index_cast %mul3A_1131 : i32 to index
          %get3A_1138 = tpu.vector_load %arg10[%get3A_1134, %get3A_1135, %get3A_1136, %get3A_1137] {strides = array<i32>} : memref<2x24x8x128xf32, #tpu.memory_space<vmem>>, vector<16xf32>,
          %mul3A_1139 = arith.mulf %gather3A_1123, %get3A_1138 : vector<16xf32>
          %add3A_1140 = arith.addf %add3A_1022, %mul3A_1139 : vector<16xf32>
          %mul3A_1141 = arith.constant 2 : i32
          %mul3A_1142 = arith.muli %mul3A_1141, %scan3A_280 : i32
          %add3A_1143 = arith.constant 8 : i32
          %add3A_1144 = arith.addi %add3A_1143, %mul3A_1142 : i32
          %add3A_1145 = arith.constant 1 : i32
          %add3A_1146 = arith.addi %add3A_1144, %add3A_1145 : i32
          %mul3A_1147 = arith.constant 16 : i32
          %mul3A_1148 = arith.muli %scan3A_253, %mul3A_1147 : i32
          %get3A_1149 = arith.constant 0 : i32
          %get3A_1150 = arith.constant 6 : i32
          %get3A_1151 = arith.index_cast %get3A_1149 : i32 to index
          %get3A_1152 = arith.index_cast %add3A_1146 : i32 to index
          %get3A_1153 = arith.index_cast %get3A_1150 : i32 to index
          %get3A_1154 = arith.index_cast %mul3A_1148 : i32 to index
          %get3A_1155 = tpu.vector_load %arg10[%get3A_1151, %get3A_1152, %get3A_1153, %get3A_1154] {strides = array<i32>} : memref<2x24x8x128xf32, #tpu.memory_space<vmem>>, vector<16xf32>,
          %mul3A_1156 = arith.mulf %gather3A_1123, %get3A_1155 : vector<16xf32>
          %add3A_1157 = arith.addf %add3A_1039, %mul3A_1156 : vector<16xf32>
          %mul3A_1158 = arith.constant 2 : i32
          %mul3A_1159 = arith.muli %mul3A_1158, %scan3A_280 : i32
          %add3A_1160 = arith.constant 16 : i32
          %add3A_1161 = arith.addi %add3A_1160, %mul3A_1159 : i32
          %add3A_1162 = arith.constant 1 : i32
          %add3A_1163 = arith.addi %add3A_1161, %add3A_1162 : i32
          %mul3A_1164 = arith.constant 16 : i32
          %mul3A_1165 = arith.muli %scan3A_253, %mul3A_1164 : i32
          %get3A_1166 = arith.constant 0 : i32
          %get3A_1167 = arith.constant 6 : i32
          %get3A_1168 = arith.index_cast %get3A_1166 : i32 to index
          %get3A_1169 = arith.index_cast %add3A_1163 : i32 to index
          %get3A_1170 = arith.index_cast %get3A_1167 : i32 to index
          %get3A_1171 = arith.index_cast %mul3A_1165 : i32 to index
          %get3A_1172 = tpu.vector_load %arg10[%get3A_1168, %get3A_1169, %get3A_1170, %get3A_1171] {strides = array<i32>} : memref<2x24x8x128xf32, #tpu.memory_space<vmem>>, vector<16xf32>,
          %mul3A_1173 = arith.mulf %gather3A_1123, %get3A_1172 : vector<16xf32>
          %add3A_1174 = arith.addf %add3A_1056, %mul3A_1173 : vector<16xf32>
          %add3A_1175 = arith.constant 15 : i32
          %add3A_1176 = vector.broadcast %add3A_1175 : i32 to vector<16xi32>
          %add3A_1177 = arith.addi %mul3A_290, %add3A_1176 : vector<16xi32>
          %gather3A_1178 = arith.constant 0 : i32
          %gather3A_1179 = arith.constant 0 : i32
          %gather3A_1180 = tpu.memref_slice %arg9[%scan3A_194, %gather3A_1178, %gather3A_1179] : memref<2x128x64xf32, #tpu.memory_space<vmem>> -> memref<1x128x64xf32, #tpu.memory_space<vmem>>
          %gather3A_1181 = tpu.memref_squeeze %gather3A_1180 : memref<1x128x64xf32, #tpu.memory_space<vmem>> -> memref<128x64xf32, #tpu.memory_space<vmem>>
          %gather3A_1182 = tpu.vector_load_idx %gather3A_1181[%add3A_261, %add3A_1177] : memref<128x64xf32, #tpu.memory_space<vmem>>[vector<16xi32>, vector<16xi32>], vector<16xf32>,
          %mul3A_1183 = arith.constant 2 : i32
          %mul3A_1184 = arith.muli %mul3A_1183, %scan3A_280 : i32
          %add3A_1185 = arith.constant 0 : i32
          %add3A_1186 = arith.addi %add3A_1185, %mul3A_1184 : i32
          %add3A_1187 = arith.constant 1 : i32
          %add3A_1188 = arith.addi %add3A_1186, %add3A_1187 : i32
          %mul3A_1189 = arith.constant 16 : i32
          %mul3A_1190 = arith.muli %scan3A_253, %mul3A_1189 : i32
          %get3A_1191 = arith.constant 0 : i32
          %get3A_1192 = arith.constant 7 : i32
          %get3A_1193 = arith.index_cast %get3A_1191 : i32 to index
          %get3A_1194 = arith.index_cast %add3A_1188 : i32 to index
          %get3A_1195 = arith.index_cast %get3A_1192 : i32 to index
          %get3A_1196 = arith.index_cast %mul3A_1190 : i32 to index
          %get3A_1197 = tpu.vector_load %arg10[%get3A_1193, %get3A_1194, %get3A_1195, %get3A_1196] {strides = array<i32>} : memref<2x24x8x128xf32, #tpu.memory_space<vmem>>, vector<16xf32>,
          %mul3A_1198 = arith.mulf %gather3A_1182, %get3A_1197 : vector<16xf32>
          %add3A_1199 = arith.addf %add3A_1081, %mul3A_1198 : vector<16xf32>
          %mul3A_1200 = arith.constant 2 : i32
          %mul3A_1201 = arith.muli %mul3A_1200, %scan3A_280 : i32
          %add3A_1202 = arith.constant 8 : i32
          %add3A_1203 = arith.addi %add3A_1202, %mul3A_1201 : i32
          %add3A_1204 = arith.constant 1 : i32
          %add3A_1205 = arith.addi %add3A_1203, %add3A_1204 : i32
          %mul3A_1206 = arith.constant 16 : i32
          %mul3A_1207 = arith.muli %scan3A_253, %mul3A_1206 : i32
          %get3A_1208 = arith.constant 0 : i32
          %get3A_1209 = arith.constant 7 : i32
          %get3A_1210 = arith.index_cast %get3A_1208 : i32 to index
          %get3A_1211 = arith.index_cast %add3A_1205 : i32 to index
          %get3A_1212 = arith.index_cast %get3A_1209 : i32 to index
          %get3A_1213 = arith.index_cast %mul3A_1207 : i32 to index
          %get3A_1214 = tpu.vector_load %arg10[%get3A_1210, %get3A_1211, %get3A_1212, %get3A_1213] {strides = array<i32>} : memref<2x24x8x128xf32, #tpu.memory_space<vmem>>, vector<16xf32>,
          %mul3A_1215 = arith.mulf %gather3A_1182, %get3A_1214 : vector<16xf32>
          %add3A_1216 = arith.addf %add3A_1098, %mul3A_1215 : vector<16xf32>
          %mul3A_1217 = arith.constant 2 : i32
          %mul3A_1218 = arith.muli %mul3A_1217, %scan3A_280 : i32
          %add3A_1219 = arith.constant 16 : i32
          %add3A_1220 = arith.addi %add3A_1219, %mul3A_1218 : i32
          %add3A_1221 = arith.constant 1 : i32
          %add3A_1222 = arith.addi %add3A_1220, %add3A_1221 : i32
          %mul3A_1223 = arith.constant 16 : i32
          %mul3A_1224 = arith.muli %scan3A_253, %mul3A_1223 : i32
          %get3A_1225 = arith.constant 0 : i32
          %get3A_1226 = arith.constant 7 : i32
          %get3A_1227 = arith.index_cast %get3A_1225 : i32 to index
          %get3A_1228 = arith.index_cast %add3A_1222 : i32 to index
          %get3A_1229 = arith.index_cast %get3A_1226 : i32 to index
          %get3A_1230 = arith.index_cast %mul3A_1224 : i32 to index
          %get3A_1231 = tpu.vector_load %arg10[%get3A_1227, %get3A_1228, %get3A_1229, %get3A_1230] {strides = array<i32>} : memref<2x24x8x128xf32, #tpu.memory_space<vmem>>, vector<16xf32>,
          %mul3A_1232 = arith.mulf %gather3A_1182, %get3A_1231 : vector<16xf32>
          %add3A_1233 = arith.addf %add3A_1115, %mul3A_1232 : vector<16xf32>
          scf.yield %add3A_1140, %add3A_1199, %add3A_1157, %add3A_1216, %add3A_1174, %add3A_1233 : vector<16xf32>, vector<16xf32>, vector<16xf32>, vector<16xf32>, vector<16xf32>, vector<16xf32>
        }
        %scan3A_267 = arith.constant 4 : i32
        %add3A_268 = arith.addf %scan3A_266#0, %scan3A_266#1 : vector<16xf32>
        %add3A_269 = arith.constant 0 : i32
        %add3A_270 = vector.broadcast %add3A_269 : i32 to vector<16xi32>
        %add3A_271 = arith.addi %get3A_257, %add3A_270 : vector<16xi32>
        tpu.vector_store_idx %arg11[%add3A_271], %add3A_268 masked %eq3A_2 {add = true} : memref<6144xf32, #tpu.memory_space<vmem>>[vector<16xi32>], vector<16xf32>, vector<16xi1>
        tpu.vector_store_idx %arg11[%add3A_271], %add3A_268 masked %eq3A_5 {add = true} : memref<6144xf32, #tpu.memory_space<vmem>>[vector<16xi32>], vector<16xf32>, vector<16xi1>
        tpu.vector_store_idx %arg11[%add3A_271], %add3A_268 masked %eq3A_8 {add = true} : memref<6144xf32, #tpu.memory_space<vmem>>[vector<16xi32>], vector<16xf32>, vector<16xi1>
        tpu.vector_store_idx %arg11[%add3A_271], %add3A_268 masked %eq3A_11 {add = true} : memref<6144xf32, #tpu.memory_space<vmem>>[vector<16xi32>], vector<16xf32>, vector<16xi1>
        tpu.vector_store_idx %arg11[%add3A_271], %add3A_268 masked %eq3A_14 {add = true} : memref<6144xf32, #tpu.memory_space<vmem>>[vector<16xi32>], vector<16xf32>, vector<16xi1>
        tpu.vector_store_idx %arg11[%add3A_271], %add3A_268 masked %eq3A_17 {add = true} : memref<6144xf32, #tpu.memory_space<vmem>>[vector<16xi32>], vector<16xf32>, vector<16xi1>
        tpu.vector_store_idx %arg11[%add3A_271], %add3A_268 masked %eq3A_20 {add = true} : memref<6144xf32, #tpu.memory_space<vmem>>[vector<16xi32>], vector<16xf32>, vector<16xi1>
        tpu.vector_store_idx %arg11[%add3A_271], %add3A_268 masked %eq3A_23 {add = true} : memref<6144xf32, #tpu.memory_space<vmem>>[vector<16xi32>], vector<16xf32>, vector<16xi1>
        tpu.vector_store_idx %arg11[%add3A_271], %add3A_268 masked %eq3A_26 {add = true} : memref<6144xf32, #tpu.memory_space<vmem>>[vector<16xi32>], vector<16xf32>, vector<16xi1>
        tpu.vector_store_idx %arg11[%add3A_271], %add3A_268 masked %eq3A_29 {add = true} : memref<6144xf32, #tpu.memory_space<vmem>>[vector<16xi32>], vector<16xf32>, vector<16xi1>
        tpu.vector_store_idx %arg11[%add3A_271], %add3A_268 masked %eq3A_32 {add = true} : memref<6144xf32, #tpu.memory_space<vmem>>[vector<16xi32>], vector<16xf32>, vector<16xi1>
        tpu.vector_store_idx %arg11[%add3A_271], %add3A_268 masked %eq3A_35 {add = true} : memref<6144xf32, #tpu.memory_space<vmem>>[vector<16xi32>], vector<16xf32>, vector<16xi1>
        tpu.vector_store_idx %arg11[%add3A_271], %add3A_268 masked %eq3A_38 {add = true} : memref<6144xf32, #tpu.memory_space<vmem>>[vector<16xi32>], vector<16xf32>, vector<16xi1>
        tpu.vector_store_idx %arg11[%add3A_271], %add3A_268 masked %eq3A_41 {add = true} : memref<6144xf32, #tpu.memory_space<vmem>>[vector<16xi32>], vector<16xf32>, vector<16xi1>
        tpu.vector_store_idx %arg11[%add3A_271], %add3A_268 masked %eq3A_44 {add = true} : memref<6144xf32, #tpu.memory_space<vmem>>[vector<16xi32>], vector<16xf32>, vector<16xi1>
        tpu.vector_store_idx %arg11[%add3A_271], %add3A_268 masked %eq3A_47 {add = true} : memref<6144xf32, #tpu.memory_space<vmem>>[vector<16xi32>], vector<16xf32>, vector<16xi1>
        %add3A_272 = arith.addf %scan3A_266#2, %scan3A_266#3 : vector<16xf32>
        %add3A_273 = arith.constant 2048 : i32
        %add3A_274 = vector.broadcast %add3A_273 : i32 to vector<16xi32>
        %add3A_275 = arith.addi %get3A_257, %add3A_274 : vector<16xi32>
        tpu.vector_store_idx %arg11[%add3A_275], %add3A_272 masked %eq3A_2 {add = true} : memref<6144xf32, #tpu.memory_space<vmem>>[vector<16xi32>], vector<16xf32>, vector<16xi1>
        tpu.vector_store_idx %arg11[%add3A_275], %add3A_272 masked %eq3A_5 {add = true} : memref<6144xf32, #tpu.memory_space<vmem>>[vector<16xi32>], vector<16xf32>, vector<16xi1>
        tpu.vector_store_idx %arg11[%add3A_275], %add3A_272 masked %eq3A_8 {add = true} : memref<6144xf32, #tpu.memory_space<vmem>>[vector<16xi32>], vector<16xf32>, vector<16xi1>
        tpu.vector_store_idx %arg11[%add3A_275], %add3A_272 masked %eq3A_11 {add = true} : memref<6144xf32, #tpu.memory_space<vmem>>[vector<16xi32>], vector<16xf32>, vector<16xi1>
        tpu.vector_store_idx %arg11[%add3A_275], %add3A_272 masked %eq3A_14 {add = true} : memref<6144xf32, #tpu.memory_space<vmem>>[vector<16xi32>], vector<16xf32>, vector<16xi1>
        tpu.vector_store_idx %arg11[%add3A_275], %add3A_272 masked %eq3A_17 {add = true} : memref<6144xf32, #tpu.memory_space<vmem>>[vector<16xi32>], vector<16xf32>, vector<16xi1>
        tpu.vector_store_idx %arg11[%add3A_275], %add3A_272 masked %eq3A_20 {add = true} : memref<6144xf32, #tpu.memory_space<vmem>>[vector<16xi32>], vector<16xf32>, vector<16xi1>
        tpu.vector_store_idx %arg11[%add3A_275], %add3A_272 masked %eq3A_23 {add = true} : memref<6144xf32, #tpu.memory_space<vmem>>[vector<16xi32>], vector<16xf32>, vector<16xi1>
        tpu.vector_store_idx %arg11[%add3A_275], %add3A_272 masked %eq3A_26 {add = true} : memref<6144xf32, #tpu.memory_space<vmem>>[vector<16xi32>], vector<16xf32>, vector<16xi1>
        tpu.vector_store_idx %arg11[%add3A_275], %add3A_272 masked %eq3A_29 {add = true} : memref<6144xf32, #tpu.memory_space<vmem>>[vector<16xi32>], vector<16xf32>, vector<16xi1>
        tpu.vector_store_idx %arg11[%add3A_275], %add3A_272 masked %eq3A_32 {add = true} : memref<6144xf32, #tpu.memory_space<vmem>>[vector<16xi32>], vector<16xf32>, vector<16xi1>
        tpu.vector_store_idx %arg11[%add3A_275], %add3A_272 masked %eq3A_35 {add = true} : memref<6144xf32, #tpu.memory_space<vmem>>[vector<16xi32>], vector<16xf32>, vector<16xi1>
        tpu.vector_store_idx %arg11[%add3A_275], %add3A_272 masked %eq3A_38 {add = true} : memref<6144xf32, #tpu.memory_space<vmem>>[vector<16xi32>], vector<16xf32>, vector<16xi1>
        tpu.vector_store_idx %arg11[%add3A_275], %add3A_272 masked %eq3A_41 {add = true} : memref<6144xf32, #tpu.memory_space<vmem>>[vector<16xi32>], vector<16xf32>, vector<16xi1>
        tpu.vector_store_idx %arg11[%add3A_275], %add3A_272 masked %eq3A_44 {add = true} : memref<6144xf32, #tpu.memory_space<vmem>>[vector<16xi32>], vector<16xf32>, vector<16xi1>
        tpu.vector_store_idx %arg11[%add3A_275], %add3A_272 masked %eq3A_47 {add = true} : memref<6144xf32, #tpu.memory_space<vmem>>[vector<16xi32>], vector<16xf32>, vector<16xi1>
        %add3A_276 = arith.addf %scan3A_266#4, %scan3A_266#5 : vector<16xf32>
        %add3A_277 = arith.constant 4096 : i32
        %add3A_278 = vector.broadcast %add3A_277 : i32 to vector<16xi32>
        %add3A_279 = arith.addi %get3A_257, %add3A_278 : vector<16xi32>
        tpu.vector_store_idx %arg11[%add3A_279], %add3A_276 masked %eq3A_2 {add = true} : memref<6144xf32, #tpu.memory_space<vmem>>[vector<16xi32>], vector<16xf32>, vector<16xi1>
        tpu.vector_store_idx %arg11[%add3A_279], %add3A_276 masked %eq3A_5 {add = true} : memref<6144xf32, #tpu.memory_space<vmem>>[vector<16xi32>], vector<16xf32>, vector<16xi1>
        tpu.vector_store_idx %arg11[%add3A_279], %add3A_276 masked %eq3A_8 {add = true} : memref<6144xf32, #tpu.memory_space<vmem>>[vector<16xi32>], vector<16xf32>, vector<16xi1>
        tpu.vector_store_idx %arg11[%add3A_279], %add3A_276 masked %eq3A_11 {add = true} : memref<6144xf32, #tpu.memory_space<vmem>>[vector<16xi32>], vector<16xf32>, vector<16xi1>
        tpu.vector_store_idx %arg11[%add3A_279], %add3A_276 masked %eq3A_14 {add = true} : memref<6144xf32, #tpu.memory_space<vmem>>[vector<16xi32>], vector<16xf32>, vector<16xi1>
        tpu.vector_store_idx %arg11[%add3A_279], %add3A_276 masked %eq3A_17 {add = true} : memref<6144xf32, #tpu.memory_space<vmem>>[vector<16xi32>], vector<16xf32>, vector<16xi1>
        tpu.vector_store_idx %arg11[%add3A_279], %add3A_276 masked %eq3A_20 {add = true} : memref<6144xf32, #tpu.memory_space<vmem>>[vector<16xi32>], vector<16xf32>, vector<16xi1>
        tpu.vector_store_idx %arg11[%add3A_279], %add3A_276 masked %eq3A_23 {add = true} : memref<6144xf32, #tpu.memory_space<vmem>>[vector<16xi32>], vector<16xf32>, vector<16xi1>
        tpu.vector_store_idx %arg11[%add3A_279], %add3A_276 masked %eq3A_26 {add = true} : memref<6144xf32, #tpu.memory_space<vmem>>[vector<16xi32>], vector<16xf32>, vector<16xi1>
        tpu.vector_store_idx %arg11[%add3A_279], %add3A_276 masked %eq3A_29 {add = true} : memref<6144xf32, #tpu.memory_space<vmem>>[vector<16xi32>], vector<16xf32>, vector<16xi1>
        tpu.vector_store_idx %arg11[%add3A_279], %add3A_276 masked %eq3A_32 {add = true} : memref<6144xf32, #tpu.memory_space<vmem>>[vector<16xi32>], vector<16xf32>, vector<16xi1>
        tpu.vector_store_idx %arg11[%add3A_279], %add3A_276 masked %eq3A_35 {add = true} : memref<6144xf32, #tpu.memory_space<vmem>>[vector<16xi32>], vector<16xf32>, vector<16xi1>
        tpu.vector_store_idx %arg11[%add3A_279], %add3A_276 masked %eq3A_38 {add = true} : memref<6144xf32, #tpu.memory_space<vmem>>[vector<16xi32>], vector<16xf32>, vector<16xi1>
        tpu.vector_store_idx %arg11[%add3A_279], %add3A_276 masked %eq3A_41 {add = true} : memref<6144xf32, #tpu.memory_space<vmem>>[vector<16xi32>], vector<16xf32>, vector<16xi1>
        tpu.vector_store_idx %arg11[%add3A_279], %add3A_276 masked %eq3A_44 {add = true} : memref<6144xf32, #tpu.memory_space<vmem>>[vector<16xi32>], vector<16xf32>, vector<16xi1>
        tpu.vector_store_idx %arg11[%add3A_279], %add3A_276 masked %eq3A_47 {add = true} : memref<6144xf32, #tpu.memory_space<vmem>>[vector<16xi32>], vector<16xf32>, vector<16xi1>
      }
      %scan3A_199 = arith.constant 8 : i32
      %mul3A_200 = arith.constant 2 : i32
      %mul3A_201 = arith.muli %scan3A_147, %mul3A_200 : i32
      %add3A_202 = arith.constant 1 : i32
      %add3A_203 = arith.addi %mul3A_201, %add3A_202 : i32
      %add3A_204 = arith.constant 1 : i32
      %add3A_205 = arith.addi %add3A_203, %add3A_204 : i32
      %lt3A_206 = arith.constant 16 : i32
      %lt3A_207 = arith.cmpi slt, %add3A_205, %lt3A_206 : i32
      %convert_element_type3A_208 = arith.extui %lt3A_207 : i1 to i32
      %cond3A_209 = arith.constant 0 : i32
      %cond3A_210 = arith.cmpi ne, %convert_element_type3A_208, %cond3A_209 : i32
      scf.if %cond3A_210 {
        %add3A_253 = arith.constant 1 : i32
        %add3A_254 = arith.addi %add3A_203, %add3A_253 : i32
        %mul3A_255 = arith.constant 16 : i32
        %mul3A_256 = arith.muli %add3A, %mul3A_255 : i32
        %add3A_257 = arith.addi %mul3A_256, %add3A_254 : i32
        %dma_start3A_258 = arith.constant 0 : i32
        %dma_start3A_259 = arith.constant 0 : i32
        %dma_start3A_260 = arith.constant 0 : i32
        %dma_start3A_261 = tpu.memref_slice %arg9[%dma_start3A_258, %dma_start3A_259, %dma_start3A_260] : memref<2x128x64xf32, #tpu.memory_space<vmem>> -> memref<1x128x64xf32, #tpu.memory_space<vmem>>
        %dma_start3A_262 = tpu.memref_squeeze %dma_start3A_261 : memref<1x128x64xf32, #tpu.memory_space<vmem>> -> memref<128x64xf32, #tpu.memory_space<vmem>>
        %dma_start3A_263 = arith.constant 0 : i32
        %dma_start3A_264 = tpu.memref_slice %arg7[%add3A_254, %dma_start3A_263] : memref<16x128xi32, #tpu.memory_space<vmem>> -> memref<1x128xi32, #tpu.memory_space<vmem>>
        %dma_start3A_265 = tpu.memref_squeeze %dma_start3A_264 : memref<1x128xi32, #tpu.memory_space<vmem>> -> memref<128xi32, #tpu.memory_space<vmem>>
        %dma_start3A_266 = arith.constant 0 : i32
        %dma_start3A_267 = arith.constant 0 : i32
        %dma_start3A_268 = tpu.memref_slice %arg15[%dma_start3A_266, %dma_start3A_267] : memref<2048x64xf32, #tpu.memory_space<vmem_shared>> -> memref<2048x64xf32, #tpu.memory_space<vmem_shared>>
        tpu.enqueue_indirect_dma source(%dma_start3A_268 : memref<2048x64xf32, #tpu.memory_space<vmem_shared>>) target(%dma_start3A_262 : memref<128x64xf32, #tpu.memory_space<vmem>>) offsets(%dma_start3A_265 : memref<128xi32, #tpu.memory_space<vmem>>) semaphore(%arg17 : memref<!tpu.dma_semaphore, #tpu.memory_space<semaphore_mem>>)
        %dma_start3A_269 = arith.constant 0 : i32
        %dma_start3A_270 = arith.constant 0 : i32
        %dma_start3A_271 = arith.constant 0 : i32
        %dma_start3A_272 = arith.constant 0 : i32
        %dma_start3A_273 = tpu.memref_slice %arg10[%dma_start3A_269, %dma_start3A_270, %dma_start3A_271, %dma_start3A_272] : memref<2x24x8x128xf32, #tpu.memory_space<vmem>> -> memref<1x24x8x128xf32, #tpu.memory_space<vmem>>
        %dma_start3A_274 = tpu.memref_squeeze %dma_start3A_273 : memref<1x24x8x128xf32, #tpu.memory_space<vmem>> -> memref<24x8x128xf32, #tpu.memory_space<vmem>>
        %dma_start3A_275 = arith.constant 0 : i32
        %dma_start3A_276 = arith.constant 0 : i32
        %dma_start3A_277 = arith.constant 0 : i32
        %dma_start3A_278 = tpu.memref_slice %arg3[%dma_start3A_275, %add3A_257, %dma_start3A_276, %dma_start3A_277] : memref<24x512x8x128xf32, #tpu.memory_space<hbm>> -> memref<24x1x8x128xf32, #tpu.memory_space<hbm>>
        %dma_start3A_279 = tpu.memref_squeeze %dma_start3A_278 : memref<24x1x8x128xf32, #tpu.memory_space<hbm>> -> memref<24x8x128xf32, #tpu.memory_space<hbm>>
        %dma_start3A_280 = arith.constant 0 : i32
        %dma_start3A_281 = arith.constant 0 : i32
        %dma_start3A_282 = arith.constant 0 : i32
        %dma_start3A_283 = tpu.memref_slice %arg10[%dma_start3A_269, %dma_start3A_280, %dma_start3A_281, %dma_start3A_282] : memref<2x24x8x128xf32, #tpu.memory_space<vmem>> -> memref<1x24x8x128xf32, #tpu.memory_space<vmem>>
        %dma_start3A_284 = tpu.memref_squeeze %dma_start3A_283 : memref<1x24x8x128xf32, #tpu.memory_space<vmem>> -> memref<24x8x128xf32, #tpu.memory_space<vmem>>
        %dma_start3A_285 = arith.constant 0 : i32
        %dma_start3A_286 = arith.constant 0 : i32
        %dma_start3A_287 = arith.constant 0 : i32
        %dma_start3A_288 = tpu.memref_slice %arg3[%dma_start3A_285, %add3A_257, %dma_start3A_286, %dma_start3A_287] : memref<24x512x8x128xf32, #tpu.memory_space<hbm>> -> memref<24x1x8x128xf32, #tpu.memory_space<hbm>>
        %dma_start3A_289 = tpu.memref_squeeze %dma_start3A_288 : memref<24x1x8x128xf32, #tpu.memory_space<hbm>> -> memref<24x8x128xf32, #tpu.memory_space<hbm>>
        tpu.enqueue_dma source(%dma_start3A_289 : memref<24x8x128xf32, #tpu.memory_space<hbm>>) target(%dma_start3A_284 : memref<24x8x128xf32, #tpu.memory_space<vmem>>) target_semaphore(%arg19 : memref<!tpu.dma_semaphore, #tpu.memory_space<semaphore_mem>>)
      } else {
      }
      %mul3A_211 = arith.constant 16 : i32
      %mul3A_212 = arith.muli %add3A, %mul3A_211 : i32
      %add3A_213 = arith.addi %mul3A_212, %add3A_203 : i32
      %dma_wait3A_214 = arith.constant 1 : i32
      %dma_wait3A_215 = arith.constant 0 : i32
      %dma_wait3A_216 = arith.constant 0 : i32
      %dma_wait3A_217 = tpu.memref_slice %arg9[%dma_wait3A_214, %dma_wait3A_215, %dma_wait3A_216] : memref<2x128x64xf32, #tpu.memory_space<vmem>> -> memref<1x128x64xf32, #tpu.memory_space<vmem>>
      %dma_wait3A_218 = tpu.memref_squeeze %dma_wait3A_217 : memref<1x128x64xf32, #tpu.memory_space<vmem>> -> memref<128x64xf32, #tpu.memory_space<vmem>>
      %dma_wait3A_219 = arith.constant 0 : i32
      %dma_wait3A_220 = tpu.memref_slice %arg7[%add3A_203, %dma_wait3A_219] : memref<16x128xi32, #tpu.memory_space<vmem>> -> memref<1x128xi32, #tpu.memory_space<vmem>>
      %dma_wait3A_221 = tpu.memref_squeeze %dma_wait3A_220 : memref<1x128xi32, #tpu.memory_space<vmem>> -> memref<128xi32, #tpu.memory_space<vmem>>
      %dma_wait3A_222 = arith.constant 0 : i32
      %dma_wait3A_223 = arith.constant 0 : i32
      %dma_wait3A_224 = tpu.memref_slice %arg15[%dma_wait3A_222, %dma_wait3A_223] : memref<2048x64xf32, #tpu.memory_space<vmem_shared>> -> memref<2048x64xf32, #tpu.memory_space<vmem_shared>>
      tpu.wait_indirect_dma semaphore(%arg18 : memref<!tpu.dma_semaphore, #tpu.memory_space<semaphore_mem>>) src(%dma_wait3A_224 : memref<2048x64xf32, #tpu.memory_space<vmem_shared>>) dst(%dma_wait3A_218 : memref<128x64xf32, #tpu.memory_space<vmem>>)
      %dma_wait3A_225 = arith.constant 1 : i32
      %dma_wait3A_226 = arith.constant 0 : i32
      %dma_wait3A_227 = arith.constant 0 : i32
      %dma_wait3A_228 = arith.constant 0 : i32
      %dma_wait3A_229 = tpu.memref_slice %arg10[%dma_wait3A_225, %dma_wait3A_226, %dma_wait3A_227, %dma_wait3A_228] : memref<2x24x8x128xf32, #tpu.memory_space<vmem>> -> memref<1x24x8x128xf32, #tpu.memory_space<vmem>>
      %dma_wait3A_230 = tpu.memref_squeeze %dma_wait3A_229 : memref<1x24x8x128xf32, #tpu.memory_space<vmem>> -> memref<24x8x128xf32, #tpu.memory_space<vmem>>
      %dma_wait3A_231 = arith.constant 0 : i32
      %dma_wait3A_232 = arith.constant 0 : i32
      %dma_wait3A_233 = arith.constant 0 : i32
      %dma_wait3A_234 = tpu.memref_slice %arg3[%dma_wait3A_231, %add3A_213, %dma_wait3A_232, %dma_wait3A_233] : memref<24x512x8x128xf32, #tpu.memory_space<hbm>> -> memref<24x1x8x128xf32, #tpu.memory_space<hbm>>
      %dma_wait3A_235 = tpu.memref_squeeze %dma_wait3A_234 : memref<24x1x8x128xf32, #tpu.memory_space<hbm>> -> memref<24x8x128xf32, #tpu.memory_space<hbm>>
      %dma_wait3A_236 = arith.constant 0 : i32
      %dma_wait3A_237 = arith.constant 0 : i32
      %dma_wait3A_238 = arith.constant 0 : i32
      %dma_wait3A_239 = tpu.memref_slice %arg10[%dma_wait3A_225, %dma_wait3A_236, %dma_wait3A_237, %dma_wait3A_238] : memref<2x24x8x128xf32, #tpu.memory_space<vmem>> -> memref<1x24x8x128xf32, #tpu.memory_space<vmem>>
      %dma_wait3A_240 = tpu.memref_squeeze %dma_wait3A_239 : memref<1x24x8x128xf32, #tpu.memory_space<vmem>> -> memref<24x8x128xf32, #tpu.memory_space<vmem>>
      %dma_wait3A_241 = arith.constant 0 : i32
      %dma_wait3A_242 = arith.constant 0 : i32
      %dma_wait3A_243 = arith.constant 0 : i32
      %dma_wait3A_244 = tpu.memref_slice %arg3[%dma_wait3A_241, %add3A_213, %dma_wait3A_242, %dma_wait3A_243] : memref<24x512x8x128xf32, #tpu.memory_space<hbm>> -> memref<24x1x8x128xf32, #tpu.memory_space<hbm>>
      %dma_wait3A_245 = tpu.memref_squeeze %dma_wait3A_244 : memref<24x1x8x128xf32, #tpu.memory_space<hbm>> -> memref<24x8x128xf32, #tpu.memory_space<hbm>>
      tpu.wait_dma2 semaphore(%arg20 : memref<!tpu.dma_semaphore, #tpu.memory_space<semaphore_mem>>) src(%dma_wait3A_245 : memref<24x8x128xf32, #tpu.memory_space<hbm>>) dst(%dma_wait3A_240 : memref<24x8x128xf32, #tpu.memory_space<vmem>>)
      %scan3A_246 = arith.constant 0 : i32
      %scan3A_247 = arith.constant 1 : i32
      %scan3A_248 = arith.constant 0 : i32
      %scan3A_249 = arith.constant 8 : i32
      %scan3A_250 = arith.addi %scan3A_248, %scan3A_249 : i32
      %scan3A_251 = arith.constant 1 : i32
      scf.for %scan3A_253 = %scan3A_248 to %scan3A_250 step %scan3A_251  : i32 {
        %mul3A_254 = arith.constant 16 : i32
        %mul3A_255 = arith.muli %scan3A_253, %mul3A_254 : i32
        %get3A = arith.index_cast %add3A_203 : i32 to index
        %get3A_256 = arith.index_cast %mul3A_255 : i32 to index
        %get3A_257 = tpu.vector_load %arg8[%get3A, %get3A_256] {strides = array<i32>} : memref<16x128xi32, #tpu.memory_space<vmem>>, vector<16xi32>,
        %mul3A_258 = arith.constant 16 : i32
        %mul3A_259 = arith.muli %scan3A_253, %mul3A_258 : i32
        %add3A_260 = vector.broadcast %mul3A_259 : i32 to vector<16xi32>
        %add3A_261 = arith.addi %add3A_260, %iota3A : vector<16xi32>
        %scan3A_262 = arith.constant 0 : i32
        %scan3A_263 = arith.constant 4 : i32
        %scan3A_264 = arith.addi %scan3A_262, %scan3A_263 : i32
        %scan3A_265 = arith.constant 1 : i32
        %scan3A_266:6 = scf.for %scan3A_280 = %scan3A_262 to %scan3A_264 step %scan3A_265 iter_args(%scan3A_281 = %broadcast_in_dim3A_48, %scan3A_282 = %broadcast_in_dim3A_48, %scan3A_283 = %broadcast_in_dim3A_48, %scan3A_284 = %broadcast_in_dim3A_48, %scan3A_285 = %broadcast_in_dim3A_48, %scan3A_286 = %broadcast_in_dim3A_48) -> (vector<16xf32>, vector<16xf32>, vector<16xf32>, vector<16xf32>, vector<16xf32>, vector<16xf32>)  : i32 {
          %broadcast_in_dim3A_287 = arith.constant 16 : i32
          %broadcast_in_dim3A_288 = vector.broadcast %broadcast_in_dim3A_287 : i32 to vector<16xi32>
          %mul3A_289 = vector.broadcast %scan3A_280 : i32 to vector<16xi32>
          %mul3A_290 = arith.muli %broadcast_in_dim3A_288, %mul3A_289 : vector<16xi32>
          %add3A_291 = arith.constant 0 : i32
          %add3A_292 = vector.broadcast %add3A_291 : i32 to vector<16xi32>
          %add3A_293 = arith.addi %mul3A_290, %add3A_292 : vector<16xi32>
          %gather3A = arith.constant 0 : i32
          %gather3A_294 = arith.constant 0 : i32
          %gather3A_295 = tpu.memref_slice %arg9[%scan3A_247, %gather3A, %gather3A_294] : memref<2x128x64xf32, #tpu.memory_space<vmem>> -> memref<1x128x64xf32, #tpu.memory_space<vmem>>
          %gather3A_296 = tpu.memref_squeeze %gather3A_295 : memref<1x128x64xf32, #tpu.memory_space<vmem>> -> memref<128x64xf32, #tpu.memory_space<vmem>>
          %gather3A_297 = tpu.vector_load_idx %gather3A_296[%add3A_261, %add3A_293] : memref<128x64xf32, #tpu.memory_space<vmem>>[vector<16xi32>, vector<16xi32>], vector<16xf32>,
          %mul3A_298 = arith.constant 2 : i32
          %mul3A_299 = arith.muli %mul3A_298, %scan3A_280 : i32
          %add3A_300 = arith.constant 0 : i32
          %add3A_301 = arith.addi %add3A_300, %mul3A_299 : i32
          %add3A_302 = arith.constant 0 : i32
          %add3A_303 = arith.addi %add3A_301, %add3A_302 : i32
          %mul3A_304 = arith.constant 16 : i32
          %mul3A_305 = arith.muli %scan3A_253, %mul3A_304 : i32
          %get3A_306 = arith.constant 1 : i32
          %get3A_307 = arith.constant 0 : i32
          %get3A_308 = arith.index_cast %get3A_306 : i32 to index
          %get3A_309 = arith.index_cast %add3A_303 : i32 to index
          %get3A_310 = arith.index_cast %get3A_307 : i32 to index
          %get3A_311 = arith.index_cast %mul3A_305 : i32 to index
          %get3A_312 = tpu.vector_load %arg10[%get3A_308, %get3A_309, %get3A_310, %get3A_311] {strides = array<i32>} : memref<2x24x8x128xf32, #tpu.memory_space<vmem>>, vector<16xf32>,
          %mul3A_313 = arith.mulf %gather3A_297, %get3A_312 : vector<16xf32>
          %add3A_314 = arith.addf %scan3A_281, %mul3A_313 : vector<16xf32>
          %mul3A_315 = arith.constant 2 : i32
          %mul3A_316 = arith.muli %mul3A_315, %scan3A_280 : i32
          %add3A_317 = arith.constant 8 : i32
          %add3A_318 = arith.addi %add3A_317, %mul3A_316 : i32
          %add3A_319 = arith.constant 0 : i32
          %add3A_320 = arith.addi %add3A_318, %add3A_319 : i32
          %mul3A_321 = arith.constant 16 : i32
          %mul3A_322 = arith.muli %scan3A_253, %mul3A_321 : i32
          %get3A_323 = arith.constant 1 : i32
          %get3A_324 = arith.constant 0 : i32
          %get3A_325 = arith.index_cast %get3A_323 : i32 to index
          %get3A_326 = arith.index_cast %add3A_320 : i32 to index
          %get3A_327 = arith.index_cast %get3A_324 : i32 to index
          %get3A_328 = arith.index_cast %mul3A_322 : i32 to index
          %get3A_329 = tpu.vector_load %arg10[%get3A_325, %get3A_326, %get3A_327, %get3A_328] {strides = array<i32>} : memref<2x24x8x128xf32, #tpu.memory_space<vmem>>, vector<16xf32>,
          %mul3A_330 = arith.mulf %gather3A_297, %get3A_329 : vector<16xf32>
          %add3A_331 = arith.addf %scan3A_283, %mul3A_330 : vector<16xf32>
          %mul3A_332 = arith.constant 2 : i32
          %mul3A_333 = arith.muli %mul3A_332, %scan3A_280 : i32
          %add3A_334 = arith.constant 16 : i32
          %add3A_335 = arith.addi %add3A_334, %mul3A_333 : i32
          %add3A_336 = arith.constant 0 : i32
          %add3A_337 = arith.addi %add3A_335, %add3A_336 : i32
          %mul3A_338 = arith.constant 16 : i32
          %mul3A_339 = arith.muli %scan3A_253, %mul3A_338 : i32
          %get3A_340 = arith.constant 1 : i32
          %get3A_341 = arith.constant 0 : i32
          %get3A_342 = arith.index_cast %get3A_340 : i32 to index
          %get3A_343 = arith.index_cast %add3A_337 : i32 to index
          %get3A_344 = arith.index_cast %get3A_341 : i32 to index
          %get3A_345 = arith.index_cast %mul3A_339 : i32 to index
          %get3A_346 = tpu.vector_load %arg10[%get3A_342, %get3A_343, %get3A_344, %get3A_345] {strides = array<i32>} : memref<2x24x8x128xf32, #tpu.memory_space<vmem>>, vector<16xf32>,
          %mul3A_347 = arith.mulf %gather3A_297, %get3A_346 : vector<16xf32>
          %add3A_348 = arith.addf %scan3A_285, %mul3A_347 : vector<16xf32>
          %add3A_349 = arith.constant 1 : i32
          %add3A_350 = vector.broadcast %add3A_349 : i32 to vector<16xi32>
          %add3A_351 = arith.addi %mul3A_290, %add3A_350 : vector<16xi32>
          %gather3A_352 = arith.constant 0 : i32
          %gather3A_353 = arith.constant 0 : i32
          %gather3A_354 = tpu.memref_slice %arg9[%scan3A_247, %gather3A_352, %gather3A_353] : memref<2x128x64xf32, #tpu.memory_space<vmem>> -> memref<1x128x64xf32, #tpu.memory_space<vmem>>
          %gather3A_355 = tpu.memref_squeeze %gather3A_354 : memref<1x128x64xf32, #tpu.memory_space<vmem>> -> memref<128x64xf32, #tpu.memory_space<vmem>>
          %gather3A_356 = tpu.vector_load_idx %gather3A_355[%add3A_261, %add3A_351] : memref<128x64xf32, #tpu.memory_space<vmem>>[vector<16xi32>, vector<16xi32>], vector<16xf32>,
          %mul3A_357 = arith.constant 2 : i32
          %mul3A_358 = arith.muli %mul3A_357, %scan3A_280 : i32
          %add3A_359 = arith.constant 0 : i32
          %add3A_360 = arith.addi %add3A_359, %mul3A_358 : i32
          %add3A_361 = arith.constant 0 : i32
          %add3A_362 = arith.addi %add3A_360, %add3A_361 : i32
          %mul3A_363 = arith.constant 16 : i32
          %mul3A_364 = arith.muli %scan3A_253, %mul3A_363 : i32
          %get3A_365 = arith.constant 1 : i32
          %get3A_366 = arith.constant 1 : i32
          %get3A_367 = arith.index_cast %get3A_365 : i32 to index
          %get3A_368 = arith.index_cast %add3A_362 : i32 to index
          %get3A_369 = arith.index_cast %get3A_366 : i32 to index
          %get3A_370 = arith.index_cast %mul3A_364 : i32 to index
          %get3A_371 = tpu.vector_load %arg10[%get3A_367, %get3A_368, %get3A_369, %get3A_370] {strides = array<i32>} : memref<2x24x8x128xf32, #tpu.memory_space<vmem>>, vector<16xf32>,
          %mul3A_372 = arith.mulf %gather3A_356, %get3A_371 : vector<16xf32>
          %add3A_373 = arith.addf %scan3A_282, %mul3A_372 : vector<16xf32>
          %mul3A_374 = arith.constant 2 : i32
          %mul3A_375 = arith.muli %mul3A_374, %scan3A_280 : i32
          %add3A_376 = arith.constant 8 : i32
          %add3A_377 = arith.addi %add3A_376, %mul3A_375 : i32
          %add3A_378 = arith.constant 0 : i32
          %add3A_379 = arith.addi %add3A_377, %add3A_378 : i32
          %mul3A_380 = arith.constant 16 : i32
          %mul3A_381 = arith.muli %scan3A_253, %mul3A_380 : i32
          %get3A_382 = arith.constant 1 : i32
          %get3A_383 = arith.constant 1 : i32
          %get3A_384 = arith.index_cast %get3A_382 : i32 to index
          %get3A_385 = arith.index_cast %add3A_379 : i32 to index
          %get3A_386 = arith.index_cast %get3A_383 : i32 to index
          %get3A_387 = arith.index_cast %mul3A_381 : i32 to index
          %get3A_388 = tpu.vector_load %arg10[%get3A_384, %get3A_385, %get3A_386, %get3A_387] {strides = array<i32>} : memref<2x24x8x128xf32, #tpu.memory_space<vmem>>, vector<16xf32>,
          %mul3A_389 = arith.mulf %gather3A_356, %get3A_388 : vector<16xf32>
          %add3A_390 = arith.addf %scan3A_284, %mul3A_389 : vector<16xf32>
          %mul3A_391 = arith.constant 2 : i32
          %mul3A_392 = arith.muli %mul3A_391, %scan3A_280 : i32
          %add3A_393 = arith.constant 16 : i32
          %add3A_394 = arith.addi %add3A_393, %mul3A_392 : i32
          %add3A_395 = arith.constant 0 : i32
          %add3A_396 = arith.addi %add3A_394, %add3A_395 : i32
          %mul3A_397 = arith.constant 16 : i32
          %mul3A_398 = arith.muli %scan3A_253, %mul3A_397 : i32
          %get3A_399 = arith.constant 1 : i32
          %get3A_400 = arith.constant 1 : i32
          %get3A_401 = arith.index_cast %get3A_399 : i32 to index
          %get3A_402 = arith.index_cast %add3A_396 : i32 to index
          %get3A_403 = arith.index_cast %get3A_400 : i32 to index
          %get3A_404 = arith.index_cast %mul3A_398 : i32 to index
          %get3A_405 = tpu.vector_load %arg10[%get3A_401, %get3A_402, %get3A_403, %get3A_404] {strides = array<i32>} : memref<2x24x8x128xf32, #tpu.memory_space<vmem>>, vector<16xf32>,
          %mul3A_406 = arith.mulf %gather3A_356, %get3A_405 : vector<16xf32>
          %add3A_407 = arith.addf %scan3A_286, %mul3A_406 : vector<16xf32>
          %add3A_408 = arith.constant 2 : i32
          %add3A_409 = vector.broadcast %add3A_408 : i32 to vector<16xi32>
          %add3A_410 = arith.addi %mul3A_290, %add3A_409 : vector<16xi32>
          %gather3A_411 = arith.constant 0 : i32
          %gather3A_412 = arith.constant 0 : i32
          %gather3A_413 = tpu.memref_slice %arg9[%scan3A_247, %gather3A_411, %gather3A_412] : memref<2x128x64xf32, #tpu.memory_space<vmem>> -> memref<1x128x64xf32, #tpu.memory_space<vmem>>
          %gather3A_414 = tpu.memref_squeeze %gather3A_413 : memref<1x128x64xf32, #tpu.memory_space<vmem>> -> memref<128x64xf32, #tpu.memory_space<vmem>>
          %gather3A_415 = tpu.vector_load_idx %gather3A_414[%add3A_261, %add3A_410] : memref<128x64xf32, #tpu.memory_space<vmem>>[vector<16xi32>, vector<16xi32>], vector<16xf32>,
          %mul3A_416 = arith.constant 2 : i32
          %mul3A_417 = arith.muli %mul3A_416, %scan3A_280 : i32
          %add3A_418 = arith.constant 0 : i32
          %add3A_419 = arith.addi %add3A_418, %mul3A_417 : i32
          %add3A_420 = arith.constant 0 : i32
          %add3A_421 = arith.addi %add3A_419, %add3A_420 : i32
          %mul3A_422 = arith.constant 16 : i32
          %mul3A_423 = arith.muli %scan3A_253, %mul3A_422 : i32
          %get3A_424 = arith.constant 1 : i32
          %get3A_425 = arith.constant 2 : i32
          %get3A_426 = arith.index_cast %get3A_424 : i32 to index
          %get3A_427 = arith.index_cast %add3A_421 : i32 to index
          %get3A_428 = arith.index_cast %get3A_425 : i32 to index
          %get3A_429 = arith.index_cast %mul3A_423 : i32 to index
          %get3A_430 = tpu.vector_load %arg10[%get3A_426, %get3A_427, %get3A_428, %get3A_429] {strides = array<i32>} : memref<2x24x8x128xf32, #tpu.memory_space<vmem>>, vector<16xf32>,
          %mul3A_431 = arith.mulf %gather3A_415, %get3A_430 : vector<16xf32>
          %add3A_432 = arith.addf %add3A_314, %mul3A_431 : vector<16xf32>
          %mul3A_433 = arith.constant 2 : i32
          %mul3A_434 = arith.muli %mul3A_433, %scan3A_280 : i32
          %add3A_435 = arith.constant 8 : i32
          %add3A_436 = arith.addi %add3A_435, %mul3A_434 : i32
          %add3A_437 = arith.constant 0 : i32
          %add3A_438 = arith.addi %add3A_436, %add3A_437 : i32
          %mul3A_439 = arith.constant 16 : i32
          %mul3A_440 = arith.muli %scan3A_253, %mul3A_439 : i32
          %get3A_441 = arith.constant 1 : i32
          %get3A_442 = arith.constant 2 : i32
          %get3A_443 = arith.index_cast %get3A_441 : i32 to index
          %get3A_444 = arith.index_cast %add3A_438 : i32 to index
          %get3A_445 = arith.index_cast %get3A_442 : i32 to index
          %get3A_446 = arith.index_cast %mul3A_440 : i32 to index
          %get3A_447 = tpu.vector_load %arg10[%get3A_443, %get3A_444, %get3A_445, %get3A_446] {strides = array<i32>} : memref<2x24x8x128xf32, #tpu.memory_space<vmem>>, vector<16xf32>,
          %mul3A_448 = arith.mulf %gather3A_415, %get3A_447 : vector<16xf32>
          %add3A_449 = arith.addf %add3A_331, %mul3A_448 : vector<16xf32>
          %mul3A_450 = arith.constant 2 : i32
          %mul3A_451 = arith.muli %mul3A_450, %scan3A_280 : i32
          %add3A_452 = arith.constant 16 : i32
          %add3A_453 = arith.addi %add3A_452, %mul3A_451 : i32
          %add3A_454 = arith.constant 0 : i32
          %add3A_455 = arith.addi %add3A_453, %add3A_454 : i32
          %mul3A_456 = arith.constant 16 : i32
          %mul3A_457 = arith.muli %scan3A_253, %mul3A_456 : i32
          %get3A_458 = arith.constant 1 : i32
          %get3A_459 = arith.constant 2 : i32
          %get3A_460 = arith.index_cast %get3A_458 : i32 to index
          %get3A_461 = arith.index_cast %add3A_455 : i32 to index
          %get3A_462 = arith.index_cast %get3A_459 : i32 to index
          %get3A_463 = arith.index_cast %mul3A_457 : i32 to index
          %get3A_464 = tpu.vector_load %arg10[%get3A_460, %get3A_461, %get3A_462, %get3A_463] {strides = array<i32>} : memref<2x24x8x128xf32, #tpu.memory_space<vmem>>, vector<16xf32>,
          %mul3A_465 = arith.mulf %gather3A_415, %get3A_464 : vector<16xf32>
          %add3A_466 = arith.addf %add3A_348, %mul3A_465 : vector<16xf32>
          %add3A_467 = arith.constant 3 : i32
          %add3A_468 = vector.broadcast %add3A_467 : i32 to vector<16xi32>
          %add3A_469 = arith.addi %mul3A_290, %add3A_468 : vector<16xi32>
          %gather3A_470 = arith.constant 0 : i32
          %gather3A_471 = arith.constant 0 : i32
          %gather3A_472 = tpu.memref_slice %arg9[%scan3A_247, %gather3A_470, %gather3A_471] : memref<2x128x64xf32, #tpu.memory_space<vmem>> -> memref<1x128x64xf32, #tpu.memory_space<vmem>>
          %gather3A_473 = tpu.memref_squeeze %gather3A_472 : memref<1x128x64xf32, #tpu.memory_space<vmem>> -> memref<128x64xf32, #tpu.memory_space<vmem>>
          %gather3A_474 = tpu.vector_load_idx %gather3A_473[%add3A_261, %add3A_469] : memref<128x64xf32, #tpu.memory_space<vmem>>[vector<16xi32>, vector<16xi32>], vector<16xf32>,
          %mul3A_475 = arith.constant 2 : i32
          %mul3A_476 = arith.muli %mul3A_475, %scan3A_280 : i32
          %add3A_477 = arith.constant 0 : i32
          %add3A_478 = arith.addi %add3A_477, %mul3A_476 : i32
          %add3A_479 = arith.constant 0 : i32
          %add3A_480 = arith.addi %add3A_478, %add3A_479 : i32
          %mul3A_481 = arith.constant 16 : i32
          %mul3A_482 = arith.muli %scan3A_253, %mul3A_481 : i32
          %get3A_483 = arith.constant 1 : i32
          %get3A_484 = arith.constant 3 : i32
          %get3A_485 = arith.index_cast %get3A_483 : i32 to index
          %get3A_486 = arith.index_cast %add3A_480 : i32 to index
          %get3A_487 = arith.index_cast %get3A_484 : i32 to index
          %get3A_488 = arith.index_cast %mul3A_482 : i32 to index
          %get3A_489 = tpu.vector_load %arg10[%get3A_485, %get3A_486, %get3A_487, %get3A_488] {strides = array<i32>} : memref<2x24x8x128xf32, #tpu.memory_space<vmem>>, vector<16xf32>,
          %mul3A_490 = arith.mulf %gather3A_474, %get3A_489 : vector<16xf32>
          %add3A_491 = arith.addf %add3A_373, %mul3A_490 : vector<16xf32>
          %mul3A_492 = arith.constant 2 : i32
          %mul3A_493 = arith.muli %mul3A_492, %scan3A_280 : i32
          %add3A_494 = arith.constant 8 : i32
          %add3A_495 = arith.addi %add3A_494, %mul3A_493 : i32
          %add3A_496 = arith.constant 0 : i32
          %add3A_497 = arith.addi %add3A_495, %add3A_496 : i32
          %mul3A_498 = arith.constant 16 : i32
          %mul3A_499 = arith.muli %scan3A_253, %mul3A_498 : i32
          %get3A_500 = arith.constant 1 : i32
          %get3A_501 = arith.constant 3 : i32
          %get3A_502 = arith.index_cast %get3A_500 : i32 to index
          %get3A_503 = arith.index_cast %add3A_497 : i32 to index
          %get3A_504 = arith.index_cast %get3A_501 : i32 to index
          %get3A_505 = arith.index_cast %mul3A_499 : i32 to index
          %get3A_506 = tpu.vector_load %arg10[%get3A_502, %get3A_503, %get3A_504, %get3A_505] {strides = array<i32>} : memref<2x24x8x128xf32, #tpu.memory_space<vmem>>, vector<16xf32>,
          %mul3A_507 = arith.mulf %gather3A_474, %get3A_506 : vector<16xf32>
          %add3A_508 = arith.addf %add3A_390, %mul3A_507 : vector<16xf32>
          %mul3A_509 = arith.constant 2 : i32
          %mul3A_510 = arith.muli %mul3A_509, %scan3A_280 : i32
          %add3A_511 = arith.constant 16 : i32
          %add3A_512 = arith.addi %add3A_511, %mul3A_510 : i32
          %add3A_513 = arith.constant 0 : i32
          %add3A_514 = arith.addi %add3A_512, %add3A_513 : i32
          %mul3A_515 = arith.constant 16 : i32
          %mul3A_516 = arith.muli %scan3A_253, %mul3A_515 : i32
          %get3A_517 = arith.constant 1 : i32
          %get3A_518 = arith.constant 3 : i32
          %get3A_519 = arith.index_cast %get3A_517 : i32 to index
          %get3A_520 = arith.index_cast %add3A_514 : i32 to index
          %get3A_521 = arith.index_cast %get3A_518 : i32 to index
          %get3A_522 = arith.index_cast %mul3A_516 : i32 to index
          %get3A_523 = tpu.vector_load %arg10[%get3A_519, %get3A_520, %get3A_521, %get3A_522] {strides = array<i32>} : memref<2x24x8x128xf32, #tpu.memory_space<vmem>>, vector<16xf32>,
          %mul3A_524 = arith.mulf %gather3A_474, %get3A_523 : vector<16xf32>
          %add3A_525 = arith.addf %add3A_407, %mul3A_524 : vector<16xf32>
          %add3A_526 = arith.constant 4 : i32
          %add3A_527 = vector.broadcast %add3A_526 : i32 to vector<16xi32>
          %add3A_528 = arith.addi %mul3A_290, %add3A_527 : vector<16xi32>
          %gather3A_529 = arith.constant 0 : i32
          %gather3A_530 = arith.constant 0 : i32
          %gather3A_531 = tpu.memref_slice %arg9[%scan3A_247, %gather3A_529, %gather3A_530] : memref<2x128x64xf32, #tpu.memory_space<vmem>> -> memref<1x128x64xf32, #tpu.memory_space<vmem>>
          %gather3A_532 = tpu.memref_squeeze %gather3A_531 : memref<1x128x64xf32, #tpu.memory_space<vmem>> -> memref<128x64xf32, #tpu.memory_space<vmem>>
          %gather3A_533 = tpu.vector_load_idx %gather3A_532[%add3A_261, %add3A_528] : memref<128x64xf32, #tpu.memory_space<vmem>>[vector<16xi32>, vector<16xi32>], vector<16xf32>,
          %mul3A_534 = arith.constant 2 : i32
          %mul3A_535 = arith.muli %mul3A_534, %scan3A_280 : i32
          %add3A_536 = arith.constant 0 : i32
          %add3A_537 = arith.addi %add3A_536, %mul3A_535 : i32
          %add3A_538 = arith.constant 0 : i32
          %add3A_539 = arith.addi %add3A_537, %add3A_538 : i32
          %mul3A_540 = arith.constant 16 : i32
          %mul3A_541 = arith.muli %scan3A_253, %mul3A_540 : i32
          %get3A_542 = arith.constant 1 : i32
          %get3A_543 = arith.constant 4 : i32
          %get3A_544 = arith.index_cast %get3A_542 : i32 to index
          %get3A_545 = arith.index_cast %add3A_539 : i32 to index
          %get3A_546 = arith.index_cast %get3A_543 : i32 to index
          %get3A_547 = arith.index_cast %mul3A_541 : i32 to index
          %get3A_548 = tpu.vector_load %arg10[%get3A_544, %get3A_545, %get3A_546, %get3A_547] {strides = array<i32>} : memref<2x24x8x128xf32, #tpu.memory_space<vmem>>, vector<16xf32>,
          %mul3A_549 = arith.mulf %gather3A_533, %get3A_548 : vector<16xf32>
          %add3A_550 = arith.addf %add3A_432, %mul3A_549 : vector<16xf32>
          %mul3A_551 = arith.constant 2 : i32
          %mul3A_552 = arith.muli %mul3A_551, %scan3A_280 : i32
          %add3A_553 = arith.constant 8 : i32
          %add3A_554 = arith.addi %add3A_553, %mul3A_552 : i32
          %add3A_555 = arith.constant 0 : i32
          %add3A_556 = arith.addi %add3A_554, %add3A_555 : i32
          %mul3A_557 = arith.constant 16 : i32
          %mul3A_558 = arith.muli %scan3A_253, %mul3A_557 : i32
          %get3A_559 = arith.constant 1 : i32
          %get3A_560 = arith.constant 4 : i32
          %get3A_561 = arith.index_cast %get3A_559 : i32 to index
          %get3A_562 = arith.index_cast %add3A_556 : i32 to index
          %get3A_563 = arith.index_cast %get3A_560 : i32 to index
          %get3A_564 = arith.index_cast %mul3A_558 : i32 to index
          %get3A_565 = tpu.vector_load %arg10[%get3A_561, %get3A_562, %get3A_563, %get3A_564] {strides = array<i32>} : memref<2x24x8x128xf32, #tpu.memory_space<vmem>>, vector<16xf32>,
          %mul3A_566 = arith.mulf %gather3A_533, %get3A_565 : vector<16xf32>
          %add3A_567 = arith.addf %add3A_449, %mul3A_566 : vector<16xf32>
          %mul3A_568 = arith.constant 2 : i32
          %mul3A_569 = arith.muli %mul3A_568, %scan3A_280 : i32
          %add3A_570 = arith.constant 16 : i32
          %add3A_571 = arith.addi %add3A_570, %mul3A_569 : i32
          %add3A_572 = arith.constant 0 : i32
          %add3A_573 = arith.addi %add3A_571, %add3A_572 : i32
          %mul3A_574 = arith.constant 16 : i32
          %mul3A_575 = arith.muli %scan3A_253, %mul3A_574 : i32
          %get3A_576 = arith.constant 1 : i32
          %get3A_577 = arith.constant 4 : i32
          %get3A_578 = arith.index_cast %get3A_576 : i32 to index
          %get3A_579 = arith.index_cast %add3A_573 : i32 to index
          %get3A_580 = arith.index_cast %get3A_577 : i32 to index
          %get3A_581 = arith.index_cast %mul3A_575 : i32 to index
          %get3A_582 = tpu.vector_load %arg10[%get3A_578, %get3A_579, %get3A_580, %get3A_581] {strides = array<i32>} : memref<2x24x8x128xf32, #tpu.memory_space<vmem>>, vector<16xf32>,
          %mul3A_583 = arith.mulf %gather3A_533, %get3A_582 : vector<16xf32>
          %add3A_584 = arith.addf %add3A_466, %mul3A_583 : vector<16xf32>
          %add3A_585 = arith.constant 5 : i32
          %add3A_586 = vector.broadcast %add3A_585 : i32 to vector<16xi32>
          %add3A_587 = arith.addi %mul3A_290, %add3A_586 : vector<16xi32>
          %gather3A_588 = arith.constant 0 : i32
          %gather3A_589 = arith.constant 0 : i32
          %gather3A_590 = tpu.memref_slice %arg9[%scan3A_247, %gather3A_588, %gather3A_589] : memref<2x128x64xf32, #tpu.memory_space<vmem>> -> memref<1x128x64xf32, #tpu.memory_space<vmem>>
          %gather3A_591 = tpu.memref_squeeze %gather3A_590 : memref<1x128x64xf32, #tpu.memory_space<vmem>> -> memref<128x64xf32, #tpu.memory_space<vmem>>
          %gather3A_592 = tpu.vector_load_idx %gather3A_591[%add3A_261, %add3A_587] : memref<128x64xf32, #tpu.memory_space<vmem>>[vector<16xi32>, vector<16xi32>], vector<16xf32>,
          %mul3A_593 = arith.constant 2 : i32
          %mul3A_594 = arith.muli %mul3A_593, %scan3A_280 : i32
          %add3A_595 = arith.constant 0 : i32
          %add3A_596 = arith.addi %add3A_595, %mul3A_594 : i32
          %add3A_597 = arith.constant 0 : i32
          %add3A_598 = arith.addi %add3A_596, %add3A_597 : i32
          %mul3A_599 = arith.constant 16 : i32
          %mul3A_600 = arith.muli %scan3A_253, %mul3A_599 : i32
          %get3A_601 = arith.constant 1 : i32
          %get3A_602 = arith.constant 5 : i32
          %get3A_603 = arith.index_cast %get3A_601 : i32 to index
          %get3A_604 = arith.index_cast %add3A_598 : i32 to index
          %get3A_605 = arith.index_cast %get3A_602 : i32 to index
          %get3A_606 = arith.index_cast %mul3A_600 : i32 to index
          %get3A_607 = tpu.vector_load %arg10[%get3A_603, %get3A_604, %get3A_605, %get3A_606] {strides = array<i32>} : memref<2x24x8x128xf32, #tpu.memory_space<vmem>>, vector<16xf32>,
          %mul3A_608 = arith.mulf %gather3A_592, %get3A_607 : vector<16xf32>
          %add3A_609 = arith.addf %add3A_491, %mul3A_608 : vector<16xf32>
          %mul3A_610 = arith.constant 2 : i32
          %mul3A_611 = arith.muli %mul3A_610, %scan3A_280 : i32
          %add3A_612 = arith.constant 8 : i32
          %add3A_613 = arith.addi %add3A_612, %mul3A_611 : i32
          %add3A_614 = arith.constant 0 : i32
          %add3A_615 = arith.addi %add3A_613, %add3A_614 : i32
          %mul3A_616 = arith.constant 16 : i32
          %mul3A_617 = arith.muli %scan3A_253, %mul3A_616 : i32
          %get3A_618 = arith.constant 1 : i32
          %get3A_619 = arith.constant 5 : i32
          %get3A_620 = arith.index_cast %get3A_618 : i32 to index
          %get3A_621 = arith.index_cast %add3A_615 : i32 to index
          %get3A_622 = arith.index_cast %get3A_619 : i32 to index
          %get3A_623 = arith.index_cast %mul3A_617 : i32 to index
          %get3A_624 = tpu.vector_load %arg10[%get3A_620, %get3A_621, %get3A_622, %get3A_623] {strides = array<i32>} : memref<2x24x8x128xf32, #tpu.memory_space<vmem>>, vector<16xf32>,
          %mul3A_625 = arith.mulf %gather3A_592, %get3A_624 : vector<16xf32>
          %add3A_626 = arith.addf %add3A_508, %mul3A_625 : vector<16xf32>
          %mul3A_627 = arith.constant 2 : i32
          %mul3A_628 = arith.muli %mul3A_627, %scan3A_280 : i32
          %add3A_629 = arith.constant 16 : i32
          %add3A_630 = arith.addi %add3A_629, %mul3A_628 : i32
          %add3A_631 = arith.constant 0 : i32
          %add3A_632 = arith.addi %add3A_630, %add3A_631 : i32
          %mul3A_633 = arith.constant 16 : i32
          %mul3A_634 = arith.muli %scan3A_253, %mul3A_633 : i32
          %get3A_635 = arith.constant 1 : i32
          %get3A_636 = arith.constant 5 : i32
          %get3A_637 = arith.index_cast %get3A_635 : i32 to index
          %get3A_638 = arith.index_cast %add3A_632 : i32 to index
          %get3A_639 = arith.index_cast %get3A_636 : i32 to index
          %get3A_640 = arith.index_cast %mul3A_634 : i32 to index
          %get3A_641 = tpu.vector_load %arg10[%get3A_637, %get3A_638, %get3A_639, %get3A_640] {strides = array<i32>} : memref<2x24x8x128xf32, #tpu.memory_space<vmem>>, vector<16xf32>,
          %mul3A_642 = arith.mulf %gather3A_592, %get3A_641 : vector<16xf32>
          %add3A_643 = arith.addf %add3A_525, %mul3A_642 : vector<16xf32>
          %add3A_644 = arith.constant 6 : i32
          %add3A_645 = vector.broadcast %add3A_644 : i32 to vector<16xi32>
          %add3A_646 = arith.addi %mul3A_290, %add3A_645 : vector<16xi32>
          %gather3A_647 = arith.constant 0 : i32
          %gather3A_648 = arith.constant 0 : i32
          %gather3A_649 = tpu.memref_slice %arg9[%scan3A_247, %gather3A_647, %gather3A_648] : memref<2x128x64xf32, #tpu.memory_space<vmem>> -> memref<1x128x64xf32, #tpu.memory_space<vmem>>
          %gather3A_650 = tpu.memref_squeeze %gather3A_649 : memref<1x128x64xf32, #tpu.memory_space<vmem>> -> memref<128x64xf32, #tpu.memory_space<vmem>>
          %gather3A_651 = tpu.vector_load_idx %gather3A_650[%add3A_261, %add3A_646] : memref<128x64xf32, #tpu.memory_space<vmem>>[vector<16xi32>, vector<16xi32>], vector<16xf32>,
          %mul3A_652 = arith.constant 2 : i32
          %mul3A_653 = arith.muli %mul3A_652, %scan3A_280 : i32
          %add3A_654 = arith.constant 0 : i32
          %add3A_655 = arith.addi %add3A_654, %mul3A_653 : i32
          %add3A_656 = arith.constant 0 : i32
          %add3A_657 = arith.addi %add3A_655, %add3A_656 : i32
          %mul3A_658 = arith.constant 16 : i32
          %mul3A_659 = arith.muli %scan3A_253, %mul3A_658 : i32
          %get3A_660 = arith.constant 1 : i32
          %get3A_661 = arith.constant 6 : i32
          %get3A_662 = arith.index_cast %get3A_660 : i32 to index
          %get3A_663 = arith.index_cast %add3A_657 : i32 to index
          %get3A_664 = arith.index_cast %get3A_661 : i32 to index
          %get3A_665 = arith.index_cast %mul3A_659 : i32 to index
          %get3A_666 = tpu.vector_load %arg10[%get3A_662, %get3A_663, %get3A_664, %get3A_665] {strides = array<i32>} : memref<2x24x8x128xf32, #tpu.memory_space<vmem>>, vector<16xf32>,
          %mul3A_667 = arith.mulf %gather3A_651, %get3A_666 : vector<16xf32>
          %add3A_668 = arith.addf %add3A_550, %mul3A_667 : vector<16xf32>
          %mul3A_669 = arith.constant 2 : i32
          %mul3A_670 = arith.muli %mul3A_669, %scan3A_280 : i32
          %add3A_671 = arith.constant 8 : i32
          %add3A_672 = arith.addi %add3A_671, %mul3A_670 : i32
          %add3A_673 = arith.constant 0 : i32
          %add3A_674 = arith.addi %add3A_672, %add3A_673 : i32
          %mul3A_675 = arith.constant 16 : i32
          %mul3A_676 = arith.muli %scan3A_253, %mul3A_675 : i32
          %get3A_677 = arith.constant 1 : i32
          %get3A_678 = arith.constant 6 : i32
          %get3A_679 = arith.index_cast %get3A_677 : i32 to index
          %get3A_680 = arith.index_cast %add3A_674 : i32 to index
          %get3A_681 = arith.index_cast %get3A_678 : i32 to index
          %get3A_682 = arith.index_cast %mul3A_676 : i32 to index
          %get3A_683 = tpu.vector_load %arg10[%get3A_679, %get3A_680, %get3A_681, %get3A_682] {strides = array<i32>} : memref<2x24x8x128xf32, #tpu.memory_space<vmem>>, vector<16xf32>,
          %mul3A_684 = arith.mulf %gather3A_651, %get3A_683 : vector<16xf32>
          %add3A_685 = arith.addf %add3A_567, %mul3A_684 : vector<16xf32>
          %mul3A_686 = arith.constant 2 : i32
          %mul3A_687 = arith.muli %mul3A_686, %scan3A_280 : i32
          %add3A_688 = arith.constant 16 : i32
          %add3A_689 = arith.addi %add3A_688, %mul3A_687 : i32
          %add3A_690 = arith.constant 0 : i32
          %add3A_691 = arith.addi %add3A_689, %add3A_690 : i32
          %mul3A_692 = arith.constant 16 : i32
          %mul3A_693 = arith.muli %scan3A_253, %mul3A_692 : i32
          %get3A_694 = arith.constant 1 : i32
          %get3A_695 = arith.constant 6 : i32
          %get3A_696 = arith.index_cast %get3A_694 : i32 to index
          %get3A_697 = arith.index_cast %add3A_691 : i32 to index
          %get3A_698 = arith.index_cast %get3A_695 : i32 to index
          %get3A_699 = arith.index_cast %mul3A_693 : i32 to index
          %get3A_700 = tpu.vector_load %arg10[%get3A_696, %get3A_697, %get3A_698, %get3A_699] {strides = array<i32>} : memref<2x24x8x128xf32, #tpu.memory_space<vmem>>, vector<16xf32>,
          %mul3A_701 = arith.mulf %gather3A_651, %get3A_700 : vector<16xf32>
          %add3A_702 = arith.addf %add3A_584, %mul3A_701 : vector<16xf32>
          %add3A_703 = arith.constant 7 : i32
          %add3A_704 = vector.broadcast %add3A_703 : i32 to vector<16xi32>
          %add3A_705 = arith.addi %mul3A_290, %add3A_704 : vector<16xi32>
          %gather3A_706 = arith.constant 0 : i32
          %gather3A_707 = arith.constant 0 : i32
          %gather3A_708 = tpu.memref_slice %arg9[%scan3A_247, %gather3A_706, %gather3A_707] : memref<2x128x64xf32, #tpu.memory_space<vmem>> -> memref<1x128x64xf32, #tpu.memory_space<vmem>>
          %gather3A_709 = tpu.memref_squeeze %gather3A_708 : memref<1x128x64xf32, #tpu.memory_space<vmem>> -> memref<128x64xf32, #tpu.memory_space<vmem>>
          %gather3A_710 = tpu.vector_load_idx %gather3A_709[%add3A_261, %add3A_705] : memref<128x64xf32, #tpu.memory_space<vmem>>[vector<16xi32>, vector<16xi32>], vector<16xf32>,
          %mul3A_711 = arith.constant 2 : i32
          %mul3A_712 = arith.muli %mul3A_711, %scan3A_280 : i32
          %add3A_713 = arith.constant 0 : i32
          %add3A_714 = arith.addi %add3A_713, %mul3A_712 : i32
          %add3A_715 = arith.constant 0 : i32
          %add3A_716 = arith.addi %add3A_714, %add3A_715 : i32
          %mul3A_717 = arith.constant 16 : i32
          %mul3A_718 = arith.muli %scan3A_253, %mul3A_717 : i32
          %get3A_719 = arith.constant 1 : i32
          %get3A_720 = arith.constant 7 : i32
          %get3A_721 = arith.index_cast %get3A_719 : i32 to index
          %get3A_722 = arith.index_cast %add3A_716 : i32 to index
          %get3A_723 = arith.index_cast %get3A_720 : i32 to index
          %get3A_724 = arith.index_cast %mul3A_718 : i32 to index
          %get3A_725 = tpu.vector_load %arg10[%get3A_721, %get3A_722, %get3A_723, %get3A_724] {strides = array<i32>} : memref<2x24x8x128xf32, #tpu.memory_space<vmem>>, vector<16xf32>,
          %mul3A_726 = arith.mulf %gather3A_710, %get3A_725 : vector<16xf32>
          %add3A_727 = arith.addf %add3A_609, %mul3A_726 : vector<16xf32>
          %mul3A_728 = arith.constant 2 : i32
          %mul3A_729 = arith.muli %mul3A_728, %scan3A_280 : i32
          %add3A_730 = arith.constant 8 : i32
          %add3A_731 = arith.addi %add3A_730, %mul3A_729 : i32
          %add3A_732 = arith.constant 0 : i32
          %add3A_733 = arith.addi %add3A_731, %add3A_732 : i32
          %mul3A_734 = arith.constant 16 : i32
          %mul3A_735 = arith.muli %scan3A_253, %mul3A_734 : i32
          %get3A_736 = arith.constant 1 : i32
          %get3A_737 = arith.constant 7 : i32
          %get3A_738 = arith.index_cast %get3A_736 : i32 to index
          %get3A_739 = arith.index_cast %add3A_733 : i32 to index
          %get3A_740 = arith.index_cast %get3A_737 : i32 to index
          %get3A_741 = arith.index_cast %mul3A_735 : i32 to index
          %get3A_742 = tpu.vector_load %arg10[%get3A_738, %get3A_739, %get3A_740, %get3A_741] {strides = array<i32>} : memref<2x24x8x128xf32, #tpu.memory_space<vmem>>, vector<16xf32>,
          %mul3A_743 = arith.mulf %gather3A_710, %get3A_742 : vector<16xf32>
          %add3A_744 = arith.addf %add3A_626, %mul3A_743 : vector<16xf32>
          %mul3A_745 = arith.constant 2 : i32
          %mul3A_746 = arith.muli %mul3A_745, %scan3A_280 : i32
          %add3A_747 = arith.constant 16 : i32
          %add3A_748 = arith.addi %add3A_747, %mul3A_746 : i32
          %add3A_749 = arith.constant 0 : i32
          %add3A_750 = arith.addi %add3A_748, %add3A_749 : i32
          %mul3A_751 = arith.constant 16 : i32
          %mul3A_752 = arith.muli %scan3A_253, %mul3A_751 : i32
          %get3A_753 = arith.constant 1 : i32
          %get3A_754 = arith.constant 7 : i32
          %get3A_755 = arith.index_cast %get3A_753 : i32 to index
          %get3A_756 = arith.index_cast %add3A_750 : i32 to index
          %get3A_757 = arith.index_cast %get3A_754 : i32 to index
          %get3A_758 = arith.index_cast %mul3A_752 : i32 to index
          %get3A_759 = tpu.vector_load %arg10[%get3A_755, %get3A_756, %get3A_757, %get3A_758] {strides = array<i32>} : memref<2x24x8x128xf32, #tpu.memory_space<vmem>>, vector<16xf32>,
          %mul3A_760 = arith.mulf %gather3A_710, %get3A_759 : vector<16xf32>
          %add3A_761 = arith.addf %add3A_643, %mul3A_760 : vector<16xf32>
          %add3A_762 = arith.constant 8 : i32
          %add3A_763 = vector.broadcast %add3A_762 : i32 to vector<16xi32>
          %add3A_764 = arith.addi %mul3A_290, %add3A_763 : vector<16xi32>
          %gather3A_765 = arith.constant 0 : i32
          %gather3A_766 = arith.constant 0 : i32
          %gather3A_767 = tpu.memref_slice %arg9[%scan3A_247, %gather3A_765, %gather3A_766] : memref<2x128x64xf32, #tpu.memory_space<vmem>> -> memref<1x128x64xf32, #tpu.memory_space<vmem>>
          %gather3A_768 = tpu.memref_squeeze %gather3A_767 : memref<1x128x64xf32, #tpu.memory_space<vmem>> -> memref<128x64xf32, #tpu.memory_space<vmem>>
          %gather3A_769 = tpu.vector_load_idx %gather3A_768[%add3A_261, %add3A_764] : memref<128x64xf32, #tpu.memory_space<vmem>>[vector<16xi32>, vector<16xi32>], vector<16xf32>,
          %mul3A_770 = arith.constant 2 : i32
          %mul3A_771 = arith.muli %mul3A_770, %scan3A_280 : i32
          %add3A_772 = arith.constant 0 : i32
          %add3A_773 = arith.addi %add3A_772, %mul3A_771 : i32
          %add3A_774 = arith.constant 1 : i32
          %add3A_775 = arith.addi %add3A_773, %add3A_774 : i32
          %mul3A_776 = arith.constant 16 : i32
          %mul3A_777 = arith.muli %scan3A_253, %mul3A_776 : i32
          %get3A_778 = arith.constant 1 : i32
          %get3A_779 = arith.constant 0 : i32
          %get3A_780 = arith.index_cast %get3A_778 : i32 to index
          %get3A_781 = arith.index_cast %add3A_775 : i32 to index
          %get3A_782 = arith.index_cast %get3A_779 : i32 to index
          %get3A_783 = arith.index_cast %mul3A_777 : i32 to index
          %get3A_784 = tpu.vector_load %arg10[%get3A_780, %get3A_781, %get3A_782, %get3A_783] {strides = array<i32>} : memref<2x24x8x128xf32, #tpu.memory_space<vmem>>, vector<16xf32>,
          %mul3A_785 = arith.mulf %gather3A_769, %get3A_784 : vector<16xf32>
          %add3A_786 = arith.addf %add3A_668, %mul3A_785 : vector<16xf32>
          %mul3A_787 = arith.constant 2 : i32
          %mul3A_788 = arith.muli %mul3A_787, %scan3A_280 : i32
          %add3A_789 = arith.constant 8 : i32
          %add3A_790 = arith.addi %add3A_789, %mul3A_788 : i32
          %add3A_791 = arith.constant 1 : i32
          %add3A_792 = arith.addi %add3A_790, %add3A_791 : i32
          %mul3A_793 = arith.constant 16 : i32
          %mul3A_794 = arith.muli %scan3A_253, %mul3A_793 : i32
          %get3A_795 = arith.constant 1 : i32
          %get3A_796 = arith.constant 0 : i32
          %get3A_797 = arith.index_cast %get3A_795 : i32 to index
          %get3A_798 = arith.index_cast %add3A_792 : i32 to index
          %get3A_799 = arith.index_cast %get3A_796 : i32 to index
          %get3A_800 = arith.index_cast %mul3A_794 : i32 to index
          %get3A_801 = tpu.vector_load %arg10[%get3A_797, %get3A_798, %get3A_799, %get3A_800] {strides = array<i32>} : memref<2x24x8x128xf32, #tpu.memory_space<vmem>>, vector<16xf32>,
          %mul3A_802 = arith.mulf %gather3A_769, %get3A_801 : vector<16xf32>
          %add3A_803 = arith.addf %add3A_685, %mul3A_802 : vector<16xf32>
          %mul3A_804 = arith.constant 2 : i32
          %mul3A_805 = arith.muli %mul3A_804, %scan3A_280 : i32
          %add3A_806 = arith.constant 16 : i32
          %add3A_807 = arith.addi %add3A_806, %mul3A_805 : i32
          %add3A_808 = arith.constant 1 : i32
          %add3A_809 = arith.addi %add3A_807, %add3A_808 : i32
          %mul3A_810 = arith.constant 16 : i32
          %mul3A_811 = arith.muli %scan3A_253, %mul3A_810 : i32
          %get3A_812 = arith.constant 1 : i32
          %get3A_813 = arith.constant 0 : i32
          %get3A_814 = arith.index_cast %get3A_812 : i32 to index
          %get3A_815 = arith.index_cast %add3A_809 : i32 to index
          %get3A_816 = arith.index_cast %get3A_813 : i32 to index
          %get3A_817 = arith.index_cast %mul3A_811 : i32 to index
          %get3A_818 = tpu.vector_load %arg10[%get3A_814, %get3A_815, %get3A_816, %get3A_817] {strides = array<i32>} : memref<2x24x8x128xf32, #tpu.memory_space<vmem>>, vector<16xf32>,
          %mul3A_819 = arith.mulf %gather3A_769, %get3A_818 : vector<16xf32>
          %add3A_820 = arith.addf %add3A_702, %mul3A_819 : vector<16xf32>
          %add3A_821 = arith.constant 9 : i32
          %add3A_822 = vector.broadcast %add3A_821 : i32 to vector<16xi32>
          %add3A_823 = arith.addi %mul3A_290, %add3A_822 : vector<16xi32>
          %gather3A_824 = arith.constant 0 : i32
          %gather3A_825 = arith.constant 0 : i32
          %gather3A_826 = tpu.memref_slice %arg9[%scan3A_247, %gather3A_824, %gather3A_825] : memref<2x128x64xf32, #tpu.memory_space<vmem>> -> memref<1x128x64xf32, #tpu.memory_space<vmem>>
          %gather3A_827 = tpu.memref_squeeze %gather3A_826 : memref<1x128x64xf32, #tpu.memory_space<vmem>> -> memref<128x64xf32, #tpu.memory_space<vmem>>
          %gather3A_828 = tpu.vector_load_idx %gather3A_827[%add3A_261, %add3A_823] : memref<128x64xf32, #tpu.memory_space<vmem>>[vector<16xi32>, vector<16xi32>], vector<16xf32>,
          %mul3A_829 = arith.constant 2 : i32
          %mul3A_830 = arith.muli %mul3A_829, %scan3A_280 : i32
          %add3A_831 = arith.constant 0 : i32
          %add3A_832 = arith.addi %add3A_831, %mul3A_830 : i32
          %add3A_833 = arith.constant 1 : i32
          %add3A_834 = arith.addi %add3A_832, %add3A_833 : i32
          %mul3A_835 = arith.constant 16 : i32
          %mul3A_836 = arith.muli %scan3A_253, %mul3A_835 : i32
          %get3A_837 = arith.constant 1 : i32
          %get3A_838 = arith.constant 1 : i32
          %get3A_839 = arith.index_cast %get3A_837 : i32 to index
          %get3A_840 = arith.index_cast %add3A_834 : i32 to index
          %get3A_841 = arith.index_cast %get3A_838 : i32 to index
          %get3A_842 = arith.index_cast %mul3A_836 : i32 to index
          %get3A_843 = tpu.vector_load %arg10[%get3A_839, %get3A_840, %get3A_841, %get3A_842] {strides = array<i32>} : memref<2x24x8x128xf32, #tpu.memory_space<vmem>>, vector<16xf32>,
          %mul3A_844 = arith.mulf %gather3A_828, %get3A_843 : vector<16xf32>
          %add3A_845 = arith.addf %add3A_727, %mul3A_844 : vector<16xf32>
          %mul3A_846 = arith.constant 2 : i32
          %mul3A_847 = arith.muli %mul3A_846, %scan3A_280 : i32
          %add3A_848 = arith.constant 8 : i32
          %add3A_849 = arith.addi %add3A_848, %mul3A_847 : i32
          %add3A_850 = arith.constant 1 : i32
          %add3A_851 = arith.addi %add3A_849, %add3A_850 : i32
          %mul3A_852 = arith.constant 16 : i32
          %mul3A_853 = arith.muli %scan3A_253, %mul3A_852 : i32
          %get3A_854 = arith.constant 1 : i32
          %get3A_855 = arith.constant 1 : i32
          %get3A_856 = arith.index_cast %get3A_854 : i32 to index
          %get3A_857 = arith.index_cast %add3A_851 : i32 to index
          %get3A_858 = arith.index_cast %get3A_855 : i32 to index
          %get3A_859 = arith.index_cast %mul3A_853 : i32 to index
          %get3A_860 = tpu.vector_load %arg10[%get3A_856, %get3A_857, %get3A_858, %get3A_859] {strides = array<i32>} : memref<2x24x8x128xf32, #tpu.memory_space<vmem>>, vector<16xf32>,
          %mul3A_861 = arith.mulf %gather3A_828, %get3A_860 : vector<16xf32>
          %add3A_862 = arith.addf %add3A_744, %mul3A_861 : vector<16xf32>
          %mul3A_863 = arith.constant 2 : i32
          %mul3A_864 = arith.muli %mul3A_863, %scan3A_280 : i32
          %add3A_865 = arith.constant 16 : i32
          %add3A_866 = arith.addi %add3A_865, %mul3A_864 : i32
          %add3A_867 = arith.constant 1 : i32
          %add3A_868 = arith.addi %add3A_866, %add3A_867 : i32
          %mul3A_869 = arith.constant 16 : i32
          %mul3A_870 = arith.muli %scan3A_253, %mul3A_869 : i32
          %get3A_871 = arith.constant 1 : i32
          %get3A_872 = arith.constant 1 : i32
          %get3A_873 = arith.index_cast %get3A_871 : i32 to index
          %get3A_874 = arith.index_cast %add3A_868 : i32 to index
          %get3A_875 = arith.index_cast %get3A_872 : i32 to index
          %get3A_876 = arith.index_cast %mul3A_870 : i32 to index
          %get3A_877 = tpu.vector_load %arg10[%get3A_873, %get3A_874, %get3A_875, %get3A_876] {strides = array<i32>} : memref<2x24x8x128xf32, #tpu.memory_space<vmem>>, vector<16xf32>,
          %mul3A_878 = arith.mulf %gather3A_828, %get3A_877 : vector<16xf32>
          %add3A_879 = arith.addf %add3A_761, %mul3A_878 : vector<16xf32>
          %add3A_880 = arith.constant 10 : i32
          %add3A_881 = vector.broadcast %add3A_880 : i32 to vector<16xi32>
          %add3A_882 = arith.addi %mul3A_290, %add3A_881 : vector<16xi32>
          %gather3A_883 = arith.constant 0 : i32
          %gather3A_884 = arith.constant 0 : i32
          %gather3A_885 = tpu.memref_slice %arg9[%scan3A_247, %gather3A_883, %gather3A_884] : memref<2x128x64xf32, #tpu.memory_space<vmem>> -> memref<1x128x64xf32, #tpu.memory_space<vmem>>
          %gather3A_886 = tpu.memref_squeeze %gather3A_885 : memref<1x128x64xf32, #tpu.memory_space<vmem>> -> memref<128x64xf32, #tpu.memory_space<vmem>>
          %gather3A_887 = tpu.vector_load_idx %gather3A_886[%add3A_261, %add3A_882] : memref<128x64xf32, #tpu.memory_space<vmem>>[vector<16xi32>, vector<16xi32>], vector<16xf32>,
          %mul3A_888 = arith.constant 2 : i32
          %mul3A_889 = arith.muli %mul3A_888, %scan3A_280 : i32
          %add3A_890 = arith.constant 0 : i32
          %add3A_891 = arith.addi %add3A_890, %mul3A_889 : i32
          %add3A_892 = arith.constant 1 : i32
          %add3A_893 = arith.addi %add3A_891, %add3A_892 : i32
          %mul3A_894 = arith.constant 16 : i32
          %mul3A_895 = arith.muli %scan3A_253, %mul3A_894 : i32
          %get3A_896 = arith.constant 1 : i32
          %get3A_897 = arith.constant 2 : i32
          %get3A_898 = arith.index_cast %get3A_896 : i32 to index
          %get3A_899 = arith.index_cast %add3A_893 : i32 to index
          %get3A_900 = arith.index_cast %get3A_897 : i32 to index
          %get3A_901 = arith.index_cast %mul3A_895 : i32 to index
          %get3A_902 = tpu.vector_load %arg10[%get3A_898, %get3A_899, %get3A_900, %get3A_901] {strides = array<i32>} : memref<2x24x8x128xf32, #tpu.memory_space<vmem>>, vector<16xf32>,
          %mul3A_903 = arith.mulf %gather3A_887, %get3A_902 : vector<16xf32>
          %add3A_904 = arith.addf %add3A_786, %mul3A_903 : vector<16xf32>
          %mul3A_905 = arith.constant 2 : i32
          %mul3A_906 = arith.muli %mul3A_905, %scan3A_280 : i32
          %add3A_907 = arith.constant 8 : i32
          %add3A_908 = arith.addi %add3A_907, %mul3A_906 : i32
          %add3A_909 = arith.constant 1 : i32
          %add3A_910 = arith.addi %add3A_908, %add3A_909 : i32
          %mul3A_911 = arith.constant 16 : i32
          %mul3A_912 = arith.muli %scan3A_253, %mul3A_911 : i32
          %get3A_913 = arith.constant 1 : i32
          %get3A_914 = arith.constant 2 : i32
          %get3A_915 = arith.index_cast %get3A_913 : i32 to index
          %get3A_916 = arith.index_cast %add3A_910 : i32 to index
          %get3A_917 = arith.index_cast %get3A_914 : i32 to index
          %get3A_918 = arith.index_cast %mul3A_912 : i32 to index
          %get3A_919 = tpu.vector_load %arg10[%get3A_915, %get3A_916, %get3A_917, %get3A_918] {strides = array<i32>} : memref<2x24x8x128xf32, #tpu.memory_space<vmem>>, vector<16xf32>,
          %mul3A_920 = arith.mulf %gather3A_887, %get3A_919 : vector<16xf32>
          %add3A_921 = arith.addf %add3A_803, %mul3A_920 : vector<16xf32>
          %mul3A_922 = arith.constant 2 : i32
          %mul3A_923 = arith.muli %mul3A_922, %scan3A_280 : i32
          %add3A_924 = arith.constant 16 : i32
          %add3A_925 = arith.addi %add3A_924, %mul3A_923 : i32
          %add3A_926 = arith.constant 1 : i32
          %add3A_927 = arith.addi %add3A_925, %add3A_926 : i32
          %mul3A_928 = arith.constant 16 : i32
          %mul3A_929 = arith.muli %scan3A_253, %mul3A_928 : i32
          %get3A_930 = arith.constant 1 : i32
          %get3A_931 = arith.constant 2 : i32
          %get3A_932 = arith.index_cast %get3A_930 : i32 to index
          %get3A_933 = arith.index_cast %add3A_927 : i32 to index
          %get3A_934 = arith.index_cast %get3A_931 : i32 to index
          %get3A_935 = arith.index_cast %mul3A_929 : i32 to index
          %get3A_936 = tpu.vector_load %arg10[%get3A_932, %get3A_933, %get3A_934, %get3A_935] {strides = array<i32>} : memref<2x24x8x128xf32, #tpu.memory_space<vmem>>, vector<16xf32>,
          %mul3A_937 = arith.mulf %gather3A_887, %get3A_936 : vector<16xf32>
          %add3A_938 = arith.addf %add3A_820, %mul3A_937 : vector<16xf32>
          %add3A_939 = arith.constant 11 : i32
          %add3A_940 = vector.broadcast %add3A_939 : i32 to vector<16xi32>
          %add3A_941 = arith.addi %mul3A_290, %add3A_940 : vector<16xi32>
          %gather3A_942 = arith.constant 0 : i32
          %gather3A_943 = arith.constant 0 : i32
          %gather3A_944 = tpu.memref_slice %arg9[%scan3A_247, %gather3A_942, %gather3A_943] : memref<2x128x64xf32, #tpu.memory_space<vmem>> -> memref<1x128x64xf32, #tpu.memory_space<vmem>>
          %gather3A_945 = tpu.memref_squeeze %gather3A_944 : memref<1x128x64xf32, #tpu.memory_space<vmem>> -> memref<128x64xf32, #tpu.memory_space<vmem>>
          %gather3A_946 = tpu.vector_load_idx %gather3A_945[%add3A_261, %add3A_941] : memref<128x64xf32, #tpu.memory_space<vmem>>[vector<16xi32>, vector<16xi32>], vector<16xf32>,
          %mul3A_947 = arith.constant 2 : i32
          %mul3A_948 = arith.muli %mul3A_947, %scan3A_280 : i32
          %add3A_949 = arith.constant 0 : i32
          %add3A_950 = arith.addi %add3A_949, %mul3A_948 : i32
          %add3A_951 = arith.constant 1 : i32
          %add3A_952 = arith.addi %add3A_950, %add3A_951 : i32
          %mul3A_953 = arith.constant 16 : i32
          %mul3A_954 = arith.muli %scan3A_253, %mul3A_953 : i32
          %get3A_955 = arith.constant 1 : i32
          %get3A_956 = arith.constant 3 : i32
          %get3A_957 = arith.index_cast %get3A_955 : i32 to index
          %get3A_958 = arith.index_cast %add3A_952 : i32 to index
          %get3A_959 = arith.index_cast %get3A_956 : i32 to index
          %get3A_960 = arith.index_cast %mul3A_954 : i32 to index
          %get3A_961 = tpu.vector_load %arg10[%get3A_957, %get3A_958, %get3A_959, %get3A_960] {strides = array<i32>} : memref<2x24x8x128xf32, #tpu.memory_space<vmem>>, vector<16xf32>,
          %mul3A_962 = arith.mulf %gather3A_946, %get3A_961 : vector<16xf32>
          %add3A_963 = arith.addf %add3A_845, %mul3A_962 : vector<16xf32>
          %mul3A_964 = arith.constant 2 : i32
          %mul3A_965 = arith.muli %mul3A_964, %scan3A_280 : i32
          %add3A_966 = arith.constant 8 : i32
          %add3A_967 = arith.addi %add3A_966, %mul3A_965 : i32
          %add3A_968 = arith.constant 1 : i32
          %add3A_969 = arith.addi %add3A_967, %add3A_968 : i32
          %mul3A_970 = arith.constant 16 : i32
          %mul3A_971 = arith.muli %scan3A_253, %mul3A_970 : i32
          %get3A_972 = arith.constant 1 : i32
          %get3A_973 = arith.constant 3 : i32
          %get3A_974 = arith.index_cast %get3A_972 : i32 to index
          %get3A_975 = arith.index_cast %add3A_969 : i32 to index
          %get3A_976 = arith.index_cast %get3A_973 : i32 to index
          %get3A_977 = arith.index_cast %mul3A_971 : i32 to index
          %get3A_978 = tpu.vector_load %arg10[%get3A_974, %get3A_975, %get3A_976, %get3A_977] {strides = array<i32>} : memref<2x24x8x128xf32, #tpu.memory_space<vmem>>, vector<16xf32>,
          %mul3A_979 = arith.mulf %gather3A_946, %get3A_978 : vector<16xf32>
          %add3A_980 = arith.addf %add3A_862, %mul3A_979 : vector<16xf32>
          %mul3A_981 = arith.constant 2 : i32
          %mul3A_982 = arith.muli %mul3A_981, %scan3A_280 : i32
          %add3A_983 = arith.constant 16 : i32
          %add3A_984 = arith.addi %add3A_983, %mul3A_982 : i32
          %add3A_985 = arith.constant 1 : i32
          %add3A_986 = arith.addi %add3A_984, %add3A_985 : i32
          %mul3A_987 = arith.constant 16 : i32
          %mul3A_988 = arith.muli %scan3A_253, %mul3A_987 : i32
          %get3A_989 = arith.constant 1 : i32
          %get3A_990 = arith.constant 3 : i32
          %get3A_991 = arith.index_cast %get3A_989 : i32 to index
          %get3A_992 = arith.index_cast %add3A_986 : i32 to index
          %get3A_993 = arith.index_cast %get3A_990 : i32 to index
          %get3A_994 = arith.index_cast %mul3A_988 : i32 to index
          %get3A_995 = tpu.vector_load %arg10[%get3A_991, %get3A_992, %get3A_993, %get3A_994] {strides = array<i32>} : memref<2x24x8x128xf32, #tpu.memory_space<vmem>>, vector<16xf32>,
          %mul3A_996 = arith.mulf %gather3A_946, %get3A_995 : vector<16xf32>
          %add3A_997 = arith.addf %add3A_879, %mul3A_996 : vector<16xf32>
          %add3A_998 = arith.constant 12 : i32
          %add3A_999 = vector.broadcast %add3A_998 : i32 to vector<16xi32>
          %add3A_1000 = arith.addi %mul3A_290, %add3A_999 : vector<16xi32>
          %gather3A_1001 = arith.constant 0 : i32
          %gather3A_1002 = arith.constant 0 : i32
          %gather3A_1003 = tpu.memref_slice %arg9[%scan3A_247, %gather3A_1001, %gather3A_1002] : memref<2x128x64xf32, #tpu.memory_space<vmem>> -> memref<1x128x64xf32, #tpu.memory_space<vmem>>
          %gather3A_1004 = tpu.memref_squeeze %gather3A_1003 : memref<1x128x64xf32, #tpu.memory_space<vmem>> -> memref<128x64xf32, #tpu.memory_space<vmem>>
          %gather3A_1005 = tpu.vector_load_idx %gather3A_1004[%add3A_261, %add3A_1000] : memref<128x64xf32, #tpu.memory_space<vmem>>[vector<16xi32>, vector<16xi32>], vector<16xf32>,
          %mul3A_1006 = arith.constant 2 : i32
          %mul3A_1007 = arith.muli %mul3A_1006, %scan3A_280 : i32
          %add3A_1008 = arith.constant 0 : i32
          %add3A_1009 = arith.addi %add3A_1008, %mul3A_1007 : i32
          %add3A_1010 = arith.constant 1 : i32
          %add3A_1011 = arith.addi %add3A_1009, %add3A_1010 : i32
          %mul3A_1012 = arith.constant 16 : i32
          %mul3A_1013 = arith.muli %scan3A_253, %mul3A_1012 : i32
          %get3A_1014 = arith.constant 1 : i32
          %get3A_1015 = arith.constant 4 : i32
          %get3A_1016 = arith.index_cast %get3A_1014 : i32 to index
          %get3A_1017 = arith.index_cast %add3A_1011 : i32 to index
          %get3A_1018 = arith.index_cast %get3A_1015 : i32 to index
          %get3A_1019 = arith.index_cast %mul3A_1013 : i32 to index
          %get3A_1020 = tpu.vector_load %arg10[%get3A_1016, %get3A_1017, %get3A_1018, %get3A_1019] {strides = array<i32>} : memref<2x24x8x128xf32, #tpu.memory_space<vmem>>, vector<16xf32>,
          %mul3A_1021 = arith.mulf %gather3A_1005, %get3A_1020 : vector<16xf32>
          %add3A_1022 = arith.addf %add3A_904, %mul3A_1021 : vector<16xf32>
          %mul3A_1023 = arith.constant 2 : i32
          %mul3A_1024 = arith.muli %mul3A_1023, %scan3A_280 : i32
          %add3A_1025 = arith.constant 8 : i32
          %add3A_1026 = arith.addi %add3A_1025, %mul3A_1024 : i32
          %add3A_1027 = arith.constant 1 : i32
          %add3A_1028 = arith.addi %add3A_1026, %add3A_1027 : i32
          %mul3A_1029 = arith.constant 16 : i32
          %mul3A_1030 = arith.muli %scan3A_253, %mul3A_1029 : i32
          %get3A_1031 = arith.constant 1 : i32
          %get3A_1032 = arith.constant 4 : i32
          %get3A_1033 = arith.index_cast %get3A_1031 : i32 to index
          %get3A_1034 = arith.index_cast %add3A_1028 : i32 to index
          %get3A_1035 = arith.index_cast %get3A_1032 : i32 to index
          %get3A_1036 = arith.index_cast %mul3A_1030 : i32 to index
          %get3A_1037 = tpu.vector_load %arg10[%get3A_1033, %get3A_1034, %get3A_1035, %get3A_1036] {strides = array<i32>} : memref<2x24x8x128xf32, #tpu.memory_space<vmem>>, vector<16xf32>,
          %mul3A_1038 = arith.mulf %gather3A_1005, %get3A_1037 : vector<16xf32>
          %add3A_1039 = arith.addf %add3A_921, %mul3A_1038 : vector<16xf32>
          %mul3A_1040 = arith.constant 2 : i32
          %mul3A_1041 = arith.muli %mul3A_1040, %scan3A_280 : i32
          %add3A_1042 = arith.constant 16 : i32
          %add3A_1043 = arith.addi %add3A_1042, %mul3A_1041 : i32
          %add3A_1044 = arith.constant 1 : i32
          %add3A_1045 = arith.addi %add3A_1043, %add3A_1044 : i32
          %mul3A_1046 = arith.constant 16 : i32
          %mul3A_1047 = arith.muli %scan3A_253, %mul3A_1046 : i32
          %get3A_1048 = arith.constant 1 : i32
          %get3A_1049 = arith.constant 4 : i32
          %get3A_1050 = arith.index_cast %get3A_1048 : i32 to index
          %get3A_1051 = arith.index_cast %add3A_1045 : i32 to index
          %get3A_1052 = arith.index_cast %get3A_1049 : i32 to index
          %get3A_1053 = arith.index_cast %mul3A_1047 : i32 to index
          %get3A_1054 = tpu.vector_load %arg10[%get3A_1050, %get3A_1051, %get3A_1052, %get3A_1053] {strides = array<i32>} : memref<2x24x8x128xf32, #tpu.memory_space<vmem>>, vector<16xf32>,
          %mul3A_1055 = arith.mulf %gather3A_1005, %get3A_1054 : vector<16xf32>
          %add3A_1056 = arith.addf %add3A_938, %mul3A_1055 : vector<16xf32>
          %add3A_1057 = arith.constant 13 : i32
          %add3A_1058 = vector.broadcast %add3A_1057 : i32 to vector<16xi32>
          %add3A_1059 = arith.addi %mul3A_290, %add3A_1058 : vector<16xi32>
          %gather3A_1060 = arith.constant 0 : i32
          %gather3A_1061 = arith.constant 0 : i32
          %gather3A_1062 = tpu.memref_slice %arg9[%scan3A_247, %gather3A_1060, %gather3A_1061] : memref<2x128x64xf32, #tpu.memory_space<vmem>> -> memref<1x128x64xf32, #tpu.memory_space<vmem>>
          %gather3A_1063 = tpu.memref_squeeze %gather3A_1062 : memref<1x128x64xf32, #tpu.memory_space<vmem>> -> memref<128x64xf32, #tpu.memory_space<vmem>>
          %gather3A_1064 = tpu.vector_load_idx %gather3A_1063[%add3A_261, %add3A_1059] : memref<128x64xf32, #tpu.memory_space<vmem>>[vector<16xi32>, vector<16xi32>], vector<16xf32>,
          %mul3A_1065 = arith.constant 2 : i32
          %mul3A_1066 = arith.muli %mul3A_1065, %scan3A_280 : i32
          %add3A_1067 = arith.constant 0 : i32
          %add3A_1068 = arith.addi %add3A_1067, %mul3A_1066 : i32
          %add3A_1069 = arith.constant 1 : i32
          %add3A_1070 = arith.addi %add3A_1068, %add3A_1069 : i32
          %mul3A_1071 = arith.constant 16 : i32
          %mul3A_1072 = arith.muli %scan3A_253, %mul3A_1071 : i32
          %get3A_1073 = arith.constant 1 : i32
          %get3A_1074 = arith.constant 5 : i32
          %get3A_1075 = arith.index_cast %get3A_1073 : i32 to index
          %get3A_1076 = arith.index_cast %add3A_1070 : i32 to index
          %get3A_1077 = arith.index_cast %get3A_1074 : i32 to index
          %get3A_1078 = arith.index_cast %mul3A_1072 : i32 to index
          %get3A_1079 = tpu.vector_load %arg10[%get3A_1075, %get3A_1076, %get3A_1077, %get3A_1078] {strides = array<i32>} : memref<2x24x8x128xf32, #tpu.memory_space<vmem>>, vector<16xf32>,
          %mul3A_1080 = arith.mulf %gather3A_1064, %get3A_1079 : vector<16xf32>
          %add3A_1081 = arith.addf %add3A_963, %mul3A_1080 : vector<16xf32>
          %mul3A_1082 = arith.constant 2 : i32
          %mul3A_1083 = arith.muli %mul3A_1082, %scan3A_280 : i32
          %add3A_1084 = arith.constant 8 : i32
          %add3A_1085 = arith.addi %add3A_1084, %mul3A_1083 : i32
          %add3A_1086 = arith.constant 1 : i32
          %add3A_1087 = arith.addi %add3A_1085, %add3A_1086 : i32
          %mul3A_1088 = arith.constant 16 : i32
          %mul3A_1089 = arith.muli %scan3A_253, %mul3A_1088 : i32
          %get3A_1090 = arith.constant 1 : i32
          %get3A_1091 = arith.constant 5 : i32
          %get3A_1092 = arith.index_cast %get3A_1090 : i32 to index
          %get3A_1093 = arith.index_cast %add3A_1087 : i32 to index
          %get3A_1094 = arith.index_cast %get3A_1091 : i32 to index
          %get3A_1095 = arith.index_cast %mul3A_1089 : i32 to index
          %get3A_1096 = tpu.vector_load %arg10[%get3A_1092, %get3A_1093, %get3A_1094, %get3A_1095] {strides = array<i32>} : memref<2x24x8x128xf32, #tpu.memory_space<vmem>>, vector<16xf32>,
          %mul3A_1097 = arith.mulf %gather3A_1064, %get3A_1096 : vector<16xf32>
          %add3A_1098 = arith.addf %add3A_980, %mul3A_1097 : vector<16xf32>
          %mul3A_1099 = arith.constant 2 : i32
          %mul3A_1100 = arith.muli %mul3A_1099, %scan3A_280 : i32
          %add3A_1101 = arith.constant 16 : i32
          %add3A_1102 = arith.addi %add3A_1101, %mul3A_1100 : i32
          %add3A_1103 = arith.constant 1 : i32
          %add3A_1104 = arith.addi %add3A_1102, %add3A_1103 : i32
          %mul3A_1105 = arith.constant 16 : i32
          %mul3A_1106 = arith.muli %scan3A_253, %mul3A_1105 : i32
          %get3A_1107 = arith.constant 1 : i32
          %get3A_1108 = arith.constant 5 : i32
          %get3A_1109 = arith.index_cast %get3A_1107 : i32 to index
          %get3A_1110 = arith.index_cast %add3A_1104 : i32 to index
          %get3A_1111 = arith.index_cast %get3A_1108 : i32 to index
          %get3A_1112 = arith.index_cast %mul3A_1106 : i32 to index
          %get3A_1113 = tpu.vector_load %arg10[%get3A_1109, %get3A_1110, %get3A_1111, %get3A_1112] {strides = array<i32>} : memref<2x24x8x128xf32, #tpu.memory_space<vmem>>, vector<16xf32>,
          %mul3A_1114 = arith.mulf %gather3A_1064, %get3A_1113 : vector<16xf32>
          %add3A_1115 = arith.addf %add3A_997, %mul3A_1114 : vector<16xf32>
          %add3A_1116 = arith.constant 14 : i32
          %add3A_1117 = vector.broadcast %add3A_1116 : i32 to vector<16xi32>
          %add3A_1118 = arith.addi %mul3A_290, %add3A_1117 : vector<16xi32>
          %gather3A_1119 = arith.constant 0 : i32
          %gather3A_1120 = arith.constant 0 : i32
          %gather3A_1121 = tpu.memref_slice %arg9[%scan3A_247, %gather3A_1119, %gather3A_1120] : memref<2x128x64xf32, #tpu.memory_space<vmem>> -> memref<1x128x64xf32, #tpu.memory_space<vmem>>
          %gather3A_1122 = tpu.memref_squeeze %gather3A_1121 : memref<1x128x64xf32, #tpu.memory_space<vmem>> -> memref<128x64xf32, #tpu.memory_space<vmem>>
          %gather3A_1123 = tpu.vector_load_idx %gather3A_1122[%add3A_261, %add3A_1118] : memref<128x64xf32, #tpu.memory_space<vmem>>[vector<16xi32>, vector<16xi32>], vector<16xf32>,
          %mul3A_1124 = arith.constant 2 : i32
          %mul3A_1125 = arith.muli %mul3A_1124, %scan3A_280 : i32
          %add3A_1126 = arith.constant 0 : i32
          %add3A_1127 = arith.addi %add3A_1126, %mul3A_1125 : i32
          %add3A_1128 = arith.constant 1 : i32
          %add3A_1129 = arith.addi %add3A_1127, %add3A_1128 : i32
          %mul3A_1130 = arith.constant 16 : i32
          %mul3A_1131 = arith.muli %scan3A_253, %mul3A_1130 : i32
          %get3A_1132 = arith.constant 1 : i32
          %get3A_1133 = arith.constant 6 : i32
          %get3A_1134 = arith.index_cast %get3A_1132 : i32 to index
          %get3A_1135 = arith.index_cast %add3A_1129 : i32 to index
          %get3A_1136 = arith.index_cast %get3A_1133 : i32 to index
          %get3A_1137 = arith.index_cast %mul3A_1131 : i32 to index
          %get3A_1138 = tpu.vector_load %arg10[%get3A_1134, %get3A_1135, %get3A_1136, %get3A_1137] {strides = array<i32>} : memref<2x24x8x128xf32, #tpu.memory_space<vmem>>, vector<16xf32>,
          %mul3A_1139 = arith.mulf %gather3A_1123, %get3A_1138 : vector<16xf32>
          %add3A_1140 = arith.addf %add3A_1022, %mul3A_1139 : vector<16xf32>
          %mul3A_1141 = arith.constant 2 : i32
          %mul3A_1142 = arith.muli %mul3A_1141, %scan3A_280 : i32
          %add3A_1143 = arith.constant 8 : i32
          %add3A_1144 = arith.addi %add3A_1143, %mul3A_1142 : i32
          %add3A_1145 = arith.constant 1 : i32
          %add3A_1146 = arith.addi %add3A_1144, %add3A_1145 : i32
          %mul3A_1147 = arith.constant 16 : i32
          %mul3A_1148 = arith.muli %scan3A_253, %mul3A_1147 : i32
          %get3A_1149 = arith.constant 1 : i32
          %get3A_1150 = arith.constant 6 : i32
          %get3A_1151 = arith.index_cast %get3A_1149 : i32 to index
          %get3A_1152 = arith.index_cast %add3A_1146 : i32 to index
          %get3A_1153 = arith.index_cast %get3A_1150 : i32 to index
          %get3A_1154 = arith.index_cast %mul3A_1148 : i32 to index
          %get3A_1155 = tpu.vector_load %arg10[%get3A_1151, %get3A_1152, %get3A_1153, %get3A_1154] {strides = array<i32>} : memref<2x24x8x128xf32, #tpu.memory_space<vmem>>, vector<16xf32>,
          %mul3A_1156 = arith.mulf %gather3A_1123, %get3A_1155 : vector<16xf32>
          %add3A_1157 = arith.addf %add3A_1039, %mul3A_1156 : vector<16xf32>
          %mul3A_1158 = arith.constant 2 : i32
          %mul3A_1159 = arith.muli %mul3A_1158, %scan3A_280 : i32
          %add3A_1160 = arith.constant 16 : i32
          %add3A_1161 = arith.addi %add3A_1160, %mul3A_1159 : i32
          %add3A_1162 = arith.constant 1 : i32
          %add3A_1163 = arith.addi %add3A_1161, %add3A_1162 : i32
          %mul3A_1164 = arith.constant 16 : i32
          %mul3A_1165 = arith.muli %scan3A_253, %mul3A_1164 : i32
          %get3A_1166 = arith.constant 1 : i32
          %get3A_1167 = arith.constant 6 : i32
          %get3A_1168 = arith.index_cast %get3A_1166 : i32 to index
          %get3A_1169 = arith.index_cast %add3A_1163 : i32 to index
          %get3A_1170 = arith.index_cast %get3A_1167 : i32 to index
          %get3A_1171 = arith.index_cast %mul3A_1165 : i32 to index
          %get3A_1172 = tpu.vector_load %arg10[%get3A_1168, %get3A_1169, %get3A_1170, %get3A_1171] {strides = array<i32>} : memref<2x24x8x128xf32, #tpu.memory_space<vmem>>, vector<16xf32>,
          %mul3A_1173 = arith.mulf %gather3A_1123, %get3A_1172 : vector<16xf32>
          %add3A_1174 = arith.addf %add3A_1056, %mul3A_1173 : vector<16xf32>
          %add3A_1175 = arith.constant 15 : i32
          %add3A_1176 = vector.broadcast %add3A_1175 : i32 to vector<16xi32>
          %add3A_1177 = arith.addi %mul3A_290, %add3A_1176 : vector<16xi32>
          %gather3A_1178 = arith.constant 0 : i32
          %gather3A_1179 = arith.constant 0 : i32
          %gather3A_1180 = tpu.memref_slice %arg9[%scan3A_247, %gather3A_1178, %gather3A_1179] : memref<2x128x64xf32, #tpu.memory_space<vmem>> -> memref<1x128x64xf32, #tpu.memory_space<vmem>>
          %gather3A_1181 = tpu.memref_squeeze %gather3A_1180 : memref<1x128x64xf32, #tpu.memory_space<vmem>> -> memref<128x64xf32, #tpu.memory_space<vmem>>
          %gather3A_1182 = tpu.vector_load_idx %gather3A_1181[%add3A_261, %add3A_1177] : memref<128x64xf32, #tpu.memory_space<vmem>>[vector<16xi32>, vector<16xi32>], vector<16xf32>,
          %mul3A_1183 = arith.constant 2 : i32
          %mul3A_1184 = arith.muli %mul3A_1183, %scan3A_280 : i32
          %add3A_1185 = arith.constant 0 : i32
          %add3A_1186 = arith.addi %add3A_1185, %mul3A_1184 : i32
          %add3A_1187 = arith.constant 1 : i32
          %add3A_1188 = arith.addi %add3A_1186, %add3A_1187 : i32
          %mul3A_1189 = arith.constant 16 : i32
          %mul3A_1190 = arith.muli %scan3A_253, %mul3A_1189 : i32
          %get3A_1191 = arith.constant 1 : i32
          %get3A_1192 = arith.constant 7 : i32
          %get3A_1193 = arith.index_cast %get3A_1191 : i32 to index
          %get3A_1194 = arith.index_cast %add3A_1188 : i32 to index
          %get3A_1195 = arith.index_cast %get3A_1192 : i32 to index
          %get3A_1196 = arith.index_cast %mul3A_1190 : i32 to index
          %get3A_1197 = tpu.vector_load %arg10[%get3A_1193, %get3A_1194, %get3A_1195, %get3A_1196] {strides = array<i32>} : memref<2x24x8x128xf32, #tpu.memory_space<vmem>>, vector<16xf32>,
          %mul3A_1198 = arith.mulf %gather3A_1182, %get3A_1197 : vector<16xf32>
          %add3A_1199 = arith.addf %add3A_1081, %mul3A_1198 : vector<16xf32>
          %mul3A_1200 = arith.constant 2 : i32
          %mul3A_1201 = arith.muli %mul3A_1200, %scan3A_280 : i32
          %add3A_1202 = arith.constant 8 : i32
          %add3A_1203 = arith.addi %add3A_1202, %mul3A_1201 : i32
          %add3A_1204 = arith.constant 1 : i32
          %add3A_1205 = arith.addi %add3A_1203, %add3A_1204 : i32
          %mul3A_1206 = arith.constant 16 : i32
          %mul3A_1207 = arith.muli %scan3A_253, %mul3A_1206 : i32
          %get3A_1208 = arith.constant 1 : i32
          %get3A_1209 = arith.constant 7 : i32
          %get3A_1210 = arith.index_cast %get3A_1208 : i32 to index
          %get3A_1211 = arith.index_cast %add3A_1205 : i32 to index
          %get3A_1212 = arith.index_cast %get3A_1209 : i32 to index
          %get3A_1213 = arith.index_cast %mul3A_1207 : i32 to index
          %get3A_1214 = tpu.vector_load %arg10[%get3A_1210, %get3A_1211, %get3A_1212, %get3A_1213] {strides = array<i32>} : memref<2x24x8x128xf32, #tpu.memory_space<vmem>>, vector<16xf32>,
          %mul3A_1215 = arith.mulf %gather3A_1182, %get3A_1214 : vector<16xf32>
          %add3A_1216 = arith.addf %add3A_1098, %mul3A_1215 : vector<16xf32>
          %mul3A_1217 = arith.constant 2 : i32
          %mul3A_1218 = arith.muli %mul3A_1217, %scan3A_280 : i32
          %add3A_1219 = arith.constant 16 : i32
          %add3A_1220 = arith.addi %add3A_1219, %mul3A_1218 : i32
          %add3A_1221 = arith.constant 1 : i32
          %add3A_1222 = arith.addi %add3A_1220, %add3A_1221 : i32
          %mul3A_1223 = arith.constant 16 : i32
          %mul3A_1224 = arith.muli %scan3A_253, %mul3A_1223 : i32
          %get3A_1225 = arith.constant 1 : i32
          %get3A_1226 = arith.constant 7 : i32
          %get3A_1227 = arith.index_cast %get3A_1225 : i32 to index
          %get3A_1228 = arith.index_cast %add3A_1222 : i32 to index
          %get3A_1229 = arith.index_cast %get3A_1226 : i32 to index
          %get3A_1230 = arith.index_cast %mul3A_1224 : i32 to index
          %get3A_1231 = tpu.vector_load %arg10[%get3A_1227, %get3A_1228, %get3A_1229, %get3A_1230] {strides = array<i32>} : memref<2x24x8x128xf32, #tpu.memory_space<vmem>>, vector<16xf32>,
          %mul3A_1232 = arith.mulf %gather3A_1182, %get3A_1231 : vector<16xf32>
          %add3A_1233 = arith.addf %add3A_1115, %mul3A_1232 : vector<16xf32>
          scf.yield %add3A_1140, %add3A_1199, %add3A_1157, %add3A_1216, %add3A_1174, %add3A_1233 : vector<16xf32>, vector<16xf32>, vector<16xf32>, vector<16xf32>, vector<16xf32>, vector<16xf32>
        }
        %scan3A_267 = arith.constant 4 : i32
        %add3A_268 = arith.addf %scan3A_266#0, %scan3A_266#1 : vector<16xf32>
        %add3A_269 = arith.constant 0 : i32
        %add3A_270 = vector.broadcast %add3A_269 : i32 to vector<16xi32>
        %add3A_271 = arith.addi %get3A_257, %add3A_270 : vector<16xi32>
        tpu.vector_store_idx %arg11[%add3A_271], %add3A_268 masked %eq3A_2 {add = true} : memref<6144xf32, #tpu.memory_space<vmem>>[vector<16xi32>], vector<16xf32>, vector<16xi1>
        tpu.vector_store_idx %arg11[%add3A_271], %add3A_268 masked %eq3A_5 {add = true} : memref<6144xf32, #tpu.memory_space<vmem>>[vector<16xi32>], vector<16xf32>, vector<16xi1>
        tpu.vector_store_idx %arg11[%add3A_271], %add3A_268 masked %eq3A_8 {add = true} : memref<6144xf32, #tpu.memory_space<vmem>>[vector<16xi32>], vector<16xf32>, vector<16xi1>
        tpu.vector_store_idx %arg11[%add3A_271], %add3A_268 masked %eq3A_11 {add = true} : memref<6144xf32, #tpu.memory_space<vmem>>[vector<16xi32>], vector<16xf32>, vector<16xi1>
        tpu.vector_store_idx %arg11[%add3A_271], %add3A_268 masked %eq3A_14 {add = true} : memref<6144xf32, #tpu.memory_space<vmem>>[vector<16xi32>], vector<16xf32>, vector<16xi1>
        tpu.vector_store_idx %arg11[%add3A_271], %add3A_268 masked %eq3A_17 {add = true} : memref<6144xf32, #tpu.memory_space<vmem>>[vector<16xi32>], vector<16xf32>, vector<16xi1>
        tpu.vector_store_idx %arg11[%add3A_271], %add3A_268 masked %eq3A_20 {add = true} : memref<6144xf32, #tpu.memory_space<vmem>>[vector<16xi32>], vector<16xf32>, vector<16xi1>
        tpu.vector_store_idx %arg11[%add3A_271], %add3A_268 masked %eq3A_23 {add = true} : memref<6144xf32, #tpu.memory_space<vmem>>[vector<16xi32>], vector<16xf32>, vector<16xi1>
        tpu.vector_store_idx %arg11[%add3A_271], %add3A_268 masked %eq3A_26 {add = true} : memref<6144xf32, #tpu.memory_space<vmem>>[vector<16xi32>], vector<16xf32>, vector<16xi1>
        tpu.vector_store_idx %arg11[%add3A_271], %add3A_268 masked %eq3A_29 {add = true} : memref<6144xf32, #tpu.memory_space<vmem>>[vector<16xi32>], vector<16xf32>, vector<16xi1>
        tpu.vector_store_idx %arg11[%add3A_271], %add3A_268 masked %eq3A_32 {add = true} : memref<6144xf32, #tpu.memory_space<vmem>>[vector<16xi32>], vector<16xf32>, vector<16xi1>
        tpu.vector_store_idx %arg11[%add3A_271], %add3A_268 masked %eq3A_35 {add = true} : memref<6144xf32, #tpu.memory_space<vmem>>[vector<16xi32>], vector<16xf32>, vector<16xi1>
        tpu.vector_store_idx %arg11[%add3A_271], %add3A_268 masked %eq3A_38 {add = true} : memref<6144xf32, #tpu.memory_space<vmem>>[vector<16xi32>], vector<16xf32>, vector<16xi1>
        tpu.vector_store_idx %arg11[%add3A_271], %add3A_268 masked %eq3A_41 {add = true} : memref<6144xf32, #tpu.memory_space<vmem>>[vector<16xi32>], vector<16xf32>, vector<16xi1>
        tpu.vector_store_idx %arg11[%add3A_271], %add3A_268 masked %eq3A_44 {add = true} : memref<6144xf32, #tpu.memory_space<vmem>>[vector<16xi32>], vector<16xf32>, vector<16xi1>
        tpu.vector_store_idx %arg11[%add3A_271], %add3A_268 masked %eq3A_47 {add = true} : memref<6144xf32, #tpu.memory_space<vmem>>[vector<16xi32>], vector<16xf32>, vector<16xi1>
        %add3A_272 = arith.addf %scan3A_266#2, %scan3A_266#3 : vector<16xf32>
        %add3A_273 = arith.constant 2048 : i32
        %add3A_274 = vector.broadcast %add3A_273 : i32 to vector<16xi32>
        %add3A_275 = arith.addi %get3A_257, %add3A_274 : vector<16xi32>
        tpu.vector_store_idx %arg11[%add3A_275], %add3A_272 masked %eq3A_2 {add = true} : memref<6144xf32, #tpu.memory_space<vmem>>[vector<16xi32>], vector<16xf32>, vector<16xi1>
        tpu.vector_store_idx %arg11[%add3A_275], %add3A_272 masked %eq3A_5 {add = true} : memref<6144xf32, #tpu.memory_space<vmem>>[vector<16xi32>], vector<16xf32>, vector<16xi1>
        tpu.vector_store_idx %arg11[%add3A_275], %add3A_272 masked %eq3A_8 {add = true} : memref<6144xf32, #tpu.memory_space<vmem>>[vector<16xi32>], vector<16xf32>, vector<16xi1>
        tpu.vector_store_idx %arg11[%add3A_275], %add3A_272 masked %eq3A_11 {add = true} : memref<6144xf32, #tpu.memory_space<vmem>>[vector<16xi32>], vector<16xf32>, vector<16xi1>
        tpu.vector_store_idx %arg11[%add3A_275], %add3A_272 masked %eq3A_14 {add = true} : memref<6144xf32, #tpu.memory_space<vmem>>[vector<16xi32>], vector<16xf32>, vector<16xi1>
        tpu.vector_store_idx %arg11[%add3A_275], %add3A_272 masked %eq3A_17 {add = true} : memref<6144xf32, #tpu.memory_space<vmem>>[vector<16xi32>], vector<16xf32>, vector<16xi1>
        tpu.vector_store_idx %arg11[%add3A_275], %add3A_272 masked %eq3A_20 {add = true} : memref<6144xf32, #tpu.memory_space<vmem>>[vector<16xi32>], vector<16xf32>, vector<16xi1>
        tpu.vector_store_idx %arg11[%add3A_275], %add3A_272 masked %eq3A_23 {add = true} : memref<6144xf32, #tpu.memory_space<vmem>>[vector<16xi32>], vector<16xf32>, vector<16xi1>
        tpu.vector_store_idx %arg11[%add3A_275], %add3A_272 masked %eq3A_26 {add = true} : memref<6144xf32, #tpu.memory_space<vmem>>[vector<16xi32>], vector<16xf32>, vector<16xi1>
        tpu.vector_store_idx %arg11[%add3A_275], %add3A_272 masked %eq3A_29 {add = true} : memref<6144xf32, #tpu.memory_space<vmem>>[vector<16xi32>], vector<16xf32>, vector<16xi1>
        tpu.vector_store_idx %arg11[%add3A_275], %add3A_272 masked %eq3A_32 {add = true} : memref<6144xf32, #tpu.memory_space<vmem>>[vector<16xi32>], vector<16xf32>, vector<16xi1>
        tpu.vector_store_idx %arg11[%add3A_275], %add3A_272 masked %eq3A_35 {add = true} : memref<6144xf32, #tpu.memory_space<vmem>>[vector<16xi32>], vector<16xf32>, vector<16xi1>
        tpu.vector_store_idx %arg11[%add3A_275], %add3A_272 masked %eq3A_38 {add = true} : memref<6144xf32, #tpu.memory_space<vmem>>[vector<16xi32>], vector<16xf32>, vector<16xi1>
        tpu.vector_store_idx %arg11[%add3A_275], %add3A_272 masked %eq3A_41 {add = true} : memref<6144xf32, #tpu.memory_space<vmem>>[vector<16xi32>], vector<16xf32>, vector<16xi1>
        tpu.vector_store_idx %arg11[%add3A_275], %add3A_272 masked %eq3A_44 {add = true} : memref<6144xf32, #tpu.memory_space<vmem>>[vector<16xi32>], vector<16xf32>, vector<16xi1>
        tpu.vector_store_idx %arg11[%add3A_275], %add3A_272 masked %eq3A_47 {add = true} : memref<6144xf32, #tpu.memory_space<vmem>>[vector<16xi32>], vector<16xf32>, vector<16xi1>
        %add3A_276 = arith.addf %scan3A_266#4, %scan3A_266#5 : vector<16xf32>
        %add3A_277 = arith.constant 4096 : i32
        %add3A_278 = vector.broadcast %add3A_277 : i32 to vector<16xi32>
        %add3A_279 = arith.addi %get3A_257, %add3A_278 : vector<16xi32>
        tpu.vector_store_idx %arg11[%add3A_279], %add3A_276 masked %eq3A_2 {add = true} : memref<6144xf32, #tpu.memory_space<vmem>>[vector<16xi32>], vector<16xf32>, vector<16xi1>
        tpu.vector_store_idx %arg11[%add3A_279], %add3A_276 masked %eq3A_5 {add = true} : memref<6144xf32, #tpu.memory_space<vmem>>[vector<16xi32>], vector<16xf32>, vector<16xi1>
        tpu.vector_store_idx %arg11[%add3A_279], %add3A_276 masked %eq3A_8 {add = true} : memref<6144xf32, #tpu.memory_space<vmem>>[vector<16xi32>], vector<16xf32>, vector<16xi1>
        tpu.vector_store_idx %arg11[%add3A_279], %add3A_276 masked %eq3A_11 {add = true} : memref<6144xf32, #tpu.memory_space<vmem>>[vector<16xi32>], vector<16xf32>, vector<16xi1>
        tpu.vector_store_idx %arg11[%add3A_279], %add3A_276 masked %eq3A_14 {add = true} : memref<6144xf32, #tpu.memory_space<vmem>>[vector<16xi32>], vector<16xf32>, vector<16xi1>
        tpu.vector_store_idx %arg11[%add3A_279], %add3A_276 masked %eq3A_17 {add = true} : memref<6144xf32, #tpu.memory_space<vmem>>[vector<16xi32>], vector<16xf32>, vector<16xi1>
        tpu.vector_store_idx %arg11[%add3A_279], %add3A_276 masked %eq3A_20 {add = true} : memref<6144xf32, #tpu.memory_space<vmem>>[vector<16xi32>], vector<16xf32>, vector<16xi1>
        tpu.vector_store_idx %arg11[%add3A_279], %add3A_276 masked %eq3A_23 {add = true} : memref<6144xf32, #tpu.memory_space<vmem>>[vector<16xi32>], vector<16xf32>, vector<16xi1>
        tpu.vector_store_idx %arg11[%add3A_279], %add3A_276 masked %eq3A_26 {add = true} : memref<6144xf32, #tpu.memory_space<vmem>>[vector<16xi32>], vector<16xf32>, vector<16xi1>
        tpu.vector_store_idx %arg11[%add3A_279], %add3A_276 masked %eq3A_29 {add = true} : memref<6144xf32, #tpu.memory_space<vmem>>[vector<16xi32>], vector<16xf32>, vector<16xi1>
        tpu.vector_store_idx %arg11[%add3A_279], %add3A_276 masked %eq3A_32 {add = true} : memref<6144xf32, #tpu.memory_space<vmem>>[vector<16xi32>], vector<16xf32>, vector<16xi1>
        tpu.vector_store_idx %arg11[%add3A_279], %add3A_276 masked %eq3A_35 {add = true} : memref<6144xf32, #tpu.memory_space<vmem>>[vector<16xi32>], vector<16xf32>, vector<16xi1>
        tpu.vector_store_idx %arg11[%add3A_279], %add3A_276 masked %eq3A_38 {add = true} : memref<6144xf32, #tpu.memory_space<vmem>>[vector<16xi32>], vector<16xf32>, vector<16xi1>
        tpu.vector_store_idx %arg11[%add3A_279], %add3A_276 masked %eq3A_41 {add = true} : memref<6144xf32, #tpu.memory_space<vmem>>[vector<16xi32>], vector<16xf32>, vector<16xi1>
        tpu.vector_store_idx %arg11[%add3A_279], %add3A_276 masked %eq3A_44 {add = true} : memref<6144xf32, #tpu.memory_space<vmem>>[vector<16xi32>], vector<16xf32>, vector<16xi1>
        tpu.vector_store_idx %arg11[%add3A_279], %add3A_276 masked %eq3A_47 {add = true} : memref<6144xf32, #tpu.memory_space<vmem>>[vector<16xi32>], vector<16xf32>, vector<16xi1>
      }
      %scan3A_252 = arith.constant 8 : i32
    }
    %scan3A_131 = arith.constant 8 : i32
    "tpu.region"() ({
      %run_scoped3A = tpu.sem_alloc : memref<!tpu.dma_semaphore, #tpu.memory_space<semaphore_mem>>
      %dma_start3A_147 = arith.constant 0 : i32
      %dma_start3A_148 = tpu.memref_slice %arg14[%arg1, %dma_start3A_147] : memref<16x6144xf32, #tpu.memory_space<vmem_shared>> -> memref<1x6144xf32, #tpu.memory_space<vmem_shared>>
      %dma_start3A_149 = tpu.memref_squeeze %dma_start3A_148 : memref<1x6144xf32, #tpu.memory_space<vmem_shared>> -> memref<6144xf32, #tpu.memory_space<vmem_shared>>
      %dma_start3A_150 = arith.constant 0 : i32
      %dma_start3A_151 = tpu.memref_slice %arg14[%arg1, %dma_start3A_150] : memref<16x6144xf32, #tpu.memory_space<vmem_shared>> -> memref<1x6144xf32, #tpu.memory_space<vmem_shared>>
      %dma_start3A_152 = tpu.memref_squeeze %dma_start3A_151 : memref<1x6144xf32, #tpu.memory_space<vmem_shared>> -> memref<6144xf32, #tpu.memory_space<vmem_shared>>
      tpu.enqueue_dma source(%arg11 : memref<6144xf32, #tpu.memory_space<vmem>>) target(%dma_start3A_152 : memref<6144xf32, #tpu.memory_space<vmem_shared>>) target_semaphore(%run_scoped3A : memref<!tpu.dma_semaphore, #tpu.memory_space<semaphore_mem>>)
      %dma_wait3A_153 = arith.constant 0 : i32
      %dma_wait3A_154 = tpu.memref_slice %arg14[%arg1, %dma_wait3A_153] : memref<16x6144xf32, #tpu.memory_space<vmem_shared>> -> memref<1x6144xf32, #tpu.memory_space<vmem_shared>>
      %dma_wait3A_155 = tpu.memref_squeeze %dma_wait3A_154 : memref<1x6144xf32, #tpu.memory_space<vmem_shared>> -> memref<6144xf32, #tpu.memory_space<vmem_shared>>
      %dma_wait3A_156 = arith.constant 0 : i32
      %dma_wait3A_157 = tpu.memref_slice %arg14[%arg1, %dma_wait3A_156] : memref<16x6144xf32, #tpu.memory_space<vmem_shared>> -> memref<1x6144xf32, #tpu.memory_space<vmem_shared>>
      %dma_wait3A_158 = tpu.memref_squeeze %dma_wait3A_157 : memref<1x6144xf32, #tpu.memory_space<vmem_shared>> -> memref<6144xf32, #tpu.memory_space<vmem_shared>>
      tpu.wait_dma2 semaphore(%run_scoped3A : memref<!tpu.dma_semaphore, #tpu.memory_space<semaphore_mem>>) src(%arg11 : memref<6144xf32, #tpu.memory_space<vmem>>) dst(%dma_wait3A_158 : memref<6144xf32, #tpu.memory_space<vmem_shared>>)
      tpu.yield
    }) : () -> ()
    %barrier3A_132 = arith.constant 0 : index
    tpu.barrier barrier_id(%barrier3A_132)
    %scan3A_133 = arith.constant 0 : i32
    %scan3A_134 = arith.constant 0 : i32
    %scan3A_135 = arith.constant 24 : i32
    %scan3A_136 = arith.addi %scan3A_134, %scan3A_135 : i32
    %scan3A_137 = arith.constant 1 : i32
    scf.for %scan3A_147 = %scan3A_134 to %scan3A_136 step %scan3A_137  : i32 {
      %mul3A_148 = arith.constant 16 : i32
      %mul3A_149 = arith.muli %scan3A_147, %mul3A_148 : i32
      %swap3A = arith.index_cast %mul3A_149 : i32 to index
      %swap3A_150 = tpu.vector_load %arg13[%swap3A] {strides = array<i32>} : memref<384xf32, #tpu.memory_space<vmem>>, vector<16xf32>,
      tpu.vector_store %arg13[%swap3A], %broadcast_in_dim3A_48 {strides = array<i32>} : memref<384xf32, #tpu.memory_space<vmem>>, vector<16xf32>,
    }
    %scan3A_138 = arith.constant 24 : i32
    %scan3A_139 = arith.constant 0 : i32
    %scan3A_140 = arith.constant 0 : i32
    %scan3A_141 = arith.constant 16 : i32
    %scan3A_142 = arith.addi %scan3A_140, %scan3A_141 : i32
    %scan3A_143 = arith.constant 1 : i32
    scf.for %scan3A_147 = %scan3A_140 to %scan3A_142 step %scan3A_143  : i32 {
      %mul3A_148 = arith.constant 384 : i32
      %mul3A_149 = arith.muli %arg1, %mul3A_148 : i32
      "tpu.region"() ({
        %run_scoped3A = tpu.sem_alloc : memref<!tpu.dma_semaphore, #tpu.memory_space<semaphore_mem>>
        %dma_start3A_156 = tpu.memref_slice %arg14[%scan3A_147, %mul3A_149] : memref<16x6144xf32, #tpu.memory_space<vmem_shared>> -> memref<1x384xf32, #tpu.memory_space<vmem_shared>>
        %dma_start3A_157 = tpu.memref_squeeze %dma_start3A_156 : memref<1x384xf32, #tpu.memory_space<vmem_shared>> -> memref<384xf32, #tpu.memory_space<vmem_shared>>
        %dma_start3A_158 = tpu.memref_slice %arg14[%scan3A_147, %mul3A_149] : memref<16x6144xf32, #tpu.memory_space<vmem_shared>> -> memref<1x384xf32, #tpu.memory_space<vmem_shared>>
        %dma_start3A_159 = tpu.memref_squeeze %dma_start3A_158 : memref<1x384xf32, #tpu.memory_space<vmem_shared>> -> memref<384xf32, #tpu.memory_space<vmem_shared>>
        tpu.enqueue_dma source(%dma_start3A_159 : memref<384xf32, #tpu.memory_space<vmem_shared>>) target(%arg12 : memref<384xf32, #tpu.memory_space<vmem>>) target_semaphore(%run_scoped3A : memref<!tpu.dma_semaphore, #tpu.memory_space<semaphore_mem>>)
        %dma_wait3A_160 = tpu.memref_slice %arg14[%scan3A_147, %mul3A_149] : memref<16x6144xf32, #tpu.memory_space<vmem_shared>> -> memref<1x384xf32, #tpu.memory_space<vmem_shared>>
        %dma_wait3A_161 = tpu.memref_squeeze %dma_wait3A_160 : memref<1x384xf32, #tpu.memory_space<vmem_shared>> -> memref<384xf32, #tpu.memory_space<vmem_shared>>
        %dma_wait3A_162 = tpu.memref_slice %arg14[%scan3A_147, %mul3A_149] : memref<16x6144xf32, #tpu.memory_space<vmem_shared>> -> memref<1x384xf32, #tpu.memory_space<vmem_shared>>
        %dma_wait3A_163 = tpu.memref_squeeze %dma_wait3A_162 : memref<1x384xf32, #tpu.memory_space<vmem_shared>> -> memref<384xf32, #tpu.memory_space<vmem_shared>>
        tpu.wait_dma2 semaphore(%run_scoped3A : memref<!tpu.dma_semaphore, #tpu.memory_space<semaphore_mem>>) src(%dma_wait3A_163 : memref<384xf32, #tpu.memory_space<vmem_shared>>) dst(%arg12 : memref<384xf32, #tpu.memory_space<vmem>>)
        tpu.yield
      }) : () -> ()
      %scan3A_150 = arith.constant 0 : i32
      %scan3A_151 = arith.constant 0 : i32
      %scan3A_152 = arith.constant 24 : i32
      %scan3A_153 = arith.addi %scan3A_151, %scan3A_152 : i32
      %scan3A_154 = arith.constant 1 : i32
      scf.for %scan3A_156 = %scan3A_151 to %scan3A_153 step %scan3A_154  : i32 {
        %mul3A_157 = arith.constant 16 : i32
        %mul3A_158 = arith.muli %scan3A_156, %mul3A_157 : i32
        %get3A = arith.index_cast %mul3A_158 : i32 to index
        %get3A_159 = tpu.vector_load %arg13[%get3A] {strides = array<i32>} : memref<384xf32, #tpu.memory_space<vmem>>, vector<16xf32>,
        %mul3A_160 = arith.constant 16 : i32
        %mul3A_161 = arith.muli %scan3A_156, %mul3A_160 : i32
        %get3A_162 = arith.index_cast %mul3A_161 : i32 to index
        %get3A_163 = tpu.vector_load %arg12[%get3A_162] {strides = array<i32>} : memref<384xf32, #tpu.memory_space<vmem>>, vector<16xf32>,
        %add3A_164 = arith.addf %get3A_159, %get3A_163 : vector<16xf32>
        %mul3A_165 = arith.constant 16 : i32
        %mul3A_166 = arith.muli %scan3A_156, %mul3A_165 : i32
        %swap3A = arith.index_cast %mul3A_166 : i32 to index
        %swap3A_167 = tpu.vector_load %arg13[%swap3A] {strides = array<i32>} : memref<384xf32, #tpu.memory_space<vmem>>, vector<16xf32>,
        tpu.vector_store %arg13[%swap3A], %add3A_164 {strides = array<i32>} : memref<384xf32, #tpu.memory_space<vmem>>, vector<16xf32>,
      }
      %scan3A_155 = arith.constant 24 : i32
    }
    %scan3A_144 = arith.constant 16 : i32
    %mul3A_145 = arith.constant 384 : i32
    %mul3A_146 = arith.muli %arg1, %mul3A_145 : i32
    "tpu.region"() ({
      %run_scoped3A = tpu.sem_alloc : memref<!tpu.dma_semaphore, #tpu.memory_space<semaphore_mem>>
      %dma_start3A_147 = tpu.memref_slice %arg6[%arg0, %mul3A_146] : memref<2x6144xf32, #tpu.memory_space<hbm>> -> memref<1x384xf32, #tpu.memory_space<hbm>>
      %dma_start3A_148 = tpu.memref_squeeze %dma_start3A_147 : memref<1x384xf32, #tpu.memory_space<hbm>> -> memref<384xf32, #tpu.memory_space<hbm>>
      %dma_start3A_149 = tpu.memref_slice %arg6[%arg0, %mul3A_146] : memref<2x6144xf32, #tpu.memory_space<hbm>> -> memref<1x384xf32, #tpu.memory_space<hbm>>
      %dma_start3A_150 = tpu.memref_squeeze %dma_start3A_149 : memref<1x384xf32, #tpu.memory_space<hbm>> -> memref<384xf32, #tpu.memory_space<hbm>>
      tpu.enqueue_dma source(%arg13 : memref<384xf32, #tpu.memory_space<vmem>>) target(%dma_start3A_150 : memref<384xf32, #tpu.memory_space<hbm>>) target_semaphore(%run_scoped3A : memref<!tpu.dma_semaphore, #tpu.memory_space<semaphore_mem>>)
      %dma_wait3A_151 = tpu.memref_slice %arg6[%arg0, %mul3A_146] : memref<2x6144xf32, #tpu.memory_space<hbm>> -> memref<1x384xf32, #tpu.memory_space<hbm>>
      %dma_wait3A_152 = tpu.memref_squeeze %dma_wait3A_151 : memref<1x384xf32, #tpu.memory_space<hbm>> -> memref<384xf32, #tpu.memory_space<hbm>>
      %dma_wait3A_153 = tpu.memref_slice %arg6[%arg0, %mul3A_146] : memref<2x6144xf32, #tpu.memory_space<hbm>> -> memref<1x384xf32, #tpu.memory_space<hbm>>
      %dma_wait3A_154 = tpu.memref_squeeze %dma_wait3A_153 : memref<1x384xf32, #tpu.memory_space<hbm>> -> memref<384xf32, #tpu.memory_space<hbm>>
      tpu.wait_dma2 semaphore(%run_scoped3A : memref<!tpu.dma_semaphore, #tpu.memory_space<semaphore_mem>>) src(%arg13 : memref<384xf32, #tpu.memory_space<vmem>>) dst(%dma_wait3A_154 : memref<384xf32, #tpu.memory_space<hbm>>)
      tpu.yield
    }) : () -> ()
    return
  }
}

module attributes {stable_mosaic.version = 14 : i64} {
  func.func @_dense_body(%arg0: memref<2048x64xf32, #tpu.memory_space<vmem>>, %arg1: memref<1x64xf32, #tpu.memory_space<vmem>>, %arg2: memref<1x64xf32, #tpu.memory_space<vmem>>, %arg3: memref<1x64xf32, #tpu.memory_space<vmem>>, %arg4: memref<1x1xf32, #tpu.memory_space<smem>>, %arg5: memref<2048x64xf32, #tpu.memory_space<vmem>>, %arg6: memref<1x1xf32, #tpu.memory_space<smem>>) attributes {dimension_semantics = [], scalar_prefetch = 0 : i64, scratch_operands = 0 : i64, tpu.core_type = #tpu.core_type<tc>} {
    %get3A = arith.constant 0 : index
    %get3A_0 = arith.constant 0 : index
    %get3A_1 = vector.load %arg0[%get3A, %get3A_0] : memref<2048x64xf32, #tpu.memory_space<vmem>>, vector<2048x64xf32>
    %get3A_2 = arith.constant 0 : index
    %get3A_3 = arith.constant 0 : index
    %get3A_4 = vector.load %arg1[%get3A_2, %get3A_3] : memref<1x64xf32, #tpu.memory_space<vmem>>, vector<1x64xf32>
    %get3A_5 = arith.constant 0 : index
    %get3A_6 = arith.constant 0 : index
    %get3A_7 = vector.load %arg3[%get3A_5, %get3A_6] : memref<1x64xf32, #tpu.memory_space<vmem>>, vector<1x64xf32>
    %mul3A = vector.broadcast %get3A_4 : vector<1x64xf32> to vector<2048x64xf32>
    %mul3A_8 = arith.mulf %get3A_1, %mul3A : vector<2048x64xf32>
    %get3A_9 = arith.constant 0 : index
    %get3A_10 = arith.constant 0 : index
    %get3A_11 = vector.load %arg2[%get3A_9, %get3A_10] : memref<1x64xf32, #tpu.memory_space<vmem>>, vector<1x64xf32>
    %add3A = vector.broadcast %get3A_11 : vector<1x64xf32> to vector<2048x64xf32>
    %add3A_12 = arith.addf %mul3A_8, %add3A : vector<2048x64xf32>
    %tanh3A = math.tanh %add3A_12 : vector<2048x64xf32>
    %mul3A_13 = arith.mulf %tanh3A, %tanh3A : vector<2048x64xf32>
    %sub3A = arith.constant 1.000000e+00 : f32
    %sub3A_14 = vector.broadcast %sub3A : f32 to vector<2048x64xf32>
    %sub3A_15 = arith.subf %mul3A_13, %sub3A_14 : vector<2048x64xf32>
    %mul3A_16 = arith.mulf %get3A_4, %get3A_7 : vector<1x64xf32>
    %mul3A_17 = vector.broadcast %mul3A_16 : vector<1x64xf32> to vector<2048x64xf32>
    %mul3A_18 = arith.mulf %sub3A_15, %mul3A_17 : vector<2048x64xf32>
    %swap3A = arith.constant 0 : index
    %swap3A_19 = arith.constant 0 : index
    %swap3A_20 = vector.load %arg5[%swap3A, %swap3A_19] : memref<2048x64xf32, #tpu.memory_space<vmem>>, vector<2048x64xf32>
    tpu.vector_store %arg5[%swap3A, %swap3A_19], %mul3A_18 {strides = array<i32>} : memref<2048x64xf32, #tpu.memory_space<vmem>>, vector<2048x64xf32>,
    %mul3A_21 = vector.broadcast %get3A_7 : vector<1x64xf32> to vector<2048x64xf32>
    %mul3A_22 = arith.mulf %tanh3A, %mul3A_21 : vector<2048x64xf32>
    %reduce_sum3A = vector.shape_cast %mul3A_22 : vector<2048x64xf32> to vector<1x2048x64xf32>
    %reduce_sum3A_23 = arith.constant dense<0.000000e+00> : vector<1xf32>
    %reduce_sum3A_24 = vector.multi_reduction <add>, %reduce_sum3A, %reduce_sum3A_23 [1, 2] : vector<1x2048x64xf32> to vector<1xf32>
    %reduce_sum3A_25 = vector.shape_cast %reduce_sum3A_24 : vector<1xf32> to vector<1x1x1xf32>
    %reduce_sum3A_26 = vector.extract %reduce_sum3A_25[0, 0, 0] : f32 from vector<1x1x1xf32>
    %div3A = arith.constant 2.048000e+03 : f32
    %div3A_27 = arith.divf %reduce_sum3A_26, %div3A : f32
    %get3A_28 = arith.constant 0 : index
    %get3A_29 = arith.constant 0 : index
    %get3A_30 = memref.load %arg4[%get3A_28, %get3A_29] : memref<1x1xf32, #tpu.memory_space<smem>>
    %add3A_31 = arith.addf %div3A_27, %get3A_30 : f32
    %swap3A_32 = arith.constant 0 : index
    %swap3A_33 = arith.constant 0 : index
    %swap3A_34 = memref.load %arg6[%swap3A_32, %swap3A_33] : memref<1x1xf32, #tpu.memory_space<smem>>
    memref.store %add3A_31, %arg6[%swap3A_32, %swap3A_33] : memref<1x1xf32, #tpu.memory_space<smem>>
    return
  }
}

</mosaic_0001>

<sc_bundles>
// kernel: kernel.4.cloned.1.call-start
scs
__scs_entry_jumppad:
0x0: {  	(pc) =	sbr.rel $0x88, $3  }
0x1: {  	(tag) =	ssettag $0x0;
	lr =	simm.s32 $0x1  }
0x2: {  	[smem:$0x3F99] =	sst lr;
	_ =	strace $0xD0000000  }
0x3: {  	_ = 	snop  }
0x4: {  	_ = 	snop  }
0x5: {  	_ = 	snop  }
0x6: {  	_ = 	snop  }
0x7: {  	_ = 	snop  }
__scs_overlays_trampoline_lowered:
0x8: {  	[smem:$0x3FA8] =	sst s0  }
0x9: {  	[smem:$0x3FA9] =	sst s1  }
0xa: {  	[smem:$0x3FAA] =	sst s2  }
0xb: {  	[smem:$0x3FAB] =	sst s3  }
0xc: {  	[smem:$0x3FAC] =	sst s4  }
0xd: {  	[smem:$0x3FAD] =	sst s5  }
0xe: {  	[smem:$0x3FAE] =	sst s6  }
0xf: {  	[smem:$0x3FAF] =	sst s7  }
0x10: {  	[smem:$0x3FB0] =	sst s8  }
0x11: {  	[smem:$0x3FB1] =	sst s9;
	s0 =	simm.s32 @!p0 $0x0  }
0x12: {  	s1 =	sld [smem:$0x3F97];
	s0 =	simm.s32 @p0 $0x1  }
0x13: {  	[smem:$0x3FB2] =	sst s0;
	s0 =	simm.s32 @!p1 $0x0  }
0x14: {  	s2 =	sld [smem:$0x3F96];
	s0 =	simm.s32 @p1 $0x1  }
0x15: {  	[smem:$0x3FB3] =	sst s0;
	s0 =	simm.s32 @!p2 $0x0  }
0x16: {  	s3 =	sld [smem:$0x3FDB];
	s0 =	simm.s32 @p2 $0x1  }
0x17: {  	s4 =	simm.s32 $0x1BF5;
	[smem:$0x3FB5] =	sst s0  }
0x18: {  	s0 =	sld [smem:$0x3F98];
	_ =	swait.ge [sflag:s4], $0x0  }
0x19: {  	s7 =	sld [smem:$0x3F99]  }
0x1a: {  	s8 =	sadd.s32 $0xFFFFE003, lr  }
0x1b: {  	s9 =	sadd.s32 $0xFFFFFEF7, lr;
	s5 =	simm.s32 $0xFFFFFFFF;
	p2 =	slt.u32 s8, $0xFFFFF086  }
0x1c: {  	p1 =	slt.u32 s9, $0xF7A;
	s5 =	simm.s32 @!p2 $0x0  }
0x1d: {  	s5 =	simm.s32 @p1 $0x1;
	p0 =	seq.s32 s7, s2  }
0x1e: {  	s7 =	smul.u32 @!p0 $0xF7A, s2;
	p2 =	seq.s32 @!p0 s5, $0x0  }
0x1f: {  	s9 =	smul.u32 $0xF7A, s1;
	s8 =	simm.s32 @!p0 $0x1BF5;
	p2 =	por !p2, p0  }
0x20: {  	[sflag:s8] =	ssyncset.s32 @!p0 $0xFFFFF086;
	s6 =	sadd.s32 @!p0 s3, s7;
	s7 =	simm.s32 @!p0 $0x108  }
0x21: {  	s3 =	sadd.s32 s3, s9;
	s6 =	sadd.s32 @!p0 $0x88, s6;
	s7 =	simm.s32 @p2 $0x1082  }
0x22: {  	[simem:s7], [sflag:s8] =	dma.local @!p0 [hbm:s6], $0xF7A  }
0x23: {  	s9 =	sor.u32 $0xD0000000, s2;
	s6 =	simm.s32 $0x108;
	_ =	swait.ge @!p0 [sflag:s8], $0x0  }
0x24: {  	s3 =	sadd.s32 $0x88, s3;
	s6 =	simm.s32 @!p1 $0x1082;
	[sflag:s4] =	ssyncset.s32 $0xFFFFF086  }
0x25: {  	[simem:s6], [sflag:s4] =	dma.local [hbm:s3], $0xF7A  }
0x26: {  	[smem:$0x3F99] =	sst s1;
	(tag) =	ssettag s2;
	_ =	strace s9  }
0x27: {  	s1 =	sld [smem:$0x3FA9]  }
0x28: {  	s2 =	sld [smem:$0x3FAA]  }
0x29: {  	s4 =	sld [smem:$0x3FAC]  }
0x2a: {  	p0 =	seq.s32 s5, $0x0;
	s5 =	sld [smem:$0x3FAD]  }
0x2b: {  	s6 =	sld [smem:$0x3FAE]  }
0x2c: {  	s7 =	sld [smem:$0x3FAF]  }
0x2d: {  	s3 =	simm.s32 $0x108;
	s8 =	sld [smem:$0x3FB0]  }
0x2e: {  	s3 =	simm.s32 @!p0 $0x1082;
	s9 =	sld [smem:$0x3FB1]  }
0x2f: {  	lr =	sadd.s32 s0, s3;
	s0 =	sld [smem:$0x3FA8]  }
0x30: {  	s3 =	sld [smem:$0x3FAB]  }
0x31: {  	[smem:$0x3FB4] =	sst s10  }
0x32: {  	s10 =	sld [smem:$0x3FB2];
	_ =	sdelay $0x3  }
0x33: {  	p0 =	seq.s32 s10, $0x1;
	s10 =	sld [smem:$0x3FB4];
	_ =	sdelay $0x3  }
0x34: {  	[smem:$0x3FB4] =	sst s10  }
0x35: {  	s10 =	sld [smem:$0x3FB3];
	_ =	sdelay $0x3  }
0x36: {  	p1 =	seq.s32 s10, $0x1;
	s10 =	sld [smem:$0x3FB4];
	_ =	sdelay $0x3  }
0x37: {  	[smem:$0x3FB4] =	sst s10  }
0x38: {  	s10 =	sld [smem:$0x3FB5]  }
0x39: {  	_ = 	snop;
	(pc) =	sbr.ind lr, $3  }
0x3a: {  	_ = 	snop  }
0x3b: {  	_ = 	snop  }
0x3c: {  	p2 =	seq.s32 s10, $0x1;
	s10 =	sld [smem:$0x3FB4]  }
0x3d: {  	_ =	shalt  }
0x3e: {  	_ =	shalt  }
0x3f: {  	_ =	shalt  }
0x40: {  	_ =	shalt  }
0x41: {  	_ =	shalt  }
0x42: {  	_ =	shalt  }
0x43: {  	_ =	shalt  }
0x44: {  	_ =	shalt  }
0x45: {  	_ =	shalt  }
0x46: {  	_ =	shalt  }
0x47: {  	_ =	shalt  }
0x48: {  	_ =	shalt  }
0x49: {  	_ =	shalt  }
0x4a: {  	_ =	shalt  }
0x4b: {  	_ =	shalt  }
0x4c: {  	_ =	shalt  }
0x4d: {  	_ =	shalt  }
0x4e: {  	_ =	shalt  }
0x4f: {  	_ =	shalt  }
0x50: {  	_ =	shalt  }
0x51: {  	_ =	shalt  }
0x52: {  	_ =	shalt  }
0x53: {  	_ =	shalt  }
0x54: {  	_ =	shalt  }
0x55: {  	_ =	shalt  }
0x56: {  	_ =	shalt  }
0x57: {  	_ =	shalt  }
0x58: {  	_ =	shalt  }
0x59: {  	_ =	shalt  }
0x5a: {  	_ =	shalt  }
0x5b: {  	_ =	shalt  }
0x5c: {  	_ =	shalt  }
0x5d: {  	_ =	shalt  }
0x5e: {  	_ =	shalt  }
0x5f: {  	_ =	shalt  }
0x60: {  	_ =	shalt  }
0x61: {  	_ =	shalt  }
0x62: {  	_ =	shalt  }
0x63: {  	_ =	shalt  }
0x64: {  	_ =	shalt  }
0x65: {  	_ =	shalt  }
0x66: {  	_ =	shalt  }
0x67: {  	_ =	shalt  }
0x68: {  	_ =	shalt  }
0x69: {  	_ =	shalt  }
0x6a: {  	_ =	shalt  }
0x6b: {  	_ =	shalt  }
0x6c: {  	_ =	shalt  }
0x6d: {  	_ =	shalt  }
0x6e: {  	_ =	shalt  }
0x6f: {  	_ =	shalt  }
0x70: {  	_ =	shalt  }
0x71: {  	_ =	shalt  }
0x72: {  	_ =	shalt  }
0x73: {  	_ =	shalt  }
0x74: {  	_ =	shalt  }
0x75: {  	_ =	shalt  }
0x76: {  	_ =	shalt  }
0x77: {  	_ =	shalt  }
0x78: {  	_ =	shalt  }
0x79: {  	_ =	shalt  }
0x7a: {  	_ =	shalt  }
0x7b: {  	_ =	shalt  }
0x7c: {  	_ =	shalt  }
0x7d: {  	_ =	shalt  }
0x7e: {  	_ =	shalt  }
0x7f: {  	_ =	shalt  }
0x80: {  	_ =	shalt  }
0x81: {  	_ =	shalt  }
0x82: {  	_ =	shalt  }
0x83: {  	_ =	shalt  }
0x84: {  	_ =	shalt  }
0x85: {  	_ =	shalt  }
0x86: {  	_ =	shalt  }
0x87: {  	_ =	shalt  }
.Lfunc_end0:
.L_simem_size_0:
called_computation_lowered:
.L_overlay_start_0:
0x88: {  	s2 =	sld [smem:$0x3FD9]  }
0x89: {  	s3 =	sld [smem:$0x3FFE];
	_ =	sdelay $0x1  }
0x8a: {  	s1 =	srdreg.scid  }
0x8b: {  	s0 =	sand.u32 $0x1, s1  }
0x8c: {  	s17 =	sshll.u32 s0, $0xA;
	s2 =	sadd.s32 s3, s2  }
0x8d: {  	s2 =	sadd.s32 s2, s17  }
0x8e: {  	[smem:$0x3FC0] =	sst s2  }
0x8f: {  	_ = 	snop  }
0x90: {  	s2 =	sld [smem:$0x3FC8]  }
0x91: {  	s18 =	sld [smem:$0x3FC7]  }
0x92: {  	s4 =	sld [smem:$0x3FC6];
	(tm) =	ssettm $0x1  }
0x93: {  	s5 =	sld [smem:$0x3FFB];
	_ =	sdelay $0x3  }
0x94: {  	_ =	strace s5  }
0x95: {  	s5 =	sld [smem:$0x3FFC];
	_ =	sdelay $0x3  }
0x96: {  	_ =	strace s5  }
0x97: {  	s5 =	sld [smem:$0x3FFD];
	_ =	sdelay $0x3  }
0x98: {  	_ =	strace s5  }
0x99: {  	_ =	strace $0x8FFFFFFF  }
0x9a: {  	s19 =	sld [smem:$0x3FDB];
	_ =	sdelay $0x1  }
0x9b: {  	s6 =	simm.s32 $_scs_section_size  }
0x9c: {  	s7 =	simm.s32 $_size__tile_overlayer_lowered;
	s8 =	simm.s32 $_tile_overlayer_lowered  }
0x9d: {  	s22 =	simm.s32 $0x1BFF;
	s21 =	sshll.u32 s8, $0x1;
	s5 =	sadd.s32 s6, s19  }
0x9e: {  	s9 =	simm.s32 $0x0;
	s20 =	sshll.u32 s7, $0x1;
	s7 =	sadd.s32 s21, s5  }
0x9f: {  	[timem:s9], [sflag:s22] =	dma.local [hbm:s7], s20  }
0xa0: {  	_ =	swait.ge [sflag:s22], s20  }
0xa1: {  	s6 =	ssub.s32 $0x0, s20;
	[sflag:s22] =	ssyncset.done $0x0  }
0xa2: {  	[sflag:s22] =	ssyncadd.s32 s6;
	_ =	sdelay $0x1  }
0xa3: {  	s23 =	simm.s32 $0x1B8B  }
0xa4: {  	_ =	swait.ge [sflag:s23], $0x1  }
0xa5: {  	[sflag:s23] =	ssyncset.done $0x0  }
0xa6: {  	s25 =	simm.s32 $0x1B8E;
	s24 =	sld [smem:$0x3FFE];
	[sflag:s23] =	ssyncadd.s32 $0xFFFFFFFF  }
0xa7: {  	s26 =	simm.s32 $execute0_lowered;
	[smem:$0x3FD2] =	sst s25  }
0xa8: {  	s7 =	sshll.u32 s26, $0x1;
	_ =	strace $0x80000046;
	[dreg:$0x1] =	wrdreg $0xFFFFFFFF  }
0xa9: {  	s28 =	simm.s32 $_size_execute0_lowered;
	s5 =	sadd.s32 s5, s7;
	[dreg:$0x0] =	wrdreg $0x0  }
0xaa: {  	s7 =	sshll.u32 s28, $0x1;
	[dreg:$0x2] =	wrdreg s5  }
0xab: {  	[dreg:$0x3] =	wrdreg s7  }
0xac: {  	[dreg:$0x4] =	wrdreg $0xC0  }
0xad: {  	_ =	task [dreg:s9], $0x5FFFF  }
0xae: {  	[dreg:$0x1] =	wrdreg $0xFFFFFFFF  }
0xaf: {  	[dreg:$0x0] =	wrdreg $0x60  }
0xb0: {  	[dreg:$0x2] =	wrdreg s24  }
0xb1: {  	[dreg:$0x3] =	wrdreg s2  }
0xb2: {  	[dreg:$0x4] =	wrdreg s18  }
0xb3: {  	[dreg:$0x5] =	wrdreg s4  }
0xb4: {  	[dreg:$0x6] =	wrdreg $0x143000  }
0xb5: {  	[dreg:$0x7] =	wrdreg $0x12B000  }
0xb6: {  	[dreg:$0x8] =	wrdreg $0x9  }
0xb7: {  	_ =	task.clear_ibuf [dreg:s9], $0x9FFFF;
	_ =	strace $0x90000046  }
0xb8: {  	s29 =	simm.s32 $0x9;
	_ =	strace $0x80000048  }
0xb9: {  	_ =	swait.ge [sflag:s29], $0x1  }
0xba: {  	[sflag:s29] =	ssyncadd.s32 $0xFFFFFFFF  }
0xbb: {  	_ =	strace $0x90000048  }
0xbc: {  	_ =	sfence  }
0xbd: {  	s30 =	sld [smem:$0x0];
	_ =	sdelay $0x2  }
0xbe: {  	s31 =	sshll.u32 s1, $0xD;
	s1 =	sshrl.u32 s1, $0x2  }
0xbf: {  	s3 =	sand.u32 $0x4000, s31;
	s1 =	sadd.s32 s1, s30  }
0xc0: {  	s0 =	sor.u32 s3, s0;
	s1 =	sshll.u32 s1, $0x11  }
0xc1: {  	s0 =	sor.u32 s1, s0  }
0xc2: {  	s0 =	sadd.s32 $0x8F2B, s0  }
0xc3: {  	[sflag:s0] =	ssyncadd.remote.s32 $0x1  }
0xc4: {  	_ =	sfence.sel $0xFFFF  }
0xc5: {  	[dreg:$0x0] =	wrdreg $0xFFFFFFFF;
	(pc) =	sbr.abs _section_cstart, $3  }
0xc6: {  	[dreg:$0x1] =	wrdreg $0xFFFFFFFF  }
0xc7: {  	_ =	task.clear_ibuf [dreg:s9], $0x2FFFF;
	_ =	strace $0x9FFFFFFF  }
0xc8: {  	(tm) =	ssettm $0x7FFFFFFF  }
0xc9: {  	_ =	shalt  }
tec
execute0_lowered:
.L_overlay_start_1:
0x0: {  	(tag) =	ssettag $0x1  }
0x1: {  	s2 =	rddreg [dreg:$0x0]  }
0x2: {  	s0 =	rddreg [dreg:$0x1]  }
0x3: {  	s4 =	rddreg [dreg:$0x2]  }
0x4: {  	s5 =	rddreg [dreg:$0x3]  }
0x5: {  	s1 =	rddreg [dreg:$0x4];
	s3 =	srdreg.scid  }
0x6: {  	s6 =	rddreg [dreg:$0x5];
	s8 =	stileid.u32;
	s15 =	simm.s32 $0x1  }
0x7: {  	s16 =	simm.s32 $0x80;
	s17 =	simm.s32 $0x1000;
	s18 =	simm.s32 $0x400  }
0x8: {  	s19 =	simm.s32 $0x80000;
	s28 =	simm.s32 $0x5;
	s29 =	simm.s32 $0x6  }
0x9: {  	s30 =	simm.s32 $0x12800;
	s7 =	sand.u32 $0x1, s3;
	s10 =	smul.u32 $0x180, s8  }
0xa: {  	s3 =	simm.s32 $0x0;
	s21 =	sadd.s32 $0xC00, s2;
	s12 =	smul.u32 $0x6000, s8  }
0xb: {  	s22 =	sshll.u32 s8, $0x1;
	s25 =	smul.u32 $0x600, s8;
	p0 =	sne.s32 s8, $0x0  }
0xc: {  	s9 =	smul.u32 $0x1800, s7;
	[smem:$0x7FF] =	sst s3;
	s23 =	ssub.s32 $0x2, s7  }
0xd: {  	s14 =	sshrl.u32 @!p0 s1, $0x3;
	_ =	strace $0x80000047;
	[dreg:$0x7] =	wrdreg s21  }
0xe: {  	s24 =	sshrl.u32 s23, $0x1;
	s31 =	sshrl.u32 s12, $0x2;
	s21 =	simm.s32 $0x3000  }
0xf: {  	s9 =	sadd.s32 s10, s9;
	s10 =	sor.u32 s7, s22;
	s22 =	simm.s32 $0xB000  }
0x10: {  	s9 =	sshrl.u32 s9, $0x3;
	s11 =	sshll.u32 s10, $0x8;
	s7 =	sshll.u32 s10, $0x4  }
0x11: {  	s26 =	sshll.u32 s10, $0xB;
	s2 =	sadd.s32 s9, s2;
	s4 =	sadd.s32 s4, s11  }
0x12: {  	v1 =	vlaneseq.u32;
	v0 =	vimm.f32 $0.0e+00;
	vm0 =	vcmask $0x704;
	s9 =	ssub.s32 s23, s24;
	s5 =	sadd.s32 s5, s11;
	[dreg:$0x8] =	wrdreg s4  }
0x13: {  	vm1 =	vcmask $0xB08;
	vm2 =	vcmask $0xF0C;
	vm3 =	vcmask $0x1310;
	s23 =	simm.s32 $0x2;
	s24 =	simm.s32 $0x4;
	[dreg:$0x9] =	wrdreg s5  }
0x14: {  	vm4 =	vcmask $0x1714;
	vm5 =	vcmask $0x1B18;
	vm6 =	vcmask $0x1F1C;
	s5 =	sadd.s32 s0, s26;
	s4 =	sshrl.u32 s25, $0x2;
	s2 =	sadd.s32 $0x4C00, s2  }
0x15: {  	vm7 =	vcmask $0x2320;
	vm8 =	vcmask $0x2724;
	vm9 =	vcmask $0x2B28;
	s12 =	smax.u32 s9, $0x1;
	s25 =	simm.s32 $0x11000;
	[dreg:$0xa] =	wrdreg s5  }
0x16: {  	vm10 =	vcmask $0x2F2C;
	vm11 =	vcmask $0x3330;
	vm12 =	vcmask $0x3734;
	s26 =	simm.s32 $0x3;
	s5 =	sadd.s32 s31, s6;
	[dreg:$0xc] =	wrdreg s2  }
0x17: {  	vm13 =	vcmask $0x3B38;
	vm14 =	vcmask $0x3F3C;
	v1 =	vmul.u32 $0x40, v1;
	s10 =	sadd.s32 s4, s6;
	s2 =	simm.s32 $0x0;
	[dreg:$0xb] =	wrdreg s5  }
.LBB2_1:
0x18: {  	s4 =	rddreg [dreg:$0x8]  }
0x19: {  	[tilespmem:s3], [sflag:$0x1] =	stream.linear.gather [hbm4b:s4+s3], $0x800, $0x38;
	[tilespmem:$0x16300] =	vst v63  }
0x1a: {  	s31 =	rddreg [dreg:$0x9];
	s5 =	simm.s32 $0x800  }
0x1b: {  	[tilespmem:s5], [sflag:$0x1] =	stream.linear.gather [hbm4b:s31+s3], $0x800, $0x38;
	[tilespmem:$0x16300] =	vst v63  }
0x1c: {  	s4 =	simm.s32 @!p0 $0x1C06;
	s5 =	rddreg [dreg:$0x7]  }
0x1d: {  	[spmem:s14], [sflag:s4] =	dma.local @!p0 [hbm:s5], $0x4000  }
0x1e: {  	s4 =	simm.s32 @!p0 $0x6  }
0x1f: {  	_ =	swait.ge @!p0 [sflag:s4], $0x4000  }
0x20: {  	[sflag:s4] =	ssyncset.done @!p0 $0x0  }
0x21: {  	s5 =	simm.s32 $0x0;
	[sflag:s4] =	ssyncadd.s32 @!p0 $0xFFFFC000;
	s4 =	simm.s32 $0x40  }
.LBB2_2:
0x22: {  	p1 =	sne.s32 s4, $0x5FC0;
	[tilespmem:s5+$0x11000] =	vst v0;
	s5 =	smov.u32 s4;
	s4 =	sadd.s32 $0x40, s4  }
.Ltmp0:
0x23: {  	(pc) =	sbr.rel @p1 .LBB2_2-.Ltmp0, $2  }
0x24: {  	_ =	sdelay $0x2  }
0x25: {  	s5 =	sshra.s32 s5, $0x2  }
0x26: {  	[tilespmem:s5+$0x11000] =	vst v0  }
0x27: {  	[bflag:$0x0] =	sbarrier.arrive $0xFFFF  }
0x28: {  	_ =	swait.ge [sflag:s15], $0x800  }
0x29: {  	[sflag:s15] =	ssyncset.done $0x0  }
0x2a: {  	[sflag:s15] =	ssyncadd.s32 $0xFFFFF800  }
0x2b: {  	_ =	swait.ge [sflag:s15], $0x800  }
0x2c: {  	[sflag:s15] =	ssyncset.done $0x0  }
0x2d: {  	s13 =	simm.s32 $0x0;
	[sflag:s15] =	ssyncadd.s32 $0xFFFFF800  }
0x2e: {  	[tilespmem:s17], [sflag:$0x2] =	stream.indirect.gather [spmem:s1], $0x40, s13, s16, $0xb8;
	[tilespmem:$0x16300] =	vst v63  }
0x2f: {  	s31 =	simm.s32 $0x5000;
	s4 =	rddreg [dreg:$0xa]  }
0x30: {  	[tilespmem:s31], [sflag:$0x4] =	stream.strided.gather [hbm4b:s4+s18], $0x6000, s19, s18, $0x38;
	[tilespmem:$0x16300] =	vst v63  }
.LBB2_4:
0x31: {  	s4 =	sshllo.u32 s13, $0x1  }
0x32: {  	s5 =	sshll.u32 s4, $0x9;
	s4 =	sadd.s32 s7, s4  }
0x33: {  	s20 =	sshrl.u32 s5, $0x2;
	s4 =	sshll.u32 s4, $0x7  }
0x34: {  	[tilespmem:s21], [sflag:$0x3] =	stream.indirect.gather [spmem:s1], $0x40, s20, s16, $0xb8;
	[tilespmem:$0x16300] =	vst v63  }
0x35: {  	s4 =	sand.u32 $0x1FFFFF80, s4  }
0x36: {  	s4 =	sadd.s32 s0, s4  }
0x37: {  	[tilespmem:s22], [sflag:$0x5] =	stream.strided.gather [hbm4b:s4+s18], $0x6000, s19, s18, $0x38;
	[tilespmem:$0x16300] =	vst v63  }
0x38: {  	_ =	swait.ge [sflag:s23], $0x2000  }
0x39: {  	[sflag:s23] =	ssyncset.done $0x0  }
0x3a: {  	s9 =	sshll.u32 s13, $0x8;
	[sflag:s23] =	ssyncadd.s32 $0xFFFFE000  }
0x3b: {  	s4 =	sand.u32 $0x3FFFFF00, s9;
	_ =	swait.ge [sflag:s24], $0x6000  }
0x3c: {  	s31 =	sshll.u32 s13, $0x1;
	s11 =	sadd.s32 $0x800, s4;
	[sflag:s24] =	ssyncset.done $0x0  }
0x3d: {  	s5 =	simm.s32 $0x0;
	s4 =	simm.s32 $0x5000;
	v2 =	vmov s11;
	[sflag:s24] =	ssyncadd.s32 $0xFFFFA000  }
.LBB2_5:
0x3e: {  	v4 =	vmov s4;
	_ =	sdelay $0x2  }
0x3f: {  	s8 =	sshll.u32 s5, $0x4  }
0x40: {  	s6 =	simm.s32 $0x0;
	v3 =	vld.idx.msk [tilespmem:v2+s8+$0x0 ss:$0x1], $0xffff  }
0x41: {  	v11 =	vld.idx.msk [tilespmem:v4+s6+$0x700 ss:$0x1], $0xffff  }
0x42: {  	v14 =	vld.idx.msk [tilespmem:v4+s6+$0x2700 ss:$0x1], $0xffff  }
0x43: {  	v17 =	vld.idx.msk [tilespmem:v4+s6+$0x4700 ss:$0x1], $0xffff  }
0x44: {  	v19 =	vld.idx.msk [tilespmem:v4+s6+$0x780 ss:$0x1], $0xffff  }
0x45: {  	v23 =	vld.idx.msk [tilespmem:v4+s6+$0x600 ss:$0x1], $0xffff  }
0x46: {  	v36 =	vld.idx.msk [tilespmem:v4+s6+$0x2600 ss:$0x1], $0xffff  }
0x47: {  	v6 =	vld.idx.msk [tilespmem:v4+s6+$0x4600 ss:$0x1], $0xffff  }
0x48: {  	v18 =	vld.idx.msk [tilespmem:v4+s6+$0x680 ss:$0x1], $0xffff  }
0x49: {  	v22 =	vld.idx.msk [tilespmem:v4+s6+$0x500 ss:$0x1], $0xffff  }
0x4a: {  	v16 =	vld.idx.msk [tilespmem:v4+s6+$0x2500 ss:$0x1], $0xffff  }
0x4b: {  	v7 =	vld.idx.msk [tilespmem:v4+s6+$0x4500 ss:$0x1], $0xffff  }
0x4c: {  	v20 =	vld.idx.msk [tilespmem:v4+s6+$0x580 ss:$0x1], $0xffff  }
0x4d: {  	v13 =	vld.idx.msk [tilespmem:v4+s6+$0x400 ss:$0x1], $0xffff  }
0x4e: {  	v25 =	vld.idx.msk [tilespmem:v4+s6+$0x2400 ss:$0x1], $0xffff  }
0x4f: {  	v27 =	vld.idx.msk [tilespmem:v4+s6+$0x4400 ss:$0x1], $0xffff  }
0x50: {  	v24 =	vld.idx.msk [tilespmem:v4+s6+$0x480 ss:$0x1], $0xffff  }
0x51: {  	v37 =	vld.idx.msk [tilespmem:v4+s6+$0x300 ss:$0x1], $0xffff  }
0x52: {  	v21 =	vld.idx.msk [tilespmem:v4+s6+$0x2300 ss:$0x1], $0xffff  }
0x53: {  	v12 =	vld.idx.msk [tilespmem:v4+s6+$0x4300 ss:$0x1], $0xffff  }
0x54: {  	v29 =	vld.idx.msk [tilespmem:v4+s6+$0x380 ss:$0x1], $0xffff  }
0x55: {  	v38 =	vld.idx.msk [tilespmem:v4+s6+$0x200 ss:$0x1], $0xffff  }
0x56: {  	v5 =	vmov s8;
	v32 =	vld.idx.msk [tilespmem:v4+s6+$0x2200 ss:$0x1], $0xffff  }
0x57: {  	v5 =	vshll.u32 v5, $0x6;
	v15 =	vld.idx.msk [tilespmem:v4+s6+$0x4200 ss:$0x1], $0xffff  }
0x58: {  	s11 =	simm.s32 $0x0;
	v8 =	vor.u32 v1, v5;
	v34 =	vld.idx.msk [tilespmem:v4+s6+$0x280 ss:$0x1], $0xffff  }
0x59: {  	v9 =	vor.u32 $0x8, v8;
	v53 =	vor.u32 s11, v8;
	v39 =	vld.idx.msk [tilespmem:v4+s6+$0x100 ss:$0x1], $0xffff  }
0x5a: {  	v33 =	vor.u32 s11, v9;
	v47 =	vld.idx.msk [tilespmem:v4+s6+$0x2100 ss:$0x1], $0xffff  }
0x5b: {  	v31 =	vld.idx.msk [tilespmem:v4+s6+$0x0 ss:$0x1], $0xffff  }
0x5c: {  	v35 =	vld.idx.msk [tilespmem:v4+s6+$0x2000 ss:$0x1], $0xffff;
	v28 =	vor.u32 $0x2, v53  }
0x5d: {  	v41 =	vld.idx.msk [tilespmem:v4+s6+$0x4000 ss:$0x1], $0xffff;
	v5 =	vor.u32 $0x6, v33  }
0x5e: {  	v10 =	vor.u32 $0x7, v33;
	v44 =	vld.idx.msk [tilespmem:v53+s17+$0x0], $0xffff  }
0x5f: {  	v26 =	vor.u32 $0x4, v33;
	v42 =	vld.idx.msk [tilespmem:v33+s17+$0x0], $0xffff  }
0x60: {  	v45 =	vor.u32 $0x4, v53;
	v30 =	vld.idx.msk [tilespmem:v4+s6+$0x4100 ss:$0x1], $0xffff  }
0x61: {  	v28 =	vld.idx.msk [tilespmem:v28+s17+$0x0], $0xffff  }
0x62: {  	v50 =	vor.u32 $0x6, v53;
	v49 =	vor.u32 $0x7, v53;
	v51 =	vor.u32 $0x5, v33;
	v46 =	vld.idx.msk [tilespmem:v5+s17+$0x0], $0xffff  }
0x63: {  	v54 =	vor.u32 $0x2, v33;
	v5 =	vld.idx.msk [tilespmem:v10+s17+$0x0], $0xffff;
	v55 =	vmul.f32 v31, v44;
	v57 =	vmul.f32 v35, v44  }
0x64: {  	v56 =	vor.u32 $0x3, v33;
	v26 =	vld.idx.msk [tilespmem:v26+s17+$0x0], $0xffff;
	v43 =	vmul.f32 v13, v42;
	v40 =	vmul.f32 v25, v42  }
0x65: {  	v48 =	vor.u32 $0x1, v33;
	v31 =	vld.idx.msk [tilespmem:v45+s17+$0x0], $0xffff;
	v13 =	vmul.f32 v27, v42;
	v27 =	vmul.f32 v41, v44  }
0x66: {  	v10 =	vimm.f32 $0.0e+00;
	v45 =	vld.idx.msk [tilespmem:v4+s6+$0x180 ss:$0x1], $0xffff;
	v52 =	vmul.f32 v39, v28;
	v47 =	vmul.f32 v47, v28  }
0x67: {  	v35 =	vld.idx.msk [tilespmem:v50+s17+$0x0], $0xffff;
	v50 =	vor.u32 $0x5, v53;
	v42 =	vmul.f32 v11, v46;
	v33 =	vmul.f32 v14, v46  }
0x68: {  	v11 =	vmul.f32 v17, v46;
	v25 =	vmul.f32 v19, v5;
	v14 =	vld.idx.msk [tilespmem:v51+s17+$0x0], $0xffff;
	v51 =	vor.u32 $0x3, v53  }
0x69: {  	v41 =	vld.idx.msk [tilespmem:v54+s17+$0x0], $0xffff;
	v44 =	vmul.f32 v23, v26;
	v55 =	vadd.f32 v55, v10;
	v46 =	vadd.f32 v57, v10  }
0x6a: {  	v39 =	vld.idx.msk [tilespmem:v4+s6+$0x80 ss:$0x1], $0xffff;
	v53 =	vor.u32 $0x1, v53;
	v23 =	vimm.f32 $0.0e+00;
	v17 =	vimm.f32 $0.0e+00  }
0x6b: {  	s9 =	simm.s32 $0x2000;
	s8 =	simm.s32 $0x0;
	v19 =	vld.idx.msk [tilespmem:v56+s17+$0x0], $0xffff;
	v54 =	vmul.f32 v38, v31;
	v38 =	vmul.f32 v36, v26;
	v36 =	vimm.f32 $0.0e+00  }
.LBB2_6:
0x6c: {  	p1 =	sne.s32 s9, $0x6000;
	v52 =	vadd.f32 v52, v55;
	v46 =	vadd.f32 v47, v46;
	v32 =	vmul.f32 v32, v31;
	v47 =	vld.idx.msk [tilespmem:v48+s17+$0x0], $0xffff  }
0x6d: {  	v37 =	vmul.f32 v37, v35;
	v6 =	vmul.f32 v6, v26;
	v48 =	vld.idx.msk [tilespmem:v49+s17+$0x0], $0xffff  }
0x6e: {  	v21 =	vmul.f32 v21, v35;
	v26 =	vld.idx.msk [tilespmem:v4+s6+$0x2080 ss:$0x1], $0xffff;
	v49 =	vadd.f32 v54, v52;
	v32 =	vadd.f32 v32, v46  }
0x6f: {  	v18 =	vmul.f32 v18, v14;
	v22 =	vmul.f32 v22, v41;
	v46 =	vld.idx.msk [tilespmem:v50+s17+$0x0], $0xffff  }
0x70: {  	v16 =	vmul.f32 v16, v41;
	v50 =	vld.idx.msk [tilespmem:v51+s17+$0x0], $0xffff;
	v37 =	vadd.f32 v37, v49;
	v21 =	vadd.f32 v21, v32  }
0x71: {  	v7 =	vmul.f32 v7, v41;
	v20 =	vmul.f32 v20, v19;
	v32 =	vld.idx.msk [tilespmem:v53+s17+$0x0], $0xffff  }
0x72: {  	v24 =	vmul.f32 v24, v47;
	v41 =	vld.idx.msk [tilespmem:v4+s6+$0x4080 ss:$0x1], $0xffff;
	v37 =	vadd.f32 v43, v37;
	v21 =	vadd.f32 v40, v21  }
0x73: {  	v12 =	vmul.f32 v12, v35;
	v29 =	vmul.f32 v29, v48;
	v40 =	vld.idx.msk [tilespmem:v4+s6+$0x2180 ss:$0x1], $0xffff  }
0x74: {  	v15 =	vmul.f32 v15, v31;
	v35 =	vld.idx.msk [tilespmem:v4+s6+$0x4180 ss:$0x1], $0xffff;
	v22 =	vadd.f32 v22, v37;
	v16 =	vadd.f32 v16, v21  }
0x75: {  	v21 =	vmul.f32 v30, v28;
	v28 =	vmul.f32 v34, v46;
	v30 =	vld.idx.msk [tilespmem:v4+s6+$0x2280 ss:$0x1], $0xffff  }
0x76: {  	v31 =	vmul.f32 v45, v50;
	v34 =	vld.idx.msk [tilespmem:v4+s6+$0x4280 ss:$0x1], $0xffff;
	v22 =	vadd.f32 v44, v22;
	v16 =	vadd.f32 v38, v16  }
0x77: {  	v37 =	vmul.f32 v39, v32;
	v26 =	vmul.f32 v26, v32;
	v43 =	vld.idx.msk [tilespmem:v4+s6+$0x2380 ss:$0x1], $0xffff  }
0x78: {  	v32 =	vmul.f32 v41, v32;
	v41 =	vld.idx.msk [tilespmem:v4+s6+$0x4380 ss:$0x1], $0xffff;
	v38 =	vadd.f32 v42, v22;
	v39 =	vadd.f32 v33, v16  }
0x79: {  	v10 =	vadd.f32 v27, v10;
	v16 =	vadd.f32 v37, v36;
	v22 =	vmul.f32 v40, v50;
	v27 =	vld.idx.msk [tilespmem:v4+s6+$0x2480 ss:$0x1], $0xffff  }
0x7a: {  	v23 =	vadd.f32 v26, v23;
	v17 =	vadd.f32 v32, v17;
	v26 =	vmul.f32 v35, v50;
	v32 =	vld.idx.msk [tilespmem:v4+s6+$0x4480 ss:$0x1], $0xffff  }
0x7b: {  	v10 =	vadd.f32 v21, v10;
	v16 =	vadd.f32 v31, v16;
	v21 =	vmul.f32 v30, v46;
	v30 =	vld.idx.msk [tilespmem:v4+s6+$0x2580 ss:$0x1], $0xffff  }
0x7c: {  	v22 =	vadd.f32 v22, v23;
	v17 =	vadd.f32 v26, v17;
	v23 =	vmul.f32 v34, v46;
	v26 =	vld.idx.msk [tilespmem:v4+s6+$0x4580 ss:$0x1], $0xffff  }
0x7d: {  	v10 =	vadd.f32 v15, v10;
	v15 =	vadd.f32 v28, v16;
	v16 =	vmul.f32 v43, v48;
	v28 =	vld.idx.msk [tilespmem:v4+s6+$0x2680 ss:$0x1], $0xffff  }
0x7e: {  	v21 =	vadd.f32 v21, v22;
	v17 =	vadd.f32 v23, v17;
	v22 =	vmul.f32 v41, v48;
	v23 =	vld.idx.msk [tilespmem:v4+s6+$0x4680 ss:$0x1], $0xffff  }
0x7f: {  	v10 =	vadd.f32 v12, v10;
	v12 =	vadd.f32 v29, v15;
	v15 =	vmul.f32 v27, v47;
	v27 =	vld.idx.msk [tilespmem:v4+s6+$0x2780 ss:$0x1], $0xffff  }
0x80: {  	v16 =	vadd.f32 v16, v21;
	v17 =	vadd.f32 v22, v17;
	v21 =	vmul.f32 v32, v47;
	v22 =	vld.idx.msk [tilespmem:v4+s6+$0x4780 ss:$0x1], $0xffff;
	s6 =	sshra.s32 s9, $0x2  }
0x81: {  	v10 =	vadd.f32 v13, v10;
	v12 =	vadd.f32 v24, v12;
	v13 =	vmul.f32 v30, v19;
	v33 =	vld.idx.msk [tilespmem:v4+s6+$0x700 ss:$0x1], $0xffff  }
0x82: {  	v15 =	vadd.f32 v15, v16;
	v16 =	vadd.f32 v21, v17;
	v17 =	vmul.f32 v26, v19;
	v41 =	vld.idx.msk [tilespmem:v4+s6+$0x2700 ss:$0x1], $0xffff  }
0x83: {  	v7 =	vadd.f32 v7, v10;
	v10 =	vadd.f32 v20, v12;
	v12 =	vmul.f32 v28, v14;
	v19 =	vld.idx.msk [tilespmem:v4+s6+$0x4700 ss:$0x1], $0xffff  }
0x84: {  	v13 =	vadd.f32 v13, v15;
	v15 =	vadd.f32 v17, v16;
	v14 =	vmul.f32 v23, v14;
	v44 =	vld.idx.msk [tilespmem:v4+s6+$0x780 ss:$0x1], $0xffff  }
0x85: {  	v7 =	vadd.f32 v6, v7;
	v16 =	vadd.f32 v18, v10;
	v17 =	vmul.f32 v27, v5;
	v46 =	vld.idx.msk [tilespmem:v4+s6+$0x600 ss:$0x1], $0xffff  }
0x86: {  	v12 =	vadd.f32 v12, v13;
	v13 =	vadd.f32 v14, v15;
	v5 =	vmul.f32 v22, v5;
	v56 =	vld.idx.msk [tilespmem:v4+s6+$0x2600 ss:$0x1], $0xffff  }
0x87: {  	v10 =	vadd.f32 v11, v7;
	v36 =	vadd.f32 v25, v16;
	v6 =	vld.idx.msk [tilespmem:v4+s6+$0x4600 ss:$0x1], $0xffff  }
0x88: {  	v23 =	vadd.f32 v17, v12;
	v17 =	vadd.f32 v5, v13;
	v18 =	vld.idx.msk [tilespmem:v4+s6+$0x680 ss:$0x1], $0xffff  }
0x89: {  	v22 =	vld.idx.msk [tilespmem:v4+s6+$0x500 ss:$0x1], $0xffff  }
0x8a: {  	v16 =	vld.idx.msk [tilespmem:v4+s6+$0x2500 ss:$0x1], $0xffff  }
0x8b: {  	v7 =	vld.idx.msk [tilespmem:v4+s6+$0x4500 ss:$0x1], $0xffff  }
0x8c: {  	v20 =	vld.idx.msk [tilespmem:v4+s6+$0x580 ss:$0x1], $0xffff  }
0x8d: {  	v11 =	vld.idx.msk [tilespmem:v4+s6+$0x400 ss:$0x1], $0xffff  }
0x8e: {  	v13 =	vld.idx.msk [tilespmem:v4+s6+$0x2400 ss:$0x1], $0xffff  }
0x8f: {  	v14 =	vld.idx.msk [tilespmem:v4+s6+$0x4400 ss:$0x1], $0xffff  }
0x90: {  	v24 =	vld.idx.msk [tilespmem:v4+s6+$0x480 ss:$0x1], $0xffff  }
0x91: {  	v37 =	vld.idx.msk [tilespmem:v4+s6+$0x300 ss:$0x1], $0xffff  }
0x92: {  	v21 =	vld.idx.msk [tilespmem:v4+s6+$0x2300 ss:$0x1], $0xffff  }
0x93: {  	v12 =	vld.idx.msk [tilespmem:v4+s6+$0x4300 ss:$0x1], $0xffff  }
0x94: {  	v29 =	vld.idx.msk [tilespmem:v4+s6+$0x380 ss:$0x1], $0xffff  }
0x95: {  	v54 =	vld.idx.msk [tilespmem:v4+s6+$0x200 ss:$0x1], $0xffff  }
0x96: {  	v32 =	vld.idx.msk [tilespmem:v4+s6+$0x2200 ss:$0x1], $0xffff  }
0x97: {  	s8 =	sadd.s32 $0x1, s8;
	v15 =	vld.idx.msk [tilespmem:v4+s6+$0x4200 ss:$0x1], $0xffff  }
0x98: {  	s11 =	sshll.u32 s8, $0x4;
	v34 =	vld.idx.msk [tilespmem:v4+s6+$0x280 ss:$0x1], $0xffff  }
0x99: {  	v25 =	vor.u32 s11, v9;
	v47 =	vld.idx.msk [tilespmem:v4+s6+$0x100 ss:$0x1], $0xffff  }
0x9a: {  	v53 =	vor.u32 s11, v8;
	v57 =	vld.idx.msk [tilespmem:v4+s6+$0x2100 ss:$0x1], $0xffff  }
0x9b: {  	v5 =	vor.u32 $0x6, v25;
	v27 =	vld.idx.msk [tilespmem:v4+s6+$0x0 ss:$0x1], $0xffff  }
0x9c: {  	v26 =	vor.u32 $0x7, v25;
	v35 =	vld.idx.msk [tilespmem:v4+s6+$0x2000 ss:$0x1], $0xffff  }
0x9d: {  	v28 =	vor.u32 $0x4, v25;
	v42 =	vld.idx.msk [tilespmem:v4+s6+$0x4000 ss:$0x1], $0xffff  }
0x9e: {  	v30 =	vor.u32 $0x2, v53;
	v45 =	vld.idx.msk [tilespmem:v25+s17+$0x0], $0xffff  }
0x9f: {  	v48 =	vld.idx.msk [tilespmem:v53+s17+$0x0], $0xffff  }
0xa0: {  	v31 =	vor.u32 $0x4, v53;
	v51 =	vld.idx.msk [tilespmem:v5+s17+$0x0], $0xffff  }
0xa1: {  	v5 =	vld.idx.msk [tilespmem:v26+s17+$0x0], $0xffff  }
0xa2: {  	v49 =	vor.u32 $0x6, v53;
	v26 =	vld.idx.msk [tilespmem:v28+s17+$0x0], $0xffff  }
0xa3: {  	v52 =	vor.u32 $0x5, v25;
	v28 =	vld.idx.msk [tilespmem:v30+s17+$0x0], $0xffff  }
0xa4: {  	v55 =	vor.u32 $0x2, v25;
	v43 =	vmul.f32 v11, v45;
	v40 =	vmul.f32 v13, v45;
	v30 =	vld.idx.msk [tilespmem:v4+s6+$0x4100 ss:$0x1], $0xffff  }
0xa5: {  	v59 =	vor.u32 $0x3, v25;
	v13 =	vmul.f32 v14, v45;
	v58 =	vmul.f32 v27, v48;
	v31 =	vld.idx.msk [tilespmem:v31+s17+$0x0], $0xffff  }
0xa6: {  	v60 =	vmul.f32 v35, v48;
	v27 =	vmul.f32 v42, v48;
	v48 =	vor.u32 $0x1, v25;
	v45 =	vld.idx.msk [tilespmem:v4+s6+$0x180 ss:$0x1], $0xffff  }
.Ltmp1:
0xa7: {  	v42 =	vmul.f32 v33, v51;
	v33 =	vmul.f32 v41, v51;
	v35 =	vld.idx.msk [tilespmem:v49+s17+$0x0], $0xffff;
	v49 =	vor.u32 $0x7, v53;
	(pc) =	sbr.rel @p1 .LBB2_6-.Ltmp1, $4  }
0xa8: {  	v50 =	vor.u32 $0x5, v53;
	v11 =	vmul.f32 v19, v51;
	v25 =	vmul.f32 v44, v5;
	v14 =	vld.idx.msk [tilespmem:v52+s17+$0x0], $0xffff  }
0xa9: {  	v51 =	vor.u32 $0x3, v53;
	v44 =	vmul.f32 v46, v26;
	v52 =	vmul.f32 v47, v28;
	v41 =	vld.idx.msk [tilespmem:v55+s17+$0x0], $0xffff  }
0xaa: {  	v46 =	vadd.f32 v60, v39;
	v47 =	vmul.f32 v57, v28;
	v55 =	vadd.f32 v58, v38;
	v39 =	vld.idx.msk [tilespmem:v4+s6+$0x80 ss:$0x1], $0xffff  }
0xab: {  	s9 =	sadd.s32 $0x2000, s9;
	v53 =	vor.u32 $0x1, v53;
	v38 =	vmul.f32 v56, v26;
	v54 =	vmul.f32 v54, v31;
	v19 =	vld.idx.msk [tilespmem:v59+s17+$0x0], $0xffff  }
0xac: {  	_ =	sdelay $0x3  }
0xad: {  	v8 =	vld.idx.msk [tilespmem:v53+s17+$0x0], $0xffff;
	_ =	sdelay $0x1  }
0xae: {  	v9 =	vld.idx.msk [tilespmem:v51+s17+$0x0], $0xffff;
	_ =	sdelay $0x1  }
0xaf: {  	v50 =	vld.idx.msk [tilespmem:v50+s17+$0x0], $0xffff  }
0xb0: {  	v39 =	vmul.f32 v39, v8  }
0xb1: {  	v49 =	vld.idx.msk [tilespmem:v49+s17+$0x0], $0xffff  }
0xb2: {  	v45 =	vmul.f32 v45, v9;
	v36 =	vadd.f32 v39, v36  }
0xb3: {  	v39 =	vld.idx.msk [tilespmem:v48+s17+$0x0], $0xffff  }
0xb4: {  	v61 =	vadd.f32 v52, v55;
	v62 =	vld.idx.msk [tilespmem:v4+s6+$0x2080 ss:$0x1], $0xffff;
	v34 =	vmul.f32 v34, v50;
	v36 =	vadd.f32 v45, v36  }
0xb5: {  	v37 =	vmul.f32 v37, v35;
	v63 =	vld.idx.msk [tilespmem:v4+s6+$0x2180 ss:$0x1], $0xffff  }
0xb6: {  	v56 =	vld.idx.msk [tilespmem:v4+s6+$0x2280 ss:$0x1], $0xffff;
	v29 =	vmul.f32 v29, v49;
	v48 =	vadd.f32 v54, v61;
	v34 =	vadd.f32 v34, v36  }
0xb7: {  	v57 =	vld.idx.msk [tilespmem:v4+s6+$0x2380 ss:$0x1], $0xffff  }
0xb8: {  	v58 =	vld.idx.msk [tilespmem:v4+s6+$0x2480 ss:$0x1], $0xffff;
	v37 =	vadd.f32 v37, v48;
	v24 =	vmul.f32 v24, v39;
	v29 =	vadd.f32 v29, v34  }
0xb9: {  	v59 =	vld.idx.msk [tilespmem:v4+s6+$0x2580 ss:$0x1], $0xffff;
	v22 =	vmul.f32 v22, v41  }
0xba: {  	v60 =	vld.idx.msk [tilespmem:v4+s6+$0x2680 ss:$0x1], $0xffff;
	v20 =	vmul.f32 v20, v19;
	v37 =	vadd.f32 v43, v37;
	v24 =	vadd.f32 v24, v29  }
0xbb: {  	v61 =	vld.idx.msk [tilespmem:v4+s6+$0x2780 ss:$0x1], $0xffff  }
0xbc: {  	v18 =	vmul.f32 v18, v14;
	v45 =	vld.idx.msk [tilespmem:v4+s6+$0x4080 ss:$0x1], $0xffff;
	v22 =	vadd.f32 v22, v37;
	v20 =	vadd.f32 v20, v24  }
0xbd: {  	v36 =	vld.idx.msk [tilespmem:v4+s6+$0x4180 ss:$0x1], $0xffff  }
0xbe: {  	v34 =	vld.idx.msk [tilespmem:v4+s6+$0x4280 ss:$0x1], $0xffff;
	v22 =	vadd.f32 v44, v22;
	v18 =	vadd.f32 v18, v20  }
0xbf: {  	v29 =	vld.idx.msk [tilespmem:v4+s6+$0x4380 ss:$0x1], $0xffff  }
0xc0: {  	v51 =	vmul.f32 v62, v8;
	v24 =	vld.idx.msk [tilespmem:v4+s6+$0x4480 ss:$0x1], $0xffff;
	v22 =	vadd.f32 v42, v22;
	v18 =	vadd.f32 v25, v18  }
0xc1: {  	v20 =	vld.idx.msk [tilespmem:v4+s6+$0x4580 ss:$0x1], $0xffff  }
0xc2: {  	v52 =	vmul.f32 v63, v9;
	v23 =	vadd.f32 v51, v23;
	v25 =	vld.idx.msk [tilespmem:v4+s6+$0x4680 ss:$0x1], $0xffff;
	v18 =	vadd.f32 v18, v22  }
0xc3: {  	v32 =	vmul.f32 v32, v31;
	v62 =	vadd.f32 v47, v46;
	v4 =	vld.idx.msk [tilespmem:v4+s6+$0x4780 ss:$0x1], $0xffff  }
0xc4: {  	v63 =	vmul.f32 v56, v50;
	v23 =	vadd.f32 v52, v23;
	[tilespmem:v3+s25+$0x0] =	vst.idx.add.f32.msk $0x1, v18  }
0xc5: {  	v21 =	vmul.f32 v21, v35;
	v47 =	vmul.f32 v57, v49;
	[tilespmem:v3+s25+$0x0] =	vst.idx.add.f32.msk vm0, v18  }
0xc6: {  	v23 =	vadd.f32 v63, v23;
	v22 =	vadd.f32 v32, v62;
	[tilespmem:v3+s25+$0x0] =	vst.idx.add.f32.msk vm1, v18  }
0xc7: {  	v48 =	vmul.f32 v58, v39;
	[tilespmem:v3+s25+$0x0] =	vst.idx.add.f32.msk vm2, v18  }
0xc8: {  	v23 =	vadd.f32 v47, v23;
	v21 =	vadd.f32 v21, v22;
	[tilespmem:v3+s25+$0x0] =	vst.idx.add.f32.msk vm3, v18  }
0xc9: {  	v16 =	vmul.f32 v16, v41;
	v52 =	vmul.f32 v59, v19;
	[tilespmem:v3+s25+$0x0] =	vst.idx.add.f32.msk vm4, v18  }
0xca: {  	v22 =	vadd.f32 v48, v23;
	v21 =	vadd.f32 v40, v21;
	[tilespmem:v3+s25+$0x0] =	vst.idx.add.f32.msk vm5, v18  }
0xcb: {  	v53 =	vmul.f32 v60, v14;
	[tilespmem:v3+s25+$0x0] =	vst.idx.add.f32.msk vm6, v18  }
0xcc: {  	v22 =	vadd.f32 v52, v22;
	v16 =	vadd.f32 v16, v21;
	[tilespmem:v3+s25+$0x0] =	vst.idx.add.f32.msk vm7, v18  }
0xcd: {  	v54 =	vmul.f32 v61, v5;
	[tilespmem:v3+s25+$0x0] =	vst.idx.add.f32.msk vm8, v18  }
0xce: {  	v21 =	vadd.f32 v53, v22;
	v16 =	vadd.f32 v38, v16;
	[tilespmem:v3+s25+$0x0] =	vst.idx.add.f32.msk vm9, v18  }
0xcf: {  	v55 =	vmul.f32 v30, v28;
	v56 =	vadd.s32 $0x800, v3;
	v8 =	vmul.f32 v45, v8;
	[tilespmem:v3+s25+$0x0] =	vst.idx.add.f32.msk vm10, v18  }
0xd0: {  	v21 =	vadd.f32 v54, v21;
	v16 =	vadd.f32 v33, v16;
	[tilespmem:v3+s25+$0x0] =	vst.idx.add.f32.msk vm11, v18  }
0xd1: {  	v10 =	vadd.f32 v27, v10;
	v8 =	vadd.f32 v8, v17;
	[tilespmem:v3+s25+$0x0] =	vst.idx.add.f32.msk vm12, v18  }
0xd2: {  	v9 =	vmul.f32 v36, v9;
	v16 =	vadd.f32 v21, v16;
	[tilespmem:v3+s25+$0x0] =	vst.idx.add.f32.msk vm13, v18  }
0xd3: {  	v15 =	vmul.f32 v15, v31;
	v10 =	vadd.f32 v55, v10;
	[tilespmem:v3+s25+$0x0] =	vst.idx.add.f32.msk vm14, v18  }
0xd4: {  	v8 =	vadd.f32 v9, v8;
	v57 =	vmul.f32 v34, v50;
	[tilespmem:v56+s25+$0x0] =	vst.idx.add.f32.msk $0x1, v16  }
0xd5: {  	v12 =	vmul.f32 v12, v35;
	v10 =	vadd.f32 v15, v10;
	[tilespmem:v56+s25+$0x0] =	vst.idx.add.f32.msk vm0, v16  }
0xd6: {  	v8 =	vadd.f32 v57, v8;
	v58 =	vmul.f32 v29, v49;
	[tilespmem:v56+s25+$0x0] =	vst.idx.add.f32.msk vm1, v16  }
0xd7: {  	v10 =	vadd.f32 v12, v10;
	[tilespmem:v56+s25+$0x0] =	vst.idx.add.f32.msk vm2, v16  }
0xd8: {  	v8 =	vadd.f32 v58, v8;
	v59 =	vmul.f32 v24, v39;
	[tilespmem:v56+s25+$0x0] =	vst.idx.add.f32.msk vm3, v16  }
0xd9: {  	v7 =	vmul.f32 v7, v41;
	v10 =	vadd.f32 v13, v10;
	[tilespmem:v56+s25+$0x0] =	vst.idx.add.f32.msk vm4, v16  }
0xda: {  	v8 =	vadd.f32 v59, v8;
	v60 =	vmul.f32 v20, v19;
	[tilespmem:v56+s25+$0x0] =	vst.idx.add.f32.msk vm5, v16  }
0xdb: {  	v6 =	vmul.f32 v6, v26;
	v7 =	vadd.f32 v7, v10;
	[tilespmem:v56+s25+$0x0] =	vst.idx.add.f32.msk vm6, v16  }
0xdc: {  	v8 =	vadd.f32 v60, v8;
	v61 =	vmul.f32 v25, v14;
	[tilespmem:v56+s25+$0x0] =	vst.idx.add.f32.msk vm7, v16  }
0xdd: {  	v6 =	vadd.f32 v6, v7;
	[tilespmem:v56+s25+$0x0] =	vst.idx.add.f32.msk vm8, v16  }
0xde: {  	v4 =	vmul.f32 v4, v5;
	v62 =	vadd.f32 v61, v8;
	[tilespmem:v56+s25+$0x0] =	vst.idx.add.f32.msk vm9, v16  }
0xdf: {  	v3 =	vadd.s32 $0x1000, v3;
	[tilespmem:v56+s25+$0x0] =	vst.idx.add.f32.msk vm10, v16  }
0xe0: {  	v63 =	vadd.f32 v11, v6;
	v4 =	vadd.f32 v4, v62;
	[tilespmem:v56+s25+$0x0] =	vst.idx.add.f32.msk vm11, v16  }
0xe1: {  	[tilespmem:v56+s25+$0x0] =	vst.idx.add.f32.msk vm12, v16  }
0xe2: {  	v4 =	vadd.f32 v4, v63;
	[tilespmem:v56+s25+$0x0] =	vst.idx.add.f32.msk vm13, v16  }
0xe3: {  	[tilespmem:v56+s25+$0x0] =	vst.idx.add.f32.msk vm14, v16  }
0xe4: {  	[tilespmem:v3+s25+$0x0] =	vst.idx.add.f32.msk $0x1, v4  }
0xe5: {  	[tilespmem:v3+s25+$0x0] =	vst.idx.add.f32.msk vm0, v4  }
0xe6: {  	[tilespmem:v3+s25+$0x0] =	vst.idx.add.f32.msk vm1, v4  }
0xe7: {  	[tilespmem:v3+s25+$0x0] =	vst.idx.add.f32.msk vm2, v4  }
0xe8: {  	[tilespmem:v3+s25+$0x0] =	vst.idx.add.f32.msk vm3, v4  }
0xe9: {  	[tilespmem:v3+s25+$0x0] =	vst.idx.add.f32.msk vm4, v4  }
0xea: {  	[tilespmem:v3+s25+$0x0] =	vst.idx.add.f32.msk vm5, v4  }
0xeb: {  	[tilespmem:v3+s25+$0x0] =	vst.idx.add.f32.msk vm6, v4  }
0xec: {  	[tilespmem:v3+s25+$0x0] =	vst.idx.add.f32.msk vm7, v4  }
0xed: {  	s5 =	sadd.s32 $0x1, s5;
	[tilespmem:v3+s25+$0x0] =	vst.idx.add.f32.msk vm8, v4  }
0xee: {  	p1 =	sne.s32 s5, $0x8;
	[tilespmem:v3+s25+$0x0] =	vst.idx.add.f32.msk vm9, v4  }
.Ltmp2:
0xef: {  	[tilespmem:v3+s25+$0x0] =	vst.idx.add.f32.msk vm10, v4;
	(pc) =	sbr.rel @p1 .LBB2_5-.Ltmp2, $4  }
0xf0: {  	[tilespmem:v3+s25+$0x0] =	vst.idx.add.f32.msk vm11, v4  }
0xf1: {  	[tilespmem:v3+s25+$0x0] =	vst.idx.add.f32.msk vm12, v4  }
0xf2: {  	[tilespmem:v3+s25+$0x0] =	vst.idx.add.f32.msk vm13, v4  }
0xf3: {  	s4 =	sadd.s32 $0x10, s4;
	[tilespmem:v3+s25+$0x0] =	vst.idx.add.f32.msk vm14, v4  }
0xf4: {  	p1 =	seq.s32 s13, $0x7  }
0xf5: {  	s4 =	sadd.s32 @!p1 $0x2, s31  }
0xf6: {  	s6 =	simm.s32 @!p1 $0x80;
	s5 =	sshll.u32 @!p1 s4, $0x7;
	s4 =	sadd.s32 @!p1 s7, s4  }
0xf7: {  	s8 =	simm.s32 @!p1 $0x1000;
	s5 =	sand.u32 @!p1 $0x3FFFFF80, s5;
	s4 =	sshll.u32 @!p1 s4, $0x7  }
0xf8: {  	[tilespmem:s8], [sflag:$0x2] =	stream.indirect.gather @!p1 [spmem:s1], $0x40, s5, s6, $0xb8;
	[tilespmem:$0x16300] =	vst v63  }
0xf9: {  	s4 =	sand.u32 @!p1 $0x1FFFFF00, s4;
	s5 =	simm.s32 @!p1 $0x400  }
0xfa: {  	s6 =	simm.s32 @!p1 $0x80000;
	s8 =	simm.s32 @!p1 $0x5000;
	s4 =	sadd.s32 @!p1 s0, s4  }
0xfb: {  	[tilespmem:s8], [sflag:$0x4] =	stream.strided.gather @!p1 [hbm4b:s4+s5], $0x6000, s6, s5, $0x38;
	[tilespmem:$0x16300] =	vst v63  }
0xfc: {  	_ =	swait.ge [sflag:s26], $0x2000  }
0xfd: {  	[sflag:s26] =	ssyncset.done $0x0  }
0xfe: {  	[sflag:s26] =	ssyncadd.s32 $0xFFFFE000  }
0xff: {  	_ =	swait.ge [sflag:s28], $0x6000  }
0x100: {  	s31 =	sadd.s32 $0x800, s20;
	[sflag:s28] =	ssyncset.done $0x0  }
0x101: {  	s20 =	simm.s32 $0x5000;
	v2 =	vmov s31;
	s4 =	simm.s32 $0x0;
	[sflag:s28] =	ssyncadd.s32 $0xFFFFA000  }
.LBB2_9:
0x102: {  	v4 =	vmov s20;
	_ =	sdelay $0x2  }
0x103: {  	s6 =	sshll.u32 s4, $0x4  }
0x104: {  	s5 =	simm.s32 $0x0;
	v3 =	vld.idx.msk [tilespmem:v2+s6+$0x0 ss:$0x1], $0xffff  }
0x105: {  	v11 =	vld.idx.msk [tilespmem:v4+s5+$0x6700 ss:$0x1], $0xffff  }
0x106: {  	v14 =	vld.idx.msk [tilespmem:v4+s5+$0x8700 ss:$0x1], $0xffff  }
0x107: {  	v17 =	vld.idx.msk [tilespmem:v4+s5+$0xA700 ss:$0x1], $0xffff  }
0x108: {  	v19 =	vld.idx.msk [tilespmem:v4+s5+$0x6780 ss:$0x1], $0xffff  }
0x109: {  	v23 =	vld.idx.msk [tilespmem:v4+s5+$0x6600 ss:$0x1], $0xffff  }
0x10a: {  	v35 =	vld.idx.msk [tilespmem:v4+s5+$0x8600 ss:$0x1], $0xffff  }
0x10b: {  	v6 =	vld.idx.msk [tilespmem:v4+s5+$0xA600 ss:$0x1], $0xffff  }
0x10c: {  	v18 =	vld.idx.msk [tilespmem:v4+s5+$0x6680 ss:$0x1], $0xffff  }
0x10d: {  	v22 =	vld.idx.msk [tilespmem:v4+s5+$0x6500 ss:$0x1], $0xffff  }
0x10e: {  	v16 =	vld.idx.msk [tilespmem:v4+s5+$0x8500 ss:$0x1], $0xffff  }
0x10f: {  	v7 =	vld.idx.msk [tilespmem:v4+s5+$0xA500 ss:$0x1], $0xffff  }
0x110: {  	v20 =	vld.idx.msk [tilespmem:v4+s5+$0x6580 ss:$0x1], $0xffff  }
0x111: {  	v13 =	vld.idx.msk [tilespmem:v4+s5+$0x6400 ss:$0x1], $0xffff  }
0x112: {  	v25 =	vld.idx.msk [tilespmem:v4+s5+$0x8400 ss:$0x1], $0xffff  }
0x113: {  	v27 =	vld.idx.msk [tilespmem:v4+s5+$0xA400 ss:$0x1], $0xffff  }
0x114: {  	v24 =	vld.idx.msk [tilespmem:v4+s5+$0x6480 ss:$0x1], $0xffff  }
0x115: {  	v37 =	vld.idx.msk [tilespmem:v4+s5+$0x6300 ss:$0x1], $0xffff  }
0x116: {  	v21 =	vld.idx.msk [tilespmem:v4+s5+$0x8300 ss:$0x1], $0xffff  }
0x117: {  	v12 =	vld.idx.msk [tilespmem:v4+s5+$0xA300 ss:$0x1], $0xffff  }
0x118: {  	v29 =	vld.idx.msk [tilespmem:v4+s5+$0x6380 ss:$0x1], $0xffff  }
0x119: {  	v38 =	vld.idx.msk [tilespmem:v4+s5+$0x6200 ss:$0x1], $0xffff  }
0x11a: {  	v5 =	vmov s6;
	v32 =	vld.idx.msk [tilespmem:v4+s5+$0x8200 ss:$0x1], $0xffff  }
0x11b: {  	v5 =	vshll.u32 v5, $0x6;
	v15 =	vld.idx.msk [tilespmem:v4+s5+$0xA200 ss:$0x1], $0xffff  }
0x11c: {  	s31 =	simm.s32 $0x0;
	v8 =	vor.u32 v1, v5;
	v34 =	vld.idx.msk [tilespmem:v4+s5+$0x6280 ss:$0x1], $0xffff  }
0x11d: {  	v9 =	vor.u32 $0x8, v8;
	v53 =	vor.u32 s31, v8;
	v39 =	vld.idx.msk [tilespmem:v4+s5+$0x6100 ss:$0x1], $0xffff  }
0x11e: {  	v33 =	vor.u32 s31, v9;
	v47 =	vld.idx.msk [tilespmem:v4+s5+$0x8100 ss:$0x1], $0xffff  }
0x11f: {  	v31 =	vld.idx.msk [tilespmem:v4+s5+$0x6000 ss:$0x1], $0xffff  }
0x120: {  	v36 =	vld.idx.msk [tilespmem:v4+s5+$0x8000 ss:$0x1], $0xffff;
	v28 =	vor.u32 $0x2, v53  }
0x121: {  	v41 =	vld.idx.msk [tilespmem:v4+s5+$0xA000 ss:$0x1], $0xffff;
	v5 =	vor.u32 $0x6, v33  }
0x122: {  	v10 =	vor.u32 $0x7, v33;
	v44 =	vld.idx.msk [tilespmem:v53+s21+$0x0], $0xffff  }
0x123: {  	v26 =	vor.u32 $0x4, v33;
	v42 =	vld.idx.msk [tilespmem:v33+s21+$0x0], $0xffff  }
0x124: {  	v45 =	vor.u32 $0x4, v53;
	v30 =	vld.idx.msk [tilespmem:v4+s5+$0xA100 ss:$0x1], $0xffff  }
0x125: {  	v28 =	vld.idx.msk [tilespmem:v28+s21+$0x0], $0xffff  }
0x126: {  	v50 =	vor.u32 $0x6, v53;
	v49 =	vor.u32 $0x7, v53;
	v51 =	vor.u32 $0x5, v33;
	v46 =	vld.idx.msk [tilespmem:v5+s21+$0x0], $0xffff  }
0x127: {  	v54 =	vor.u32 $0x2, v33;
	v5 =	vld.idx.msk [tilespmem:v10+s21+$0x0], $0xffff;
	v55 =	vmul.f32 v31, v44;
	v57 =	vmul.f32 v36, v44  }
0x128: {  	v56 =	vor.u32 $0x3, v33;
	v26 =	vld.idx.msk [tilespmem:v26+s21+$0x0], $0xffff;
	v43 =	vmul.f32 v13, v42;
	v40 =	vmul.f32 v25, v42  }
0x129: {  	v48 =	vor.u32 $0x1, v33;
	v31 =	vld.idx.msk [tilespmem:v45+s21+$0x0], $0xffff;
	v13 =	vmul.f32 v27, v42;
	v27 =	vmul.f32 v41, v44  }
0x12a: {  	v10 =	vimm.f32 $0.0e+00;
	v45 =	vld.idx.msk [tilespmem:v4+s5+$0x6180 ss:$0x1], $0xffff;
	v52 =	vmul.f32 v39, v28;
	v47 =	vmul.f32 v47, v28  }
0x12b: {  	v36 =	vld.idx.msk [tilespmem:v50+s21+$0x0], $0xffff;
	v50 =	vor.u32 $0x5, v53;
	v42 =	vmul.f32 v11, v46;
	v33 =	vmul.f32 v14, v46  }
0x12c: {  	v11 =	vmul.f32 v17, v46;
	v25 =	vmul.f32 v19, v5;
	v14 =	vld.idx.msk [tilespmem:v51+s21+$0x0], $0xffff;
	v51 =	vor.u32 $0x3, v53  }
0x12d: {  	v41 =	vld.idx.msk [tilespmem:v54+s21+$0x0], $0xffff;
	v44 =	vmul.f32 v23, v26;
	v55 =	vadd.f32 v55, v10;
	v46 =	vadd.f32 v57, v10  }
0x12e: {  	v39 =	vld.idx.msk [tilespmem:v4+s5+$0x6080 ss:$0x1], $0xffff;
	v53 =	vor.u32 $0x1, v53;
	v23 =	vimm.f32 $0.0e+00;
	v17 =	vimm.f32 $0.0e+00  }
0x12f: {  	s8 =	simm.s32 $0x0;
	s6 =	simm.s32 $0x2000;
	v19 =	vld.idx.msk [tilespmem:v56+s21+$0x0], $0xffff;
	v54 =	vmul.f32 v38, v31;
	v38 =	vmul.f32 v35, v26;
	v35 =	vimm.f32 $0.0e+00  }
.LBB2_10:
0x130: {  	p1 =	sne.s32 s6, $0x6000;
	v52 =	vadd.f32 v52, v55;
	v46 =	vadd.f32 v47, v46;
	v32 =	vmul.f32 v32, v31;
	v47 =	vld.idx.msk [tilespmem:v48+s21+$0x0], $0xffff  }
0x131: {  	v37 =	vmul.f32 v37, v36;
	v6 =	vmul.f32 v6, v26;
	v48 =	vld.idx.msk [tilespmem:v49+s21+$0x0], $0xffff  }
0x132: {  	v21 =	vmul.f32 v21, v36;
	v26 =	vld.idx.msk [tilespmem:v4+s5+$0x8080 ss:$0x1], $0xffff;
	v49 =	vadd.f32 v54, v52;
	v32 =	vadd.f32 v32, v46  }
0x133: {  	v18 =	vmul.f32 v18, v14;
	v22 =	vmul.f32 v22, v41;
	v46 =	vld.idx.msk [tilespmem:v50+s21+$0x0], $0xffff  }
0x134: {  	v16 =	vmul.f32 v16, v41;
	v50 =	vld.idx.msk [tilespmem:v51+s21+$0x0], $0xffff;
	v37 =	vadd.f32 v37, v49;
	v21 =	vadd.f32 v21, v32  }
0x135: {  	v7 =	vmul.f32 v7, v41;
	v20 =	vmul.f32 v20, v19;
	v32 =	vld.idx.msk [tilespmem:v53+s21+$0x0], $0xffff  }
0x136: {  	v24 =	vmul.f32 v24, v47;
	v41 =	vld.idx.msk [tilespmem:v4+s5+$0xA080 ss:$0x1], $0xffff;
	v37 =	vadd.f32 v43, v37;
	v21 =	vadd.f32 v40, v21  }
0x137: {  	v12 =	vmul.f32 v12, v36;
	v29 =	vmul.f32 v29, v48;
	v40 =	vld.idx.msk [tilespmem:v4+s5+$0x8180 ss:$0x1], $0xffff  }
0x138: {  	v15 =	vmul.f32 v15, v31;
	v36 =	vld.idx.msk [tilespmem:v4+s5+$0xA180 ss:$0x1], $0xffff;
	v22 =	vadd.f32 v22, v37;
	v16 =	vadd.f32 v16, v21  }
0x139: {  	v21 =	vmul.f32 v30, v28;
	v28 =	vmul.f32 v34, v46;
	v30 =	vld.idx.msk [tilespmem:v4+s5+$0x8280 ss:$0x1], $0xffff  }
0x13a: {  	v31 =	vmul.f32 v45, v50;
	v34 =	vld.idx.msk [tilespmem:v4+s5+$0xA280 ss:$0x1], $0xffff;
	v22 =	vadd.f32 v44, v22;
	v16 =	vadd.f32 v38, v16  }
0x13b: {  	v37 =	vmul.f32 v39, v32;
	v26 =	vmul.f32 v26, v32;
	v43 =	vld.idx.msk [tilespmem:v4+s5+$0x8380 ss:$0x1], $0xffff  }
0x13c: {  	v32 =	vmul.f32 v41, v32;
	v41 =	vld.idx.msk [tilespmem:v4+s5+$0xA380 ss:$0x1], $0xffff;
	v38 =	vadd.f32 v42, v22;
	v39 =	vadd.f32 v33, v16  }
0x13d: {  	v10 =	vadd.f32 v27, v10;
	v16 =	vadd.f32 v37, v35;
	v22 =	vmul.f32 v40, v50;
	v27 =	vld.idx.msk [tilespmem:v4+s5+$0x8480 ss:$0x1], $0xffff  }
0x13e: {  	v23 =	vadd.f32 v26, v23;
	v17 =	vadd.f32 v32, v17;
	v26 =	vmul.f32 v36, v50;
	v32 =	vld.idx.msk [tilespmem:v4+s5+$0xA480 ss:$0x1], $0xffff  }
0x13f: {  	v10 =	vadd.f32 v21, v10;
	v16 =	vadd.f32 v31, v16;
	v21 =	vmul.f32 v30, v46;
	v30 =	vld.idx.msk [tilespmem:v4+s5+$0x8580 ss:$0x1], $0xffff  }
0x140: {  	v22 =	vadd.f32 v22, v23;
	v17 =	vadd.f32 v26, v17;
	v23 =	vmul.f32 v34, v46;
	v26 =	vld.idx.msk [tilespmem:v4+s5+$0xA580 ss:$0x1], $0xffff  }
0x141: {  	v10 =	vadd.f32 v15, v10;
	v15 =	vadd.f32 v28, v16;
	v16 =	vmul.f32 v43, v48;
	v28 =	vld.idx.msk [tilespmem:v4+s5+$0x8680 ss:$0x1], $0xffff  }
0x142: {  	v21 =	vadd.f32 v21, v22;
	v17 =	vadd.f32 v23, v17;
	v22 =	vmul.f32 v41, v48;
	v23 =	vld.idx.msk [tilespmem:v4+s5+$0xA680 ss:$0x1], $0xffff  }
0x143: {  	v10 =	vadd.f32 v12, v10;
	v12 =	vadd.f32 v29, v15;
	v15 =	vmul.f32 v27, v47;
	v27 =	vld.idx.msk [tilespmem:v4+s5+$0x8780 ss:$0x1], $0xffff  }
0x144: {  	v16 =	vadd.f32 v16, v21;
	v17 =	vadd.f32 v22, v17;
	v21 =	vmul.f32 v32, v47;
	v22 =	vld.idx.msk [tilespmem:v4+s5+$0xA780 ss:$0x1], $0xffff;
	s5 =	sshra.s32 s6, $0x2  }
0x145: {  	v10 =	vadd.f32 v13, v10;
	v12 =	vadd.f32 v24, v12;
	v13 =	vmul.f32 v30, v19;
	v33 =	vld.idx.msk [tilespmem:v4+s5+$0x6700 ss:$0x1], $0xffff  }
0x146: {  	v15 =	vadd.f32 v15, v16;
	v16 =	vadd.f32 v21, v17;
	v17 =	vmul.f32 v26, v19;
	v41 =	vld.idx.msk [tilespmem:v4+s5+$0x8700 ss:$0x1], $0xffff  }
0x147: {  	v7 =	vadd.f32 v7, v10;
	v10 =	vadd.f32 v20, v12;
	v12 =	vmul.f32 v28, v14;
	v19 =	vld.idx.msk [tilespmem:v4+s5+$0xA700 ss:$0x1], $0xffff  }
0x148: {  	v13 =	vadd.f32 v13, v15;
	v15 =	vadd.f32 v17, v16;
	v14 =	vmul.f32 v23, v14;
	v44 =	vld.idx.msk [tilespmem:v4+s5+$0x6780 ss:$0x1], $0xffff  }
0x149: {  	v7 =	vadd.f32 v6, v7;
	v16 =	vadd.f32 v18, v10;
	v17 =	vmul.f32 v27, v5;
	v46 =	vld.idx.msk [tilespmem:v4+s5+$0x6600 ss:$0x1], $0xffff  }
0x14a: {  	v12 =	vadd.f32 v12, v13;
	v13 =	vadd.f32 v14, v15;
	v5 =	vmul.f32 v22, v5;
	v56 =	vld.idx.msk [tilespmem:v4+s5+$0x8600 ss:$0x1], $0xffff  }
0x14b: {  	v10 =	vadd.f32 v11, v7;
	v35 =	vadd.f32 v25, v16;
	v6 =	vld.idx.msk [tilespmem:v4+s5+$0xA600 ss:$0x1], $0xffff  }
0x14c: {  	v23 =	vadd.f32 v17, v12;
	v17 =	vadd.f32 v5, v13;
	v18 =	vld.idx.msk [tilespmem:v4+s5+$0x6680 ss:$0x1], $0xffff  }
0x14d: {  	v22 =	vld.idx.msk [tilespmem:v4+s5+$0x6500 ss:$0x1], $0xffff  }
0x14e: {  	v16 =	vld.idx.msk [tilespmem:v4+s5+$0x8500 ss:$0x1], $0xffff  }
0x14f: {  	v7 =	vld.idx.msk [tilespmem:v4+s5+$0xA500 ss:$0x1], $0xffff  }
0x150: {  	v20 =	vld.idx.msk [tilespmem:v4+s5+$0x6580 ss:$0x1], $0xffff  }
0x151: {  	v11 =	vld.idx.msk [tilespmem:v4+s5+$0x6400 ss:$0x1], $0xffff  }
0x152: {  	v13 =	vld.idx.msk [tilespmem:v4+s5+$0x8400 ss:$0x1], $0xffff  }
0x153: {  	v14 =	vld.idx.msk [tilespmem:v4+s5+$0xA400 ss:$0x1], $0xffff  }
0x154: {  	v24 =	vld.idx.msk [tilespmem:v4+s5+$0x6480 ss:$0x1], $0xffff  }
0x155: {  	v37 =	vld.idx.msk [tilespmem:v4+s5+$0x6300 ss:$0x1], $0xffff  }
0x156: {  	v21 =	vld.idx.msk [tilespmem:v4+s5+$0x8300 ss:$0x1], $0xffff  }
0x157: {  	v12 =	vld.idx.msk [tilespmem:v4+s5+$0xA300 ss:$0x1], $0xffff  }
0x158: {  	v29 =	vld.idx.msk [tilespmem:v4+s5+$0x6380 ss:$0x1], $0xffff  }
0x159: {  	v54 =	vld.idx.msk [tilespmem:v4+s5+$0x6200 ss:$0x1], $0xffff  }
0x15a: {  	v32 =	vld.idx.msk [tilespmem:v4+s5+$0x8200 ss:$0x1], $0xffff  }
0x15b: {  	s8 =	sadd.s32 $0x1, s8;
	v15 =	vld.idx.msk [tilespmem:v4+s5+$0xA200 ss:$0x1], $0xffff  }
0x15c: {  	s9 =	sshll.u32 s8, $0x4;
	v34 =	vld.idx.msk [tilespmem:v4+s5+$0x6280 ss:$0x1], $0xffff  }
0x15d: {  	v25 =	vor.u32 s9, v9;
	v47 =	vld.idx.msk [tilespmem:v4+s5+$0x6100 ss:$0x1], $0xffff  }
0x15e: {  	v53 =	vor.u32 s9, v8;
	v57 =	vld.idx.msk [tilespmem:v4+s5+$0x8100 ss:$0x1], $0xffff  }
0x15f: {  	v5 =	vor.u32 $0x6, v25;
	v27 =	vld.idx.msk [tilespmem:v4+s5+$0x6000 ss:$0x1], $0xffff  }
0x160: {  	v26 =	vor.u32 $0x7, v25;
	v36 =	vld.idx.msk [tilespmem:v4+s5+$0x8000 ss:$0x1], $0xffff  }
0x161: {  	v28 =	vor.u32 $0x4, v25;
	v42 =	vld.idx.msk [tilespmem:v4+s5+$0xA000 ss:$0x1], $0xffff  }
0x162: {  	v30 =	vor.u32 $0x2, v53;
	v45 =	vld.idx.msk [tilespmem:v25+s21+$0x0], $0xffff  }
0x163: {  	v48 =	vld.idx.msk [tilespmem:v53+s21+$0x0], $0xffff  }
0x164: {  	v31 =	vor.u32 $0x4, v53;
	v51 =	vld.idx.msk [tilespmem:v5+s21+$0x0], $0xffff  }
0x165: {  	v5 =	vld.idx.msk [tilespmem:v26+s21+$0x0], $0xffff  }
0x166: {  	v49 =	vor.u32 $0x6, v53;
	v26 =	vld.idx.msk [tilespmem:v28+s21+$0x0], $0xffff  }
0x167: {  	v52 =	vor.u32 $0x5, v25;
	v28 =	vld.idx.msk [tilespmem:v30+s21+$0x0], $0xffff  }
0x168: {  	v55 =	vor.u32 $0x2, v25;
	v43 =	vmul.f32 v11, v45;
	v40 =	vmul.f32 v13, v45;
	v30 =	vld.idx.msk [tilespmem:v4+s5+$0xA100 ss:$0x1], $0xffff  }
0x169: {  	v59 =	vor.u32 $0x3, v25;
	v13 =	vmul.f32 v14, v45;
	v58 =	vmul.f32 v27, v48;
	v31 =	vld.idx.msk [tilespmem:v31+s21+$0x0], $0xffff  }
0x16a: {  	v60 =	vmul.f32 v36, v48;
	v27 =	vmul.f32 v42, v48;
	v48 =	vor.u32 $0x1, v25;
	v45 =	vld.idx.msk [tilespmem:v4+s5+$0x6180 ss:$0x1], $0xffff  }
.Ltmp3:
0x16b: {  	v42 =	vmul.f32 v33, v51;
	v33 =	vmul.f32 v41, v51;
	v36 =	vld.idx.msk [tilespmem:v49+s21+$0x0], $0xffff;
	v49 =	vor.u32 $0x7, v53;
	(pc) =	sbr.rel @p1 .LBB2_10-.Ltmp3, $4  }
0x16c: {  	v50 =	vor.u32 $0x5, v53;
	v11 =	vmul.f32 v19, v51;
	v25 =	vmul.f32 v44, v5;
	v14 =	vld.idx.msk [tilespmem:v52+s21+$0x0], $0xffff  }
0x16d: {  	v51 =	vor.u32 $0x3, v53;
	v44 =	vmul.f32 v46, v26;
	v52 =	vmul.f32 v47, v28;
	v41 =	vld.idx.msk [tilespmem:v55+s21+$0x0], $0xffff  }
0x16e: {  	v46 =	vadd.f32 v60, v39;
	v47 =	vmul.f32 v57, v28;
	v55 =	vadd.f32 v58, v38;
	v39 =	vld.idx.msk [tilespmem:v4+s5+$0x6080 ss:$0x1], $0xffff  }
0x16f: {  	s6 =	sadd.s32 $0x2000, s6;
	v53 =	vor.u32 $0x1, v53;
	v38 =	vmul.f32 v56, v26;
	v54 =	vmul.f32 v54, v31;
	v19 =	vld.idx.msk [tilespmem:v59+s21+$0x0], $0xffff  }
0x170: {  	_ =	sdelay $0x3  }
0x171: {  	v8 =	vld.idx.msk [tilespmem:v53+s21+$0x0], $0xffff;
	_ =	sdelay $0x1  }
0x172: {  	v9 =	vld.idx.msk [tilespmem:v51+s21+$0x0], $0xffff;
	_ =	sdelay $0x1  }
0x173: {  	v50 =	vld.idx.msk [tilespmem:v50+s21+$0x0], $0xffff  }
0x174: {  	v39 =	vmul.f32 v39, v8  }
0x175: {  	v49 =	vld.idx.msk [tilespmem:v49+s21+$0x0], $0xffff  }
0x176: {  	v45 =	vmul.f32 v45, v9;
	v35 =	vadd.f32 v39, v35  }
0x177: {  	v39 =	vld.idx.msk [tilespmem:v48+s21+$0x0], $0xffff  }
0x178: {  	v61 =	vadd.f32 v52, v55;
	v62 =	vld.idx.msk [tilespmem:v4+s5+$0x8080 ss:$0x1], $0xffff;
	v34 =	vmul.f32 v34, v50;
	v35 =	vadd.f32 v45, v35  }
0x179: {  	v37 =	vmul.f32 v37, v36;
	v63 =	vld.idx.msk [tilespmem:v4+s5+$0x8180 ss:$0x1], $0xffff  }
0x17a: {  	v56 =	vld.idx.msk [tilespmem:v4+s5+$0x8280 ss:$0x1], $0xffff;
	v29 =	vmul.f32 v29, v49;
	v48 =	vadd.f32 v54, v61;
	v34 =	vadd.f32 v34, v35  }
0x17b: {  	v57 =	vld.idx.msk [tilespmem:v4+s5+$0x8380 ss:$0x1], $0xffff  }
0x17c: {  	v58 =	vld.idx.msk [tilespmem:v4+s5+$0x8480 ss:$0x1], $0xffff;
	v37 =	vadd.f32 v37, v48;
	v24 =	vmul.f32 v24, v39;
	v29 =	vadd.f32 v29, v34  }
0x17d: {  	v59 =	vld.idx.msk [tilespmem:v4+s5+$0x8580 ss:$0x1], $0xffff;
	v22 =	vmul.f32 v22, v41  }
0x17e: {  	v60 =	vld.idx.msk [tilespmem:v4+s5+$0x8680 ss:$0x1], $0xffff;
	v20 =	vmul.f32 v20, v19;
	v37 =	vadd.f32 v43, v37;
	v24 =	vadd.f32 v24, v29  }
0x17f: {  	v61 =	vld.idx.msk [tilespmem:v4+s5+$0x8780 ss:$0x1], $0xffff  }
0x180: {  	v18 =	vmul.f32 v18, v14;
	v45 =	vld.idx.msk [tilespmem:v4+s5+$0xA080 ss:$0x1], $0xffff;
	v22 =	vadd.f32 v22, v37;
	v20 =	vadd.f32 v20, v24  }
0x181: {  	v35 =	vld.idx.msk [tilespmem:v4+s5+$0xA180 ss:$0x1], $0xffff  }
0x182: {  	v34 =	vld.idx.msk [tilespmem:v4+s5+$0xA280 ss:$0x1], $0xffff;
	v22 =	vadd.f32 v44, v22;
	v18 =	vadd.f32 v18, v20  }
0x183: {  	v29 =	vld.idx.msk [tilespmem:v4+s5+$0xA380 ss:$0x1], $0xffff  }
0x184: {  	v51 =	vmul.f32 v62, v8;
	v24 =	vld.idx.msk [tilespmem:v4+s5+$0xA480 ss:$0x1], $0xffff;
	v22 =	vadd.f32 v42, v22;
	v18 =	vadd.f32 v25, v18  }
0x185: {  	v20 =	vld.idx.msk [tilespmem:v4+s5+$0xA580 ss:$0x1], $0xffff  }
0x186: {  	v52 =	vmul.f32 v63, v9;
	v23 =	vadd.f32 v51, v23;
	v25 =	vld.idx.msk [tilespmem:v4+s5+$0xA680 ss:$0x1], $0xffff;
	v18 =	vadd.f32 v18, v22  }
0x187: {  	v32 =	vmul.f32 v32, v31;
	v62 =	vadd.f32 v47, v46;
	v4 =	vld.idx.msk [tilespmem:v4+s5+$0xA780 ss:$0x1], $0xffff  }
0x188: {  	v63 =	vmul.f32 v56, v50;
	v23 =	vadd.f32 v52, v23;
	[tilespmem:v3+s25+$0x0] =	vst.idx.add.f32.msk $0x1, v18  }
0x189: {  	v21 =	vmul.f32 v21, v36;
	v47 =	vmul.f32 v57, v49;
	[tilespmem:v3+s25+$0x0] =	vst.idx.add.f32.msk vm0, v18  }
0x18a: {  	v23 =	vadd.f32 v63, v23;
	v22 =	vadd.f32 v32, v62;
	[tilespmem:v3+s25+$0x0] =	vst.idx.add.f32.msk vm1, v18  }
0x18b: {  	v48 =	vmul.f32 v58, v39;
	[tilespmem:v3+s25+$0x0] =	vst.idx.add.f32.msk vm2, v18  }
0x18c: {  	v23 =	vadd.f32 v47, v23;
	v21 =	vadd.f32 v21, v22;
	[tilespmem:v3+s25+$0x0] =	vst.idx.add.f32.msk vm3, v18  }
0x18d: {  	v16 =	vmul.f32 v16, v41;
	v52 =	vmul.f32 v59, v19;
	[tilespmem:v3+s25+$0x0] =	vst.idx.add.f32.msk vm4, v18  }
0x18e: {  	v22 =	vadd.f32 v48, v23;
	v21 =	vadd.f32 v40, v21;
	[tilespmem:v3+s25+$0x0] =	vst.idx.add.f32.msk vm5, v18  }
0x18f: {  	v53 =	vmul.f32 v60, v14;
	[tilespmem:v3+s25+$0x0] =	vst.idx.add.f32.msk vm6, v18  }
0x190: {  	v22 =	vadd.f32 v52, v22;
	v16 =	vadd.f32 v16, v21;
	[tilespmem:v3+s25+$0x0] =	vst.idx.add.f32.msk vm7, v18  }
0x191: {  	v54 =	vmul.f32 v61, v5;
	[tilespmem:v3+s25+$0x0] =	vst.idx.add.f32.msk vm8, v18  }
0x192: {  	v21 =	vadd.f32 v53, v22;
	v16 =	vadd.f32 v38, v16;
	[tilespmem:v3+s25+$0x0] =	vst.idx.add.f32.msk vm9, v18  }
0x193: {  	v55 =	vmul.f32 v30, v28;
	v56 =	vadd.s32 $0x800, v3;
	v8 =	vmul.f32 v45, v8;
	[tilespmem:v3+s25+$0x0] =	vst.idx.add.f32.msk vm10, v18  }
0x194: {  	v21 =	vadd.f32 v54, v21;
	v16 =	vadd.f32 v33, v16;
	[tilespmem:v3+s25+$0x0] =	vst.idx.add.f32.msk vm11, v18  }
0x195: {  	v10 =	vadd.f32 v27, v10;
	v8 =	vadd.f32 v8, v17;
	[tilespmem:v3+s25+$0x0] =	vst.idx.add.f32.msk vm12, v18  }
0x196: {  	v9 =	vmul.f32 v35, v9;
	v16 =	vadd.f32 v21, v16;
	[tilespmem:v3+s25+$0x0] =	vst.idx.add.f32.msk vm13, v18  }
0x197: {  	v15 =	vmul.f32 v15, v31;
	v10 =	vadd.f32 v55, v10;
	[tilespmem:v3+s25+$0x0] =	vst.idx.add.f32.msk vm14, v18  }
0x198: {  	v8 =	vadd.f32 v9, v8;
	v57 =	vmul.f32 v34, v50;
	[tilespmem:v56+s25+$0x0] =	vst.idx.add.f32.msk $0x1, v16  }
0x199: {  	v12 =	vmul.f32 v12, v36;
	v10 =	vadd.f32 v15, v10;
	[tilespmem:v56+s25+$0x0] =	vst.idx.add.f32.msk vm0, v16  }
0x19a: {  	v8 =	vadd.f32 v57, v8;
	v58 =	vmul.f32 v29, v49;
	[tilespmem:v56+s25+$0x0] =	vst.idx.add.f32.msk vm1, v16  }
0x19b: {  	v10 =	vadd.f32 v12, v10;
	[tilespmem:v56+s25+$0x0] =	vst.idx.add.f32.msk vm2, v16  }
0x19c: {  	v8 =	vadd.f32 v58, v8;
	v59 =	vmul.f32 v24, v39;
	[tilespmem:v56+s25+$0x0] =	vst.idx.add.f32.msk vm3, v16  }
0x19d: {  	v7 =	vmul.f32 v7, v41;
	v10 =	vadd.f32 v13, v10;
	[tilespmem:v56+s25+$0x0] =	vst.idx.add.f32.msk vm4, v16  }
0x19e: {  	v8 =	vadd.f32 v59, v8;
	v60 =	vmul.f32 v20, v19;
	[tilespmem:v56+s25+$0x0] =	vst.idx.add.f32.msk vm5, v16  }
0x19f: {  	v6 =	vmul.f32 v6, v26;
	v7 =	vadd.f32 v7, v10;
	[tilespmem:v56+s25+$0x0] =	vst.idx.add.f32.msk vm6, v16  }
0x1a0: {  	v8 =	vadd.f32 v60, v8;
	v61 =	vmul.f32 v25, v14;
	[tilespmem:v56+s25+$0x0] =	vst.idx.add.f32.msk vm7, v16  }
0x1a1: {  	v6 =	vadd.f32 v6, v7;
	[tilespmem:v56+s25+$0x0] =	vst.idx.add.f32.msk vm8, v16  }
0x1a2: {  	v4 =	vmul.f32 v4, v5;
	v62 =	vadd.f32 v61, v8;
	[tilespmem:v56+s25+$0x0] =	vst.idx.add.f32.msk vm9, v16  }
0x1a3: {  	v3 =	vadd.s32 $0x1000, v3;
	[tilespmem:v56+s25+$0x0] =	vst.idx.add.f32.msk vm10, v16  }
0x1a4: {  	v63 =	vadd.f32 v11, v6;
	v4 =	vadd.f32 v4, v62;
	[tilespmem:v56+s25+$0x0] =	vst.idx.add.f32.msk vm11, v16  }
0x1a5: {  	[tilespmem:v56+s25+$0x0] =	vst.idx.add.f32.msk vm12, v16  }
0x1a6: {  	v4 =	vadd.f32 v4, v63;
	[tilespmem:v56+s25+$0x0] =	vst.idx.add.f32.msk vm13, v16  }
0x1a7: {  	[tilespmem:v56+s25+$0x0] =	vst.idx.add.f32.msk vm14, v16  }
0x1a8: {  	[tilespmem:v3+s25+$0x0] =	vst.idx.add.f32.msk $0x1, v4  }
0x1a9: {  	[tilespmem:v3+s25+$0x0] =	vst.idx.add.f32.msk vm0, v4  }
0x1aa: {  	[tilespmem:v3+s25+$0x0] =	vst.idx.add.f32.msk vm1, v4  }
0x1ab: {  	[tilespmem:v3+s25+$0x0] =	vst.idx.add.f32.msk vm2, v4  }
0x1ac: {  	[tilespmem:v3+s25+$0x0] =	vst.idx.add.f32.msk vm3, v4  }
0x1ad: {  	[tilespmem:v3+s25+$0x0] =	vst.idx.add.f32.msk vm4, v4  }
0x1ae: {  	[tilespmem:v3+s25+$0x0] =	vst.idx.add.f32.msk vm5, v4  }
0x1af: {  	[tilespmem:v3+s25+$0x0] =	vst.idx.add.f32.msk vm6, v4  }
0x1b0: {  	[tilespmem:v3+s25+$0x0] =	vst.idx.add.f32.msk vm7, v4  }
0x1b1: {  	s4 =	sadd.s32 $0x1, s4;
	[tilespmem:v3+s25+$0x0] =	vst.idx.add.f32.msk vm8, v4  }
0x1b2: {  	p1 =	sne.s32 s4, $0x8;
	[tilespmem:v3+s25+$0x0] =	vst.idx.add.f32.msk vm9, v4  }
.Ltmp4:
0x1b3: {  	[tilespmem:v3+s25+$0x0] =	vst.idx.add.f32.msk vm10, v4;
	(pc) =	sbr.rel @p1 .LBB2_9-.Ltmp4, $4  }
0x1b4: {  	[tilespmem:v3+s25+$0x0] =	vst.idx.add.f32.msk vm11, v4  }
0x1b5: {  	[tilespmem:v3+s25+$0x0] =	vst.idx.add.f32.msk vm12, v4  }
0x1b6: {  	[tilespmem:v3+s25+$0x0] =	vst.idx.add.f32.msk vm13, v4  }
0x1b7: {  	s20 =	sadd.s32 $0x10, s20;
	[tilespmem:v3+s25+$0x0] =	vst.idx.add.f32.msk vm14, v4  }
0x1b8: {  	s13 =	sadd.s32 $0x1, s13  }
0x1b9: {  	p1 =	sne.s32 s13, $0x8  }
.Ltmp5:
0x1ba: {  	_ = 	snop;
	(pc) =	sbr.rel @p1 .LBB2_4-.Ltmp5, $1  }
0x1bb: {  	_ =	sdelay $0x3  }
0x1bc: {  	s4 =	rddreg [dreg:$0xb]  }
0x1bd: {  	[spmem:s4] =	stream.linear.scatter [tilespmem:s25], [sflag:$0x6], $0x1800, $0x38;
	[tilespmem:$0x16300] =	vst v63  }
0x1be: {  	_ =	swait.ge [sflag:s29], $0x1800  }
0x1bf: {  	[sflag:s29] =	ssyncset.done $0x0  }
0x1c0: {  	[sflag:s29] =	ssyncadd.s32 $0xFFFFE800  }
0x1c1: {  	[bflag:$0x0] =	sbarrier.arrive $0xFFFF  }
0x1c2: {  	[tilespmem:$0x12980] =	vst v0  }
0x1c3: {  	[tilespmem:$0x12990] =	vst v0  }
0x1c4: {  	[tilespmem:$0x129A0] =	vst v0  }
0x1c5: {  	[tilespmem:$0x129B0] =	vst v0  }
0x1c6: {  	[tilespmem:$0x129C0] =	vst v0  }
0x1c7: {  	[tilespmem:$0x129D0] =	vst v0  }
0x1c8: {  	[tilespmem:$0x129E0] =	vst v0  }
0x1c9: {  	[tilespmem:$0x129F0] =	vst v0  }
0x1ca: {  	[tilespmem:$0x12A00] =	vst v0  }
0x1cb: {  	[tilespmem:$0x12A10] =	vst v0  }
0x1cc: {  	[tilespmem:$0x12A20] =	vst v0  }
0x1cd: {  	[tilespmem:$0x12A30] =	vst v0  }
0x1ce: {  	[tilespmem:$0x12A40] =	vst v0  }
0x1cf: {  	[tilespmem:$0x12A50] =	vst v0  }
0x1d0: {  	[tilespmem:$0x12A60] =	vst v0  }
0x1d1: {  	[tilespmem:$0x12A70] =	vst v0  }
0x1d2: {  	[tilespmem:$0x12A80] =	vst v0  }
0x1d3: {  	[tilespmem:$0x12A90] =	vst v0  }
0x1d4: {  	[tilespmem:$0x12AA0] =	vst v0  }
0x1d5: {  	[tilespmem:$0x12AB0] =	vst v0  }
0x1d6: {  	[tilespmem:$0x12AC0] =	vst v0  }
0x1d7: {  	[tilespmem:$0x12AD0] =	vst v0  }
0x1d8: {  	[tilespmem:$0x12AE0] =	vst v0  }
0x1d9: {  	s4 =	simm.s32 $0x0;
	[tilespmem:$0x12AF0] =	vst v0  }
.LBB2_14:
0x1da: {  	s5 =	smul.u32 $0x6000, s4;
	_ =	sdelay $0x1  }
0x1db: {  	s5 =	sshra.s32 s5, $0x2  }
0x1dc: {  	s5 =	sadd.s32 s5, s10  }
0x1dd: {  	[tilespmem:s30], [sflag:$0x6] =	stream.linear.gather [spmem:s5], $0x180, $0x38;
	[tilespmem:$0x16300] =	vst v63  }
0x1de: {  	_ =	swait.ge [sflag:s29], $0x180  }
0x1df: {  	[sflag:s29] =	ssyncset.done $0x0  }
0x1e0: {  	s5 =	simm.s32 $0x0;
	[sflag:s29] =	ssyncadd.s32 $0xFFFFFE80  }
0x1e1: {  	s6 =	simm.s32 $0x40;
	v2 =	vld [tilespmem:s5+$0x12800]  }
.LBB2_15:
0x1e2: {  	p1 =	sne.s32 s6, $0x5C0;
	v3 =	vld [tilespmem:s5+$0x12980];
	_ =	sdelay $0x2  }
.Ltmp6:
0x1e3: {  	(pc) =	sbr.rel @p1 .LBB2_15-.Ltmp6, $4  }
0x1e4: {  	_ = 	snop  }
0x1e5: {  	v3 =	vadd.f32 v2, v3  }
0x1e6: {  	s8 =	sshra.s32 s6, $0x2  }
0x1e7: {  	s6 =	sadd.s32 $0x40, s6;
	v2 =	vld [tilespmem:s8+$0x12800];
	[tilespmem:s5+$0x12980] =	vst v3;
	s5 =	smov.u32 s8  }
0x1e8: {  	v3 =	vld [tilespmem:s5+$0x12980]  }
0x1e9: {  	s4 =	sadd.s32 $0x1, s4  }
0x1ea: {  	p1 =	sne.s32 s4, $0x10  }
.Ltmp7:
0x1eb: {  	_ = 	snop;
	(pc) =	sbr.rel @p1 .LBB2_14-.Ltmp7, $3  }
0x1ec: {  	_ = 	snop  }
0x1ed: {  	v2 =	vadd.f32 v2, v3;
	_ =	sdelay $0x1  }
0x1ee: {  	[tilespmem:s5+$0x12980] =	vst v2  }
0x1ef: {  	s2 =	sadd.s32 $0x1, s2  }
0x1f0: {  	p1 =	sne.s32 s2, s12  }
.Ltmp8:
0x1f1: {  	s4 =	rddreg [dreg:$0xc];
	s5 =	simm.s32 $0x12980;
	(pc) =	sbr.rel @p1 .LBB2_1-.Ltmp8, $4  }
0x1f2: {  	[hbm4b:s4+s3] =	stream.linear.scatter [tilespmem:s5], [sflag:$0x6], $0x180, $0x38;
	[tilespmem:$0x16300] =	vst v63  }
0x1f3: {  	_ =	swait.ge [sflag:s29], $0x180  }
0x1f4: {  	[sflag:s29] =	ssyncset.done $0x0  }
0x1f5: {  	[sflag:s29] =	ssyncadd.s32 $0xFFFFFE80  }
0x1f6: {  	_ =	sfence.sel $0x180000  }
0x1f7: {  	[bflag:$0x0] =	sbarrier.arrive $0xFFFF  }
0x1f8: {  	_ =	strace $0x90000047  }
0x1f9: {  	[bflag:$0x2] =	sbarrier.arrive $0xFFFF  }
0x1fa: {  	s0 =	rddreg [dreg:$0x6]  }
0x1fb: {  	s0 =	sadd.s32 @!p0 $0x100000, s0  }
0x1fc: {  	[sflag:s0] =	ssyncadd.tile.s32 @!p0 $0x1;
	_ =	shalt  }
.Lfunc_end2:
_tile_overlayer_lowered:
.L_overlay_start_2:
0x1fd: {  	(tag) =	ssettag $0x2  }
0x1fe: {  	s0 =	rddreg [dreg:$0x0];
	s2 =	stileid.u32  }
0x1ff: {  	s1 =	rddreg [dreg:$0x1];
	p0 =	sne.s32 s2, $0x0  }
0x200: {  	s3 =	rddreg [dreg:$0x2];
	[bflag:$0x3] =	sbarrier.arrive $0xFFFF;
	s2 =	simm.s32 @!p0 $0x1C06  }
0x201: {  	[timem:s3], [sflag:s2] =	dma.local @!p0 [hbm:s0], s1  }
0x202: {  	s0 =	simm.s32 @!p0 $0x6  }
0x203: {  	_ =	swait.ge @!p0 [sflag:s0], s1  }
0x204: {  	s1 =	ssub.s32 @!p0 $0x0, s1;
	[sflag:s0] =	ssyncset.done @!p0 $0x0  }
0x205: {  	[sflag:s0] =	ssyncadd.s32 @!p0 s1  }
0x206: {  	[bflag:$0x3] =	sbarrier.arrive $0xFFFF  }
0x207: {  	_ =	shalt  }

</sc_bundles>
